<compile_context>
chip_gen: v7x
topology: tpu7x:2x2x1
jax: 0.10.2.dev20260603
libtpu: 0.0.44.dev20260713+nightly
codegen_flags: <defaults>
</compile_context>

<pallas_src>
import functools

import jax
import jax.numpy as jnp
from jax import lax
from jax.experimental import pallas as pl
from jax.experimental.pallas import tpu as pltpu
from jax.experimental.pallas import tpu_sc as plsc

CAP = 100000
NREC = 5000
K = 80
DOBS = 50
BATCH = 4096

ROWS_PER_BLK = 512
NPAD = 5120
WSTART = CAP - NPAD
PADF = NPAD - NREC
D64 = 64


def _mm_thresh_body(c_ref, pc_ref, u_ref, t_ref):
    deltas = jax.lax.dot_general(
        c_ref[...], pc_ref[...], (((1,), (1,)), ((), ())),
        preferred_element_type=jnp.float32)
    s = jax.lax.bitcast_convert_type(deltas, jnp.int32)
    u = jnp.where(s < 0, ~s, s | jnp.int32(-2147483648)).astype(jnp.uint32)
    col = jax.lax.broadcasted_iota(jnp.int32, u.shape, 1)
    u = jnp.where(col >= PADF, u, jnp.uint32(0))
    u_ref[...] = jax.lax.bitcast_convert_type(u, jnp.int32) ^ jnp.int32(-2147483648)
    t = jnp.zeros((ROWS_PER_BLK, 1), jnp.uint32)
    for bit in range(31, 15, -1):
        cand = t | jnp.uint32(1 << bit)
        cnt = jnp.sum((u >= cand).astype(jnp.int32), axis=1, keepdims=True)
        t = jnp.where(cnt >= K, cand, t)
    ti = jax.lax.bitcast_convert_type(t, jnp.int32) ^ jnp.int32(-2147483648)
    t_ref[...] = ti.reshape(1, 1, ROWS_PER_BLK)


def _deltas_thresh(c, past_c_pad):
    grid = BATCH // ROWS_PER_BLK
    return pl.pallas_call(
        _mm_thresh_body,
        grid=(grid,),
        in_specs=[
            pl.BlockSpec((ROWS_PER_BLK, D64), lambda i: (i, 0)),
            pl.BlockSpec((NPAD, D64), lambda i: (0, 0)),
        ],
        out_specs=[
            pl.BlockSpec((ROWS_PER_BLK, NPAD), lambda i: (i, 0)),
            pl.BlockSpec((1, 1, ROWS_PER_BLK), lambda i: (i, 0, 0)),
        ],
        out_shape=[
            jax.ShapeDtypeStruct((BATCH, NPAD), jnp.int32),
            jax.ShapeDtypeStruct((grid, 1, ROWS_PER_BLK), jnp.int32),
        ],
    )(c, past_c_pad)


MBLK = 1024
NIDS = BATCH + NPAD


def _match_body(ids_ref, wi_ref, out_ref):
    ids = ids_ref[...]
    wi = wi_ref[...]
    m = jnp.full((MBLK, 1), -1, jnp.int32)
    cw = 1024
    for cc in range(BATCH // cw):
        eq = ids == wi[:, cc * cw:(cc + 1) * cw]
        j = jax.lax.broadcasted_iota(jnp.int32, (MBLK, cw), 1) + cc * cw
        m = jnp.maximum(m, jnp.max(jnp.where(eq, j, -1), axis=1,
                                   keepdims=True))
    out_ref[...] = m


def _match(ids_col, wi_row):
    grid = NIDS // MBLK
    return pl.pallas_call(
        _match_body,
        grid=(grid,),
        in_specs=[
            pl.BlockSpec((MBLK, 1), lambda i: (i, 0)),
            pl.BlockSpec((1, BATCH), lambda i: (0, 0)),
        ],
        out_specs=pl.BlockSpec((MBLK, 1), lambda i: (i, 0)),
        out_shape=jax.ShapeDtypeStruct((NIDS, 1), jnp.int32),
    )(ids_col, wi_row)


NW = 32
ROWS_PER_W = BATCH // NW
NVREG = NPAD // 16
LCAP = NPAD + 16


def _vsort16(p):
    v, x = p
    return plsc.sort_key_val(v, x, descending=True)


def _rev(p):
    v, x = p
    return lax.rev(v, (0,)), lax.rev(x, (0,))


def _bitonic_desc(vs):
    if len(vs) == 1:
        return [_vsort16(vs[0])]
    half = len(vs) // 2
    hi, lo = [], []
    for i in range(half):
        av, ax = vs[i]
        bv, bx = vs[i + half]
        sel = av >= bv
        hi.append((jnp.where(sel, av, bv), jnp.where(sel, ax, bx)))
        lo.append((jnp.where(sel, bv, av), jnp.where(sel, bx, ax)))
    return _bitonic_desc(hi) + _bitonic_desc(lo)


def _merge_desc(a, b):
    return _bitonic_desc(a + [_rev(p) for p in reversed(b)])


def _sort128_desc(pairs):
    runs = [[_vsort16(p)] for p in pairs]
    while len(runs) > 1:
        runs = [_merge_desc(runs[i], runs[i + 1])
                for i in range(0, len(runs), 2)]
    return runs[0]


CR_PW = BATCH // NW
PR_PW = NPAD // NW


def _sc_build(mem, write_val, read_idx, m_read, w_tail):
    mesh = plsc.VectorSubcoreMesh(core_axis_name="c", subcore_axis_name="s")

    @functools.partial(
        pl.kernel,
        out_type=[
            jax.ShapeDtypeStruct((BATCH, D64), jnp.float32),
            jax.ShapeDtypeStruct((NPAD, D64), jnp.float32),
        ],
        mesh=mesh,
        compiler_params=pltpu.CompilerParams(
            needs_layout_passes=False, use_tc_tiling_on_sc=False),
        scratch_types=[
            pltpu.VMEM((CR_PW,), jnp.int32),
            pltpu.VMEM((CR_PW,), jnp.int32),
            pltpu.VMEM((CR_PW,), jnp.int32),
            pltpu.VMEM((CR_PW, D64), jnp.float32),
            pltpu.VMEM((CR_PW, D64), jnp.float32),
            pltpu.VMEM((PR_PW,), jnp.int32),
            pltpu.VMEM((PR_PW,), jnp.int32),
            pltpu.VMEM((PR_PW, D64), jnp.float32),
            pltpu.VMEM((PR_PW, D64), jnp.float32),
            pltpu.SemaphoreType.DMA,
            pltpu.SemaphoreType.DMA,
        ],
    )
    def k(mem_hbm, wv_hbm, ridx_hbm, mr_hbm, wt_hbm, c_out, pc_out,
          ridx_v, mr_v, wvi_v, rows_a, rows_b, wt_v, wti_v, rows_c, rows_d,
          sem_a, sem_b):
        wid = lax.axis_index("s") * 2 + lax.axis_index("c")
        iota = lax.iota(jnp.int32, 16)
        base = wid * CR_PW
        base2 = wid * PR_PW
        pltpu.sync_copy(ridx_hbm.at[pl.ds(base, CR_PW)], ridx_v)
        pltpu.sync_copy(mr_hbm.at[pl.ds(base, CR_PW)], mr_v)
        pltpu.sync_copy(wt_hbm.at[pl.ds(base2, PR_PW)], wt_v)
        for z in range(CR_PW // 16):
            mr16 = mr_v[pl.ds(z * 16, 16)]
            dummy = (base + z * 16 + iota) & (BATCH - 1)
            wvi_v[pl.ds(z * 16, 16)] = jnp.where(mr16 >= 0, mr16, dummy)
        for z in range(PR_PW // 16):
            wt16 = wt_v[pl.ds(z * 16, 16)]
            dummy = (base2 + z * 16 + iota) & (BATCH - 1)
            wti_v[pl.ds(z * 16, 16)] = jnp.where(wt16 >= 0, wt16, dummy)
        ha = pltpu.async_copy(mem_hbm.at[ridx_v], rows_a, sem_a)
        hb = pltpu.async_copy(wv_hbm.at[wvi_v], rows_b, sem_b)
        hc = pltpu.async_copy(
            mem_hbm.at[pl.ds(WSTART + base2, PR_PW)], rows_c, sem_a)
        hd = pltpu.async_copy(wv_hbm.at[wti_v], rows_d, sem_b)
        ha.wait()
        hb.wait()

        def cfix(i, carry):
            e = iota + i * 16
            q = lax.shift_right_logical(e, 6)
            rm = e & 63
            b = plsc.load_gather(rows_b, [q, rm])
            mr = plsc.load_gather(mr_v, [q])
            plsc.store_scatter(rows_a, [q, rm], b, mask=mr >= 0)
            return carry

        lax.fori_loop(0, CR_PW * D64 // 16, cfix, jnp.int32(0))
        pltpu.sync_copy(rows_a, c_out.at[pl.ds(base, CR_PW)])

        hc.wait()
        hd.wait()

        def pfix(i, carry):
            e = iota + i * 16
            q = lax.shift_right_logical(e, 6)
            rm = e & 63
            b = plsc.load_gather(rows_d, [q, rm])
            wt = plsc.load_gather(wt_v, [q])
            plsc.store_scatter(rows_c, [q, rm], b, mask=wt >= 0)
            return carry

        lax.fori_loop(0, PR_PW * D64 // 16, pfix, jnp.int32(0))
        pltpu.sync_copy(rows_c, pc_out.at[pl.ds(base2, PR_PW)])

    return k(mem, write_val, read_idx, m_read, w_tail)


def _sc_topk_emit(u, t, tmeta):
    mesh = plsc.VectorSubcoreMesh(core_axis_name="c", subcore_axis_name="s")

    @functools.partial(
        pl.kernel,
        out_type=jax.ShapeDtypeStruct((BATCH, K * 8), jnp.float32),
        mesh=mesh,
        compiler_params=pltpu.CompilerParams(needs_layout_passes=False),
        scratch_types=[
            pltpu.VMEM((NPAD * 8,), jnp.float32),
            pltpu.VMEM((2 * NPAD,), jnp.int32),
            pltpu.VMEM((ROWS_PER_W,), jnp.int32),
            pltpu.VMEM((LCAP,), jnp.int32),
            pltpu.VMEM((LCAP,), jnp.int32),
            pltpu.VMEM((2 * K * 8,), jnp.float32),
            pltpu.SemaphoreType.DMA,
            pltpu.SemaphoreType.DMA,
        ],
    )
    def k(u_hbm, t_hbm, tm_hbm, out_hbm,
          tm_v, u_v, t_v, lv, li, out_v, sem_in, sem_out):
        wid = lax.axis_index("s") * 2 + lax.axis_index("c")
        base = wid * ROWS_PER_W
        pltpu.sync_copy(tm_hbm, tm_v)
        pltpu.sync_copy(t_hbm.at[pl.ds(base, ROWS_PER_W)], t_v)
        pltpu.async_copy(u_hbm.at[base], u_v.at[pl.ds(0, NPAD)], sem_in)
        iota = lax.iota(jnp.int32, 16)
        lane15 = jnp.full((16,), 15, jnp.int32)

        def row_body(r, carry):
            cur = lax.rem(r, 2)
            nxt = 1 - cur

            @pl.when(r + 1 < ROWS_PER_W)
            def _():
                pltpu.async_copy(u_hbm.at[base + r + 1],
                                 u_v.at[pl.ds(nxt * NPAD, NPAD)], sem_in)

            pltpu.make_async_copy(
                u_hbm.at[base], u_v.at[pl.ds(cur * NPAD, NPAD)], sem_in).wait()
            chunk = r // 16
            lane = r - chunk * 16
            tv16 = t_v[pl.ds(chunk * 16, 16)]
            tvec = tv16[jnp.full((16,), lane, jnp.int32)]
            for z in range(8):
                lv[pl.ds(z * 16, 16)] = jnp.full((16,), -2147483648, jnp.int32)
                li[pl.ds(z * 16, 16)] = jnp.zeros((16,), jnp.int32)

            @plsc.parallel_loop(0, NVREG, 1, unroll=4,
                                carry=jnp.zeros((16,), jnp.int32))
            def _vloop(i, nv):
                x = u_v[pl.ds(cur * NPAD + i * 16, 16)]
                m = x >= tvec
                cs = plsc.cumsum(jnp.where(m, jnp.int32(1), jnp.int32(0)))
                pos = nv + cs - 1
                plsc.store_scatter(lv, [pos], x, mask=m)
                plsc.store_scatter(li, [pos], iota + i * 16, mask=m)
                return nv + cs[lane15]

            pairs = [(lv[pl.ds(z * 16, 16)], li[pl.ds(z * 16, 16)])
                     for z in range(8)]
            srt = _sort128_desc(pairs)

            @pl.when(r >= 2)
            def _():
                pltpu.make_async_copy(
                    out_v.at[pl.ds(cur * K * 8, K * 8)],
                    out_hbm.at[base], sem_out).wait()

            for kk in range(K // 16):
                mv, xv = srt[kk]
                uv = lax.bitcast_convert_type(
                    mv ^ jnp.int32(-2147483648), jnp.uint32)
                neg = ~lax.bitcast_convert_type(uv, jnp.int32)
                pos = lax.bitcast_convert_type(
                    uv & jnp.uint32(0x7FFFFFFF), jnp.int32)
                sv = jnp.where(uv >= jnp.uint32(0x80000000), pos, neg)
                val = lax.bitcast_convert_type(sv, jnp.float32)
                j8 = (iota + kk * 16) * 8 + cur * (K * 8)
                plsc.store_scatter(out_v, [j8], val)
                x8 = xv * 8
                for c in range(1, 8):
                    g = plsc.load_gather(tm_v, [x8 + c])
                    plsc.store_scatter(out_v, [j8 + c], g)
            pltpu.async_copy(out_v.at[pl.ds(cur * K * 8, K * 8)],
                             out_hbm.at[base + r], sem_out)
            return carry

        lax.fori_loop(0, ROWS_PER_W, row_body, jnp.int32(0))
        pltpu.make_async_copy(
            out_v.at[pl.ds(0, K * 8)], out_hbm.at[base], sem_out).wait()
        pltpu.make_async_copy(
            out_v.at[pl.ds(K * 8, K * 8)], out_hbm.at[base], sem_out).wait()

    return k(u, t, tmeta)


def kernel(mem, write_val, actions_table, rewards_table, write_idx, read_idx):
    start = CAP - NREC
    ids = jnp.concatenate(
        [read_idx, WSTART + jnp.arange(NPAD, dtype=jnp.int32)])
    m_all = _match(ids.reshape(NIDS, 1), write_idx.reshape(1, BATCH))
    m_all = m_all.reshape(NIDS)
    m_read, w_tail = m_all[:BATCH], m_all[BATCH:]

    mem64 = jnp.pad(mem, ((0, 0), (0, D64 - DOBS)))
    wv64 = jnp.pad(write_val, ((0, 0), (0, D64 - DOBS)))
    c, past_c_pad = _sc_build(mem64, wv64, read_idx, m_read, w_tail)
    u, t = _deltas_thresh(c, past_c_pad)
    t = t.reshape(BATCH)
    tmeta = jnp.concatenate(
        [jnp.zeros((NREC, 1), jnp.float32), actions_table[start:],
         rewards_table[start:]], axis=1)
    tmeta = jnp.concatenate(
        [jnp.zeros((PADF, 8), jnp.float32), tmeta], axis=0).reshape(-1)
    out = _sc_topk_emit(u, t, tmeta)
    return out.reshape(BATCH, K, 8)

# --- scband reference (transcript-rebuilt; emitter-appended) ---
"""Pipeline reference for scband-replay-buffer-69260642615868 (READ-ONLY COPY).

The authoritative reference and input builder live on the scoring server;
editing this copy changes nothing except your own understanding.
"""

import jax, jax.numpy as jnp
import numpy as np

CAPACITY = 100000
N_RECENT = 5000
TOPK = 80
D_OBS = 50
D_ACT = 6
B = 4096


def setup_inputs(seed: int = 0) -> dict:
    key = jax.random.key(seed)
    k1, k2, k3, k4, k5, k6 = jax.random.split(key, 6)
    return {
        "mem": jax.random.normal(k1, (CAPACITY, D_OBS), dtype=jnp.float32),
        "write_val": jax.random.normal(k2, (B, D_OBS), dtype=jnp.float32),
        "actions_table": jax.random.normal(k3, (CAPACITY, D_ACT), dtype=jnp.float32),
        "rewards_table": jax.random.normal(k4, (CAPACITY, 1), dtype=jnp.float32),
        "write_idx": jax.random.randint(k5, (B,), 0, CAPACITY, dtype=jnp.int32),
        "read_idx": jax.random.randint(k6, (B,), 0, CAPACITY, dtype=jnp.int32),
    }


def reference(mem, write_val, actions_table, rewards_table, write_idx, read_idx):
    # ReplayBuffer.add: scatter-overwrite new transitions into the circular buffer
    mem2 = mem.at[write_idx].set(write_val)
    # sample: gather a batch of stored observations (concepts c)
    c = mem2[read_idx]  # [B, D_OBS]
    # ReplayBuffer._query: similarity (delta) of query concepts against the
    # most recent N_RECENT memories, then top-k retrieval of metadata
    start = CAPACITY - N_RECENT
    past_c = mem2[start:]  # [N_RECENT, D_OBS]
    deltas = c @ past_c.T  # [B, N_RECENT]
    vals, indices = jax.lax.top_k(deltas, TOPK)  # [B, TOPK]
    a = actions_table[start:][indices]  # [B, TOPK, D_ACT]
    r = rewards_table[start:][indices]  # [B, TOPK, 1]
    result = jnp.concatenate([vals[:, :, None], a, r], axis=2)  # [B, TOPK, 1+D_ACT+1]
    return result

if __name__ == "__main__":
    import jax
    _d = setup_inputs()
    print(jax.jit(kernel)(*tuple(_d.values())))

</pallas_src>

<mosaic_0001>
#map = affine_map<(d0, d1) -> (0, 0)>
#map1 = affine_map<(d0, d1) -> (0)>
module attributes {stable_mosaic.version = 14 : i64} {
  func.func @k(%arg0: i32, %arg1: i32, %arg2: memref<100000x64xf32, #tpu.memory_space<hbm>>, %arg3: memref<4096x64xf32, #tpu.memory_space<hbm>>, %arg4: memref<4096xi32, #tpu.memory_space<hbm>>, %arg5: memref<4096xi32, #tpu.memory_space<hbm>>, %arg6: memref<5120xi32, #tpu.memory_space<hbm>>, %arg7: memref<4096x64xf32, #tpu.memory_space<hbm>>, %arg8: memref<5120x64xf32, #tpu.memory_space<hbm>>, %arg9: memref<128xi32, #tpu.memory_space<vmem>>, %arg10: memref<128xi32, #tpu.memory_space<vmem>>, %arg11: memref<128xi32, #tpu.memory_space<vmem>>, %arg12: memref<128x64xf32, #tpu.memory_space<vmem>>, %arg13: memref<128x64xf32, #tpu.memory_space<vmem>>, %arg14: memref<160xi32, #tpu.memory_space<vmem>>, %arg15: memref<160xi32, #tpu.memory_space<vmem>>, %arg16: memref<160x64xf32, #tpu.memory_space<vmem>>, %arg17: memref<160x64xf32, #tpu.memory_space<vmem>>, %arg18: memref<!tpu.dma_semaphore, #tpu.memory_space<semaphore_mem>>, %arg19: memref<!tpu.dma_semaphore, #tpu.memory_space<semaphore_mem>>) attributes {dimension_semantics = [#tpu.dimension_semantics<core_parallel>, #tpu.dimension_semantics<subcore_parallel>], iteration_bounds = array<i64: 2, 16>, scalar_prefetch = 0 : i64, scratch_operands = 11 : i64, tpu.core_type = #tpu.core_type<sc_vector_subcore>, window_params = [{transform_indices = #map}, {transform_indices = #map}, {transform_indices = #map1}, {transform_indices = #map1}, {transform_indices = #map1}, {transform_indices = #map}, {transform_indices = #map}]} {
    %mul3A = arith.constant 2 : i32
    %mul3A_0 = arith.muli %arg1, %mul3A : i32
    %add3A = arith.addi %mul3A_0, %arg0 : i32
    %iota3A = tpu.iota {dimensions = array<i32: 0>} : vector<16xi32>
    %mul3A_1 = arith.constant 128 : i32
    %mul3A_2 = arith.muli %add3A, %mul3A_1 : i32
    %mul3A_3 = arith.constant 160 : i32
    %mul3A_4 = arith.muli %add3A, %mul3A_3 : i32
    "tpu.region"() ({
      %run_scoped3A = tpu.sem_alloc : memref<!tpu.dma_semaphore, #tpu.memory_space<semaphore_mem>>
      %dma_start3A_307 = tpu.memref_slice %arg4[%mul3A_2] : memref<4096xi32, #tpu.memory_space<hbm>> -> memref<128xi32, #tpu.memory_space<hbm>>
      %dma_start3A_308 = tpu.memref_slice %arg4[%mul3A_2] : memref<4096xi32, #tpu.memory_space<hbm>> -> memref<128xi32, #tpu.memory_space<hbm>>
      tpu.enqueue_dma source(%dma_start3A_308 : memref<128xi32, #tpu.memory_space<hbm>>) target(%arg9 : memref<128xi32, #tpu.memory_space<vmem>>) target_semaphore(%run_scoped3A : memref<!tpu.dma_semaphore, #tpu.memory_space<semaphore_mem>>)
      %dma_wait3A_309 = tpu.memref_slice %arg4[%mul3A_2] : memref<4096xi32, #tpu.memory_space<hbm>> -> memref<128xi32, #tpu.memory_space<hbm>>
      %dma_wait3A_310 = tpu.memref_slice %arg4[%mul3A_2] : memref<4096xi32, #tpu.memory_space<hbm>> -> memref<128xi32, #tpu.memory_space<hbm>>
      tpu.wait_dma2 semaphore(%run_scoped3A : memref<!tpu.dma_semaphore, #tpu.memory_space<semaphore_mem>>) src(%dma_wait3A_310 : memref<128xi32, #tpu.memory_space<hbm>>) dst(%arg9 : memref<128xi32, #tpu.memory_space<vmem>>)
      tpu.yield
    }) : () -> ()
    "tpu.region"() ({
      %run_scoped3A = tpu.sem_alloc : memref<!tpu.dma_semaphore, #tpu.memory_space<semaphore_mem>>
      %dma_start3A_307 = tpu.memref_slice %arg5[%mul3A_2] : memref<4096xi32, #tpu.memory_space<hbm>> -> memref<128xi32, #tpu.memory_space<hbm>>
      %dma_start3A_308 = tpu.memref_slice %arg5[%mul3A_2] : memref<4096xi32, #tpu.memory_space<hbm>> -> memref<128xi32, #tpu.memory_space<hbm>>
      tpu.enqueue_dma source(%dma_start3A_308 : memref<128xi32, #tpu.memory_space<hbm>>) target(%arg10 : memref<128xi32, #tpu.memory_space<vmem>>) target_semaphore(%run_scoped3A : memref<!tpu.dma_semaphore, #tpu.memory_space<semaphore_mem>>)
      %dma_wait3A_309 = tpu.memref_slice %arg5[%mul3A_2] : memref<4096xi32, #tpu.memory_space<hbm>> -> memref<128xi32, #tpu.memory_space<hbm>>
      %dma_wait3A_310 = tpu.memref_slice %arg5[%mul3A_2] : memref<4096xi32, #tpu.memory_space<hbm>> -> memref<128xi32, #tpu.memory_space<hbm>>
      tpu.wait_dma2 semaphore(%run_scoped3A : memref<!tpu.dma_semaphore, #tpu.memory_space<semaphore_mem>>) src(%dma_wait3A_310 : memref<128xi32, #tpu.memory_space<hbm>>) dst(%arg10 : memref<128xi32, #tpu.memory_space<vmem>>)
      tpu.yield
    }) : () -> ()
    "tpu.region"() ({
      %run_scoped3A = tpu.sem_alloc : memref<!tpu.dma_semaphore, #tpu.memory_space<semaphore_mem>>
      %dma_start3A_307 = tpu.memref_slice %arg6[%mul3A_4] : memref<5120xi32, #tpu.memory_space<hbm>> -> memref<160xi32, #tpu.memory_space<hbm>>
      %dma_start3A_308 = tpu.memref_slice %arg6[%mul3A_4] : memref<5120xi32, #tpu.memory_space<hbm>> -> memref<160xi32, #tpu.memory_space<hbm>>
      tpu.enqueue_dma source(%dma_start3A_308 : memref<160xi32, #tpu.memory_space<hbm>>) target(%arg14 : memref<160xi32, #tpu.memory_space<vmem>>) target_semaphore(%run_scoped3A : memref<!tpu.dma_semaphore, #tpu.memory_space<semaphore_mem>>)
      %dma_wait3A_309 = tpu.memref_slice %arg6[%mul3A_4] : memref<5120xi32, #tpu.memory_space<hbm>> -> memref<160xi32, #tpu.memory_space<hbm>>
      %dma_wait3A_310 = tpu.memref_slice %arg6[%mul3A_4] : memref<5120xi32, #tpu.memory_space<hbm>> -> memref<160xi32, #tpu.memory_space<hbm>>
      tpu.wait_dma2 semaphore(%run_scoped3A : memref<!tpu.dma_semaphore, #tpu.memory_space<semaphore_mem>>) src(%dma_wait3A_310 : memref<160xi32, #tpu.memory_space<hbm>>) dst(%arg14 : memref<160xi32, #tpu.memory_space<vmem>>)
      tpu.yield
    }) : () -> ()
    %get3A = arith.constant 0 : index
    %get3A_5 = tpu.vector_load %arg10[%get3A] {strides = array<i32>} : memref<128xi32, #tpu.memory_space<vmem>>, vector<16xi32>,
    %add3A_6 = arith.constant 0 : i32
    %add3A_7 = arith.addi %mul3A_2, %add3A_6 : i32
    %add3A_8 = vector.broadcast %add3A_7 : i32 to vector<16xi32>
    %add3A_9 = arith.addi %add3A_8, %iota3A : vector<16xi32>
    %and3A = arith.constant 4095 : i32
    %and3A_10 = vector.broadcast %and3A : i32 to vector<16xi32>
    %and3A_11 = arith.andi %add3A_9, %and3A_10 : vector<16xi32>
    %ge3A = arith.constant 0 : i32
    %ge3A_12 = vector.broadcast %ge3A : i32 to vector<16xi32>
    %ge3A_13 = arith.cmpi sge, %get3A_5, %ge3A_12 : vector<16xi32>
    %select_n3A = arith.select %ge3A_13, %get3A_5, %and3A_11 : vector<16xi1>, vector<16xi32>
    %swap3A = arith.constant 0 : index
    %swap3A_14 = tpu.vector_load %arg11[%swap3A] {strides = array<i32>} : memref<128xi32, #tpu.memory_space<vmem>>, vector<16xi32>,
    tpu.vector_store %arg11[%swap3A], %select_n3A {strides = array<i32>} : memref<128xi32, #tpu.memory_space<vmem>>, vector<16xi32>,
    %get3A_15 = arith.constant 16 : index
    %get3A_16 = tpu.vector_load %arg10[%get3A_15] {strides = array<i32>} : memref<128xi32, #tpu.memory_space<vmem>>, vector<16xi32>,
    %add3A_17 = arith.constant 16 : i32
    %add3A_18 = arith.addi %mul3A_2, %add3A_17 : i32
    %add3A_19 = vector.broadcast %add3A_18 : i32 to vector<16xi32>
    %add3A_20 = arith.addi %add3A_19, %iota3A : vector<16xi32>
    %and3A_21 = arith.constant 4095 : i32
    %and3A_22 = vector.broadcast %and3A_21 : i32 to vector<16xi32>
    %and3A_23 = arith.andi %add3A_20, %and3A_22 : vector<16xi32>
    %ge3A_24 = arith.constant 0 : i32
    %ge3A_25 = vector.broadcast %ge3A_24 : i32 to vector<16xi32>
    %ge3A_26 = arith.cmpi sge, %get3A_16, %ge3A_25 : vector<16xi32>
    %select_n3A_27 = arith.select %ge3A_26, %get3A_16, %and3A_23 : vector<16xi1>, vector<16xi32>
    %swap3A_28 = arith.constant 16 : index
    %swap3A_29 = tpu.vector_load %arg11[%swap3A_28] {strides = array<i32>} : memref<128xi32, #tpu.memory_space<vmem>>, vector<16xi32>,
    tpu.vector_store %arg11[%swap3A_28], %select_n3A_27 {strides = array<i32>} : memref<128xi32, #tpu.memory_space<vmem>>, vector<16xi32>,
    %get3A_30 = arith.constant 32 : index
    %get3A_31 = tpu.vector_load %arg10[%get3A_30] {strides = array<i32>} : memref<128xi32, #tpu.memory_space<vmem>>, vector<16xi32>,
    %add3A_32 = arith.constant 32 : i32
    %add3A_33 = arith.addi %mul3A_2, %add3A_32 : i32
    %add3A_34 = vector.broadcast %add3A_33 : i32 to vector<16xi32>
    %add3A_35 = arith.addi %add3A_34, %iota3A : vector<16xi32>
    %and3A_36 = arith.constant 4095 : i32
    %and3A_37 = vector.broadcast %and3A_36 : i32 to vector<16xi32>
    %and3A_38 = arith.andi %add3A_35, %and3A_37 : vector<16xi32>
    %ge3A_39 = arith.constant 0 : i32
    %ge3A_40 = vector.broadcast %ge3A_39 : i32 to vector<16xi32>
    %ge3A_41 = arith.cmpi sge, %get3A_31, %ge3A_40 : vector<16xi32>
    %select_n3A_42 = arith.select %ge3A_41, %get3A_31, %and3A_38 : vector<16xi1>, vector<16xi32>
    %swap3A_43 = arith.constant 32 : index
    %swap3A_44 = tpu.vector_load %arg11[%swap3A_43] {strides = array<i32>} : memref<128xi32, #tpu.memory_space<vmem>>, vector<16xi32>,
    tpu.vector_store %arg11[%swap3A_43], %select_n3A_42 {strides = array<i32>} : memref<128xi32, #tpu.memory_space<vmem>>, vector<16xi32>,
    %get3A_45 = arith.constant 48 : index
    %get3A_46 = tpu.vector_load %arg10[%get3A_45] {strides = array<i32>} : memref<128xi32, #tpu.memory_space<vmem>>, vector<16xi32>,
    %add3A_47 = arith.constant 48 : i32
    %add3A_48 = arith.addi %mul3A_2, %add3A_47 : i32
    %add3A_49 = vector.broadcast %add3A_48 : i32 to vector<16xi32>
    %add3A_50 = arith.addi %add3A_49, %iota3A : vector<16xi32>
    %and3A_51 = arith.constant 4095 : i32
    %and3A_52 = vector.broadcast %and3A_51 : i32 to vector<16xi32>
    %and3A_53 = arith.andi %add3A_50, %and3A_52 : vector<16xi32>
    %ge3A_54 = arith.constant 0 : i32
    %ge3A_55 = vector.broadcast %ge3A_54 : i32 to vector<16xi32>
    %ge3A_56 = arith.cmpi sge, %get3A_46, %ge3A_55 : vector<16xi32>
    %select_n3A_57 = arith.select %ge3A_56, %get3A_46, %and3A_53 : vector<16xi1>, vector<16xi32>
    %swap3A_58 = arith.constant 48 : index
    %swap3A_59 = tpu.vector_load %arg11[%swap3A_58] {strides = array<i32>} : memref<128xi32, #tpu.memory_space<vmem>>, vector<16xi32>,
    tpu.vector_store %arg11[%swap3A_58], %select_n3A_57 {strides = array<i32>} : memref<128xi32, #tpu.memory_space<vmem>>, vector<16xi32>,
    %get3A_60 = arith.constant 64 : index
    %get3A_61 = tpu.vector_load %arg10[%get3A_60] {strides = array<i32>} : memref<128xi32, #tpu.memory_space<vmem>>, vector<16xi32>,
    %add3A_62 = arith.constant 64 : i32
    %add3A_63 = arith.addi %mul3A_2, %add3A_62 : i32
    %add3A_64 = vector.broadcast %add3A_63 : i32 to vector<16xi32>
    %add3A_65 = arith.addi %add3A_64, %iota3A : vector<16xi32>
    %and3A_66 = arith.constant 4095 : i32
    %and3A_67 = vector.broadcast %and3A_66 : i32 to vector<16xi32>
    %and3A_68 = arith.andi %add3A_65, %and3A_67 : vector<16xi32>
    %ge3A_69 = arith.constant 0 : i32
    %ge3A_70 = vector.broadcast %ge3A_69 : i32 to vector<16xi32>
    %ge3A_71 = arith.cmpi sge, %get3A_61, %ge3A_70 : vector<16xi32>
    %select_n3A_72 = arith.select %ge3A_71, %get3A_61, %and3A_68 : vector<16xi1>, vector<16xi32>
    %swap3A_73 = arith.constant 64 : index
    %swap3A_74 = tpu.vector_load %arg11[%swap3A_73] {strides = array<i32>} : memref<128xi32, #tpu.memory_space<vmem>>, vector<16xi32>,
    tpu.vector_store %arg11[%swap3A_73], %select_n3A_72 {strides = array<i32>} : memref<128xi32, #tpu.memory_space<vmem>>, vector<16xi32>,
    %get3A_75 = arith.constant 80 : index
    %get3A_76 = tpu.vector_load %arg10[%get3A_75] {strides = array<i32>} : memref<128xi32, #tpu.memory_space<vmem>>, vector<16xi32>,
    %add3A_77 = arith.constant 80 : i32
    %add3A_78 = arith.addi %mul3A_2, %add3A_77 : i32
    %add3A_79 = vector.broadcast %add3A_78 : i32 to vector<16xi32>
    %add3A_80 = arith.addi %add3A_79, %iota3A : vector<16xi32>
    %and3A_81 = arith.constant 4095 : i32
    %and3A_82 = vector.broadcast %and3A_81 : i32 to vector<16xi32>
    %and3A_83 = arith.andi %add3A_80, %and3A_82 : vector<16xi32>
    %ge3A_84 = arith.constant 0 : i32
    %ge3A_85 = vector.broadcast %ge3A_84 : i32 to vector<16xi32>
    %ge3A_86 = arith.cmpi sge, %get3A_76, %ge3A_85 : vector<16xi32>
    %select_n3A_87 = arith.select %ge3A_86, %get3A_76, %and3A_83 : vector<16xi1>, vector<16xi32>
    %swap3A_88 = arith.constant 80 : index
    %swap3A_89 = tpu.vector_load %arg11[%swap3A_88] {strides = array<i32>} : memref<128xi32, #tpu.memory_space<vmem>>, vector<16xi32>,
    tpu.vector_store %arg11[%swap3A_88], %select_n3A_87 {strides = array<i32>} : memref<128xi32, #tpu.memory_space<vmem>>, vector<16xi32>,
    %get3A_90 = arith.constant 96 : index
    %get3A_91 = tpu.vector_load %arg10[%get3A_90] {strides = array<i32>} : memref<128xi32, #tpu.memory_space<vmem>>, vector<16xi32>,
    %add3A_92 = arith.constant 96 : i32
    %add3A_93 = arith.addi %mul3A_2, %add3A_92 : i32
    %add3A_94 = vector.broadcast %add3A_93 : i32 to vector<16xi32>
    %add3A_95 = arith.addi %add3A_94, %iota3A : vector<16xi32>
    %and3A_96 = arith.constant 4095 : i32
    %and3A_97 = vector.broadcast %and3A_96 : i32 to vector<16xi32>
    %and3A_98 = arith.andi %add3A_95, %and3A_97 : vector<16xi32>
    %ge3A_99 = arith.constant 0 : i32
    %ge3A_100 = vector.broadcast %ge3A_99 : i32 to vector<16xi32>
    %ge3A_101 = arith.cmpi sge, %get3A_91, %ge3A_100 : vector<16xi32>
    %select_n3A_102 = arith.select %ge3A_101, %get3A_91, %and3A_98 : vector<16xi1>, vector<16xi32>
    %swap3A_103 = arith.constant 96 : index
    %swap3A_104 = tpu.vector_load %arg11[%swap3A_103] {strides = array<i32>} : memref<128xi32, #tpu.memory_space<vmem>>, vector<16xi32>,
    tpu.vector_store %arg11[%swap3A_103], %select_n3A_102 {strides = array<i32>} : memref<128xi32, #tpu.memory_space<vmem>>, vector<16xi32>,
    %get3A_105 = arith.constant 112 : index
    %get3A_106 = tpu.vector_load %arg10[%get3A_105] {strides = array<i32>} : memref<128xi32, #tpu.memory_space<vmem>>, vector<16xi32>,
    %add3A_107 = arith.constant 112 : i32
    %add3A_108 = arith.addi %mul3A_2, %add3A_107 : i32
    %add3A_109 = vector.broadcast %add3A_108 : i32 to vector<16xi32>
    %add3A_110 = arith.addi %add3A_109, %iota3A : vector<16xi32>
    %and3A_111 = arith.constant 4095 : i32
    %and3A_112 = vector.broadcast %and3A_111 : i32 to vector<16xi32>
    %and3A_113 = arith.andi %add3A_110, %and3A_112 : vector<16xi32>
    %ge3A_114 = arith.constant 0 : i32
    %ge3A_115 = vector.broadcast %ge3A_114 : i32 to vector<16xi32>
    %ge3A_116 = arith.cmpi sge, %get3A_106, %ge3A_115 : vector<16xi32>
    %select_n3A_117 = arith.select %ge3A_116, %get3A_106, %and3A_113 : vector<16xi1>, vector<16xi32>
    %swap3A_118 = arith.constant 112 : index
    %swap3A_119 = tpu.vector_load %arg11[%swap3A_118] {strides = array<i32>} : memref<128xi32, #tpu.memory_space<vmem>>, vector<16xi32>,
    tpu.vector_store %arg11[%swap3A_118], %select_n3A_117 {strides = array<i32>} : memref<128xi32, #tpu.memory_space<vmem>>, vector<16xi32>,
    %get3A_120 = arith.constant 0 : index
    %get3A_121 = tpu.vector_load %arg14[%get3A_120] {strides = array<i32>} : memref<160xi32, #tpu.memory_space<vmem>>, vector<16xi32>,
    %add3A_122 = arith.constant 0 : i32
    %add3A_123 = arith.addi %mul3A_4, %add3A_122 : i32
    %add3A_124 = vector.broadcast %add3A_123 : i32 to vector<16xi32>
    %add3A_125 = arith.addi %add3A_124, %iota3A : vector<16xi32>
    %and3A_126 = arith.constant 4095 : i32
    %and3A_127 = vector.broadcast %and3A_126 : i32 to vector<16xi32>
    %and3A_128 = arith.andi %add3A_125, %and3A_127 : vector<16xi32>
    %ge3A_129 = arith.constant 0 : i32
    %ge3A_130 = vector.broadcast %ge3A_129 : i32 to vector<16xi32>
    %ge3A_131 = arith.cmpi sge, %get3A_121, %ge3A_130 : vector<16xi32>
    %select_n3A_132 = arith.select %ge3A_131, %get3A_121, %and3A_128 : vector<16xi1>, vector<16xi32>
    %swap3A_133 = arith.constant 0 : index
    %swap3A_134 = tpu.vector_load %arg15[%swap3A_133] {strides = array<i32>} : memref<160xi32, #tpu.memory_space<vmem>>, vector<16xi32>,
    tpu.vector_store %arg15[%swap3A_133], %select_n3A_132 {strides = array<i32>} : memref<160xi32, #tpu.memory_space<vmem>>, vector<16xi32>,
    %get3A_135 = arith.constant 16 : index
    %get3A_136 = tpu.vector_load %arg14[%get3A_135] {strides = array<i32>} : memref<160xi32, #tpu.memory_space<vmem>>, vector<16xi32>,
    %add3A_137 = arith.constant 16 : i32
    %add3A_138 = arith.addi %mul3A_4, %add3A_137 : i32
    %add3A_139 = vector.broadcast %add3A_138 : i32 to vector<16xi32>
    %add3A_140 = arith.addi %add3A_139, %iota3A : vector<16xi32>
    %and3A_141 = arith.constant 4095 : i32
    %and3A_142 = vector.broadcast %and3A_141 : i32 to vector<16xi32>
    %and3A_143 = arith.andi %add3A_140, %and3A_142 : vector<16xi32>
    %ge3A_144 = arith.constant 0 : i32
    %ge3A_145 = vector.broadcast %ge3A_144 : i32 to vector<16xi32>
    %ge3A_146 = arith.cmpi sge, %get3A_136, %ge3A_145 : vector<16xi32>
    %select_n3A_147 = arith.select %ge3A_146, %get3A_136, %and3A_143 : vector<16xi1>, vector<16xi32>
    %swap3A_148 = arith.constant 16 : index
    %swap3A_149 = tpu.vector_load %arg15[%swap3A_148] {strides = array<i32>} : memref<160xi32, #tpu.memory_space<vmem>>, vector<16xi32>,
    tpu.vector_store %arg15[%swap3A_148], %select_n3A_147 {strides = array<i32>} : memref<160xi32, #tpu.memory_space<vmem>>, vector<16xi32>,
    %get3A_150 = arith.constant 32 : index
    %get3A_151 = tpu.vector_load %arg14[%get3A_150] {strides = array<i32>} : memref<160xi32, #tpu.memory_space<vmem>>, vector<16xi32>,
    %add3A_152 = arith.constant 32 : i32
    %add3A_153 = arith.addi %mul3A_4, %add3A_152 : i32
    %add3A_154 = vector.broadcast %add3A_153 : i32 to vector<16xi32>
    %add3A_155 = arith.addi %add3A_154, %iota3A : vector<16xi32>
    %and3A_156 = arith.constant 4095 : i32
    %and3A_157 = vector.broadcast %and3A_156 : i32 to vector<16xi32>
    %and3A_158 = arith.andi %add3A_155, %and3A_157 : vector<16xi32>
    %ge3A_159 = arith.constant 0 : i32
    %ge3A_160 = vector.broadcast %ge3A_159 : i32 to vector<16xi32>
    %ge3A_161 = arith.cmpi sge, %get3A_151, %ge3A_160 : vector<16xi32>
    %select_n3A_162 = arith.select %ge3A_161, %get3A_151, %and3A_158 : vector<16xi1>, vector<16xi32>
    %swap3A_163 = arith.constant 32 : index
    %swap3A_164 = tpu.vector_load %arg15[%swap3A_163] {strides = array<i32>} : memref<160xi32, #tpu.memory_space<vmem>>, vector<16xi32>,
    tpu.vector_store %arg15[%swap3A_163], %select_n3A_162 {strides = array<i32>} : memref<160xi32, #tpu.memory_space<vmem>>, vector<16xi32>,
    %get3A_165 = arith.constant 48 : index
    %get3A_166 = tpu.vector_load %arg14[%get3A_165] {strides = array<i32>} : memref<160xi32, #tpu.memory_space<vmem>>, vector<16xi32>,
    %add3A_167 = arith.constant 48 : i32
    %add3A_168 = arith.addi %mul3A_4, %add3A_167 : i32
    %add3A_169 = vector.broadcast %add3A_168 : i32 to vector<16xi32>
    %add3A_170 = arith.addi %add3A_169, %iota3A : vector<16xi32>
    %and3A_171 = arith.constant 4095 : i32
    %and3A_172 = vector.broadcast %and3A_171 : i32 to vector<16xi32>
    %and3A_173 = arith.andi %add3A_170, %and3A_172 : vector<16xi32>
    %ge3A_174 = arith.constant 0 : i32
    %ge3A_175 = vector.broadcast %ge3A_174 : i32 to vector<16xi32>
    %ge3A_176 = arith.cmpi sge, %get3A_166, %ge3A_175 : vector<16xi32>
    %select_n3A_177 = arith.select %ge3A_176, %get3A_166, %and3A_173 : vector<16xi1>, vector<16xi32>
    %swap3A_178 = arith.constant 48 : index
    %swap3A_179 = tpu.vector_load %arg15[%swap3A_178] {strides = array<i32>} : memref<160xi32, #tpu.memory_space<vmem>>, vector<16xi32>,
    tpu.vector_store %arg15[%swap3A_178], %select_n3A_177 {strides = array<i32>} : memref<160xi32, #tpu.memory_space<vmem>>, vector<16xi32>,
    %get3A_180 = arith.constant 64 : index
    %get3A_181 = tpu.vector_load %arg14[%get3A_180] {strides = array<i32>} : memref<160xi32, #tpu.memory_space<vmem>>, vector<16xi32>,
    %add3A_182 = arith.constant 64 : i32
    %add3A_183 = arith.addi %mul3A_4, %add3A_182 : i32
    %add3A_184 = vector.broadcast %add3A_183 : i32 to vector<16xi32>
    %add3A_185 = arith.addi %add3A_184, %iota3A : vector<16xi32>
    %and3A_186 = arith.constant 4095 : i32
    %and3A_187 = vector.broadcast %and3A_186 : i32 to vector<16xi32>
    %and3A_188 = arith.andi %add3A_185, %and3A_187 : vector<16xi32>
    %ge3A_189 = arith.constant 0 : i32
    %ge3A_190 = vector.broadcast %ge3A_189 : i32 to vector<16xi32>
    %ge3A_191 = arith.cmpi sge, %get3A_181, %ge3A_190 : vector<16xi32>
    %select_n3A_192 = arith.select %ge3A_191, %get3A_181, %and3A_188 : vector<16xi1>, vector<16xi32>
    %swap3A_193 = arith.constant 64 : index
    %swap3A_194 = tpu.vector_load %arg15[%swap3A_193] {strides = array<i32>} : memref<160xi32, #tpu.memory_space<vmem>>, vector<16xi32>,
    tpu.vector_store %arg15[%swap3A_193], %select_n3A_192 {strides = array<i32>} : memref<160xi32, #tpu.memory_space<vmem>>, vector<16xi32>,
    %get3A_195 = arith.constant 80 : index
    %get3A_196 = tpu.vector_load %arg14[%get3A_195] {strides = array<i32>} : memref<160xi32, #tpu.memory_space<vmem>>, vector<16xi32>,
    %add3A_197 = arith.constant 80 : i32
    %add3A_198 = arith.addi %mul3A_4, %add3A_197 : i32
    %add3A_199 = vector.broadcast %add3A_198 : i32 to vector<16xi32>
    %add3A_200 = arith.addi %add3A_199, %iota3A : vector<16xi32>
    %and3A_201 = arith.constant 4095 : i32
    %and3A_202 = vector.broadcast %and3A_201 : i32 to vector<16xi32>
    %and3A_203 = arith.andi %add3A_200, %and3A_202 : vector<16xi32>
    %ge3A_204 = arith.constant 0 : i32
    %ge3A_205 = vector.broadcast %ge3A_204 : i32 to vector<16xi32>
    %ge3A_206 = arith.cmpi sge, %get3A_196, %ge3A_205 : vector<16xi32>
    %select_n3A_207 = arith.select %ge3A_206, %get3A_196, %and3A_203 : vector<16xi1>, vector<16xi32>
    %swap3A_208 = arith.constant 80 : index
    %swap3A_209 = tpu.vector_load %arg15[%swap3A_208] {strides = array<i32>} : memref<160xi32, #tpu.memory_space<vmem>>, vector<16xi32>,
    tpu.vector_store %arg15[%swap3A_208], %select_n3A_207 {strides = array<i32>} : memref<160xi32, #tpu.memory_space<vmem>>, vector<16xi32>,
    %get3A_210 = arith.constant 96 : index
    %get3A_211 = tpu.vector_load %arg14[%get3A_210] {strides = array<i32>} : memref<160xi32, #tpu.memory_space<vmem>>, vector<16xi32>,
    %add3A_212 = arith.constant 96 : i32
    %add3A_213 = arith.addi %mul3A_4, %add3A_212 : i32
    %add3A_214 = vector.broadcast %add3A_213 : i32 to vector<16xi32>
    %add3A_215 = arith.addi %add3A_214, %iota3A : vector<16xi32>
    %and3A_216 = arith.constant 4095 : i32
    %and3A_217 = vector.broadcast %and3A_216 : i32 to vector<16xi32>
    %and3A_218 = arith.andi %add3A_215, %and3A_217 : vector<16xi32>
    %ge3A_219 = arith.constant 0 : i32
    %ge3A_220 = vector.broadcast %ge3A_219 : i32 to vector<16xi32>
    %ge3A_221 = arith.cmpi sge, %get3A_211, %ge3A_220 : vector<16xi32>
    %select_n3A_222 = arith.select %ge3A_221, %get3A_211, %and3A_218 : vector<16xi1>, vector<16xi32>
    %swap3A_223 = arith.constant 96 : index
    %swap3A_224 = tpu.vector_load %arg15[%swap3A_223] {strides = array<i32>} : memref<160xi32, #tpu.memory_space<vmem>>, vector<16xi32>,
    tpu.vector_store %arg15[%swap3A_223], %select_n3A_222 {strides = array<i32>} : memref<160xi32, #tpu.memory_space<vmem>>, vector<16xi32>,
    %get3A_225 = arith.constant 112 : index
    %get3A_226 = tpu.vector_load %arg14[%get3A_225] {strides = array<i32>} : memref<160xi32, #tpu.memory_space<vmem>>, vector<16xi32>,
    %add3A_227 = arith.constant 112 : i32
    %add3A_228 = arith.addi %mul3A_4, %add3A_227 : i32
    %add3A_229 = vector.broadcast %add3A_228 : i32 to vector<16xi32>
    %add3A_230 = arith.addi %add3A_229, %iota3A : vector<16xi32>
    %and3A_231 = arith.constant 4095 : i32
    %and3A_232 = vector.broadcast %and3A_231 : i32 to vector<16xi32>
    %and3A_233 = arith.andi %add3A_230, %and3A_232 : vector<16xi32>
    %ge3A_234 = arith.constant 0 : i32
    %ge3A_235 = vector.broadcast %ge3A_234 : i32 to vector<16xi32>
    %ge3A_236 = arith.cmpi sge, %get3A_226, %ge3A_235 : vector<16xi32>
    %select_n3A_237 = arith.select %ge3A_236, %get3A_226, %and3A_233 : vector<16xi1>, vector<16xi32>
    %swap3A_238 = arith.constant 112 : index
    %swap3A_239 = tpu.vector_load %arg15[%swap3A_238] {strides = array<i32>} : memref<160xi32, #tpu.memory_space<vmem>>, vector<16xi32>,
    tpu.vector_store %arg15[%swap3A_238], %select_n3A_237 {strides = array<i32>} : memref<160xi32, #tpu.memory_space<vmem>>, vector<16xi32>,
    %get3A_240 = arith.constant 128 : index
    %get3A_241 = tpu.vector_load %arg14[%get3A_240] {strides = array<i32>} : memref<160xi32, #tpu.memory_space<vmem>>, vector<16xi32>,
    %add3A_242 = arith.constant 128 : i32
    %add3A_243 = arith.addi %mul3A_4, %add3A_242 : i32
    %add3A_244 = vector.broadcast %add3A_243 : i32 to vector<16xi32>
    %add3A_245 = arith.addi %add3A_244, %iota3A : vector<16xi32>
    %and3A_246 = arith.constant 4095 : i32
    %and3A_247 = vector.broadcast %and3A_246 : i32 to vector<16xi32>
    %and3A_248 = arith.andi %add3A_245, %and3A_247 : vector<16xi32>
    %ge3A_249 = arith.constant 0 : i32
    %ge3A_250 = vector.broadcast %ge3A_249 : i32 to vector<16xi32>
    %ge3A_251 = arith.cmpi sge, %get3A_241, %ge3A_250 : vector<16xi32>
    %select_n3A_252 = arith.select %ge3A_251, %get3A_241, %and3A_248 : vector<16xi1>, vector<16xi32>
    %swap3A_253 = arith.constant 128 : index
    %swap3A_254 = tpu.vector_load %arg15[%swap3A_253] {strides = array<i32>} : memref<160xi32, #tpu.memory_space<vmem>>, vector<16xi32>,
    tpu.vector_store %arg15[%swap3A_253], %select_n3A_252 {strides = array<i32>} : memref<160xi32, #tpu.memory_space<vmem>>, vector<16xi32>,
    %get3A_255 = arith.constant 144 : index
    %get3A_256 = tpu.vector_load %arg14[%get3A_255] {strides = array<i32>} : memref<160xi32, #tpu.memory_space<vmem>>, vector<16xi32>,
    %add3A_257 = arith.constant 144 : i32
    %add3A_258 = arith.addi %mul3A_4, %add3A_257 : i32
    %add3A_259 = vector.broadcast %add3A_258 : i32 to vector<16xi32>
    %add3A_260 = arith.addi %add3A_259, %iota3A : vector<16xi32>
    %and3A_261 = arith.constant 4095 : i32
    %and3A_262 = vector.broadcast %and3A_261 : i32 to vector<16xi32>
    %and3A_263 = arith.andi %add3A_260, %and3A_262 : vector<16xi32>
    %ge3A_264 = arith.constant 0 : i32
    %ge3A_265 = vector.broadcast %ge3A_264 : i32 to vector<16xi32>
    %ge3A_266 = arith.cmpi sge, %get3A_256, %ge3A_265 : vector<16xi32>
    %select_n3A_267 = arith.select %ge3A_266, %get3A_256, %and3A_263 : vector<16xi1>, vector<16xi32>
    %swap3A_268 = arith.constant 144 : index
    %swap3A_269 = tpu.vector_load %arg15[%swap3A_268] {strides = array<i32>} : memref<160xi32, #tpu.memory_space<vmem>>, vector<16xi32>,
    tpu.vector_store %arg15[%swap3A_268], %select_n3A_267 {strides = array<i32>} : memref<160xi32, #tpu.memory_space<vmem>>, vector<16xi32>,
    %dma_start3A = arith.constant 0 : i32
    %dma_start3A_270 = arith.constant 0 : i32
    %dma_start3A_271 = tpu.memref_slice %arg2[%dma_start3A, %dma_start3A_270] : memref<100000x64xf32, #tpu.memory_space<hbm>> -> memref<100000x64xf32, #tpu.memory_space<hbm>>
    tpu.enqueue_indirect_dma source(%dma_start3A_271 : memref<100000x64xf32, #tpu.memory_space<hbm>>) target(%arg12 : memref<128x64xf32, #tpu.memory_space<vmem>>) offsets(%arg9 : memref<128xi32, #tpu.memory_space<vmem>>) semaphore(%arg18 : memref<!tpu.dma_semaphore, #tpu.memory_space<semaphore_mem>>)
    %dma_start3A_272 = arith.constant 0 : i32
    %dma_start3A_273 = arith.constant 0 : i32
    %dma_start3A_274 = tpu.memref_slice %arg3[%dma_start3A_272, %dma_start3A_273] : memref<4096x64xf32, #tpu.memory_space<hbm>> -> memref<4096x64xf32, #tpu.memory_space<hbm>>
    tpu.enqueue_indirect_dma source(%dma_start3A_274 : memref<4096x64xf32, #tpu.memory_space<hbm>>) target(%arg13 : memref<128x64xf32, #tpu.memory_space<vmem>>) offsets(%arg11 : memref<128xi32, #tpu.memory_space<vmem>>) semaphore(%arg19 : memref<!tpu.dma_semaphore, #tpu.memory_space<semaphore_mem>>)
    %add3A_275 = arith.constant 94880 : i32
    %add3A_276 = arith.addi %add3A_275, %mul3A_4 : i32
    %dma_start3A_277 = arith.constant 0 : i32
    %dma_start3A_278 = tpu.memref_slice %arg2[%add3A_276, %dma_start3A_277] : memref<100000x64xf32, #tpu.memory_space<hbm>> -> memref<160x64xf32, #tpu.memory_space<hbm>>
    %dma_start3A_279 = arith.constant 0 : i32
    %dma_start3A_280 = tpu.memref_slice %arg2[%add3A_276, %dma_start3A_279] : memref<100000x64xf32, #tpu.memory_space<hbm>> -> memref<160x64xf32, #tpu.memory_space<hbm>>
    tpu.enqueue_dma source(%dma_start3A_280 : memref<160x64xf32, #tpu.memory_space<hbm>>) target(%arg16 : memref<160x64xf32, #tpu.memory_space<vmem>>) target_semaphore(%arg18 : memref<!tpu.dma_semaphore, #tpu.memory_space<semaphore_mem>>)
    %dma_start3A_281 = arith.constant 0 : i32
    %dma_start3A_282 = arith.constant 0 : i32
    %dma_start3A_283 = tpu.memref_slice %arg3[%dma_start3A_281, %dma_start3A_282] : memref<4096x64xf32, #tpu.memory_space<hbm>> -> memref<4096x64xf32, #tpu.memory_space<hbm>>
    tpu.enqueue_indirect_dma source(%dma_start3A_283 : memref<4096x64xf32, #tpu.memory_space<hbm>>) target(%arg17 : memref<160x64xf32, #tpu.memory_space<vmem>>) offsets(%arg15 : memref<160xi32, #tpu.memory_space<vmem>>) semaphore(%arg19 : memref<!tpu.dma_semaphore, #tpu.memory_space<semaphore_mem>>)
    %dma_wait3A = arith.constant 0 : i32
    %dma_wait3A_284 = arith.constant 0 : i32
    %dma_wait3A_285 = tpu.memref_slice %arg2[%dma_wait3A, %dma_wait3A_284] : memref<100000x64xf32, #tpu.memory_space<hbm>> -> memref<100000x64xf32, #tpu.memory_space<hbm>>
    tpu.wait_indirect_dma semaphore(%arg18 : memref<!tpu.dma_semaphore, #tpu.memory_space<semaphore_mem>>) src(%dma_wait3A_285 : memref<100000x64xf32, #tpu.memory_space<hbm>>) dst(%arg12 : memref<128x64xf32, #tpu.memory_space<vmem>>)
    %dma_wait3A_286 = arith.constant 0 : i32
    %dma_wait3A_287 = arith.constant 0 : i32
    %dma_wait3A_288 = tpu.memref_slice %arg3[%dma_wait3A_286, %dma_wait3A_287] : memref<4096x64xf32, #tpu.memory_space<hbm>> -> memref<4096x64xf32, #tpu.memory_space<hbm>>
    tpu.wait_indirect_dma semaphore(%arg19 : memref<!tpu.dma_semaphore, #tpu.memory_space<semaphore_mem>>) src(%dma_wait3A_288 : memref<4096x64xf32, #tpu.memory_space<hbm>>) dst(%arg13 : memref<128x64xf32, #tpu.memory_space<vmem>>)
    %scan3A = arith.constant 0 : i32
    %scan3A_289 = arith.constant 0 : i32
    %scan3A_290 = arith.constant 512 : i32
    %scan3A_291 = arith.addi %scan3A_289, %scan3A_290 : i32
    %scan3A_292 = arith.constant 1 : i32
    scf.for %scan3A_307 = %scan3A_289 to %scan3A_291 step %scan3A_292  : i32 {
      %mul3A_308 = arith.constant 16 : i32
      %mul3A_309 = arith.muli %scan3A_307, %mul3A_308 : i32
      %add3A_310 = vector.broadcast %mul3A_309 : i32 to vector<16xi32>
      %add3A_311 = arith.addi %iota3A, %add3A_310 : vector<16xi32>
      %shift_right_logical3A = arith.constant 6 : i32
      %shift_right_logical3A_312 = vector.broadcast %shift_right_logical3A : i32 to vector<16xi32>
      %shift_right_logical3A_313 = arith.shrui %add3A_311, %shift_right_logical3A_312 : vector<16xi32>
      %and3A_314 = arith.constant 63 : i32
      %and3A_315 = vector.broadcast %and3A_314 : i32 to vector<16xi32>
      %and3A_316 = arith.andi %add3A_311, %and3A_315 : vector<16xi32>
      %gather3A = tpu.vector_load_idx %arg13[%shift_right_logical3A_313, %and3A_316] : memref<128x64xf32, #tpu.memory_space<vmem>>[vector<16xi32>, vector<16xi32>], vector<16xf32>,
      %gather3A_317 = tpu.vector_load_idx %arg10[%shift_right_logical3A_313] : memref<128xi32, #tpu.memory_space<vmem>>[vector<16xi32>], vector<16xi32>,
      %ge3A_318 = arith.constant 0 : i32
      %ge3A_319 = vector.broadcast %ge3A_318 : i32 to vector<16xi32>
      %ge3A_320 = arith.cmpi sge, %gather3A_317, %ge3A_319 : vector<16xi32>
      tpu.vector_store_idx %arg12[%shift_right_logical3A_313, %and3A_316], %gather3A masked %ge3A_320 : memref<128x64xf32, #tpu.memory_space<vmem>>[vector<16xi32>, vector<16xi32>], vector<16xf32>, vector<16xi1>
    }
    %scan3A_293 = arith.constant 512 : i32
    "tpu.region"() ({
      %run_scoped3A = tpu.sem_alloc : memref<!tpu.dma_semaphore, #tpu.memory_space<semaphore_mem>>
      %dma_start3A_307 = arith.constant 0 : i32
      %dma_start3A_308 = tpu.memref_slice %arg7[%mul3A_2, %dma_start3A_307] : memref<4096x64xf32, #tpu.memory_space<hbm>> -> memref<128x64xf32, #tpu.memory_space<hbm>>
      %dma_start3A_309 = arith.constant 0 : i32
      %dma_start3A_310 = tpu.memref_slice %arg7[%mul3A_2, %dma_start3A_309] : memref<4096x64xf32, #tpu.memory_space<hbm>> -> memref<128x64xf32, #tpu.memory_space<hbm>>
      tpu.enqueue_dma source(%arg12 : memref<128x64xf32, #tpu.memory_space<vmem>>) target(%dma_start3A_310 : memref<128x64xf32, #tpu.memory_space<hbm>>) target_semaphore(%run_scoped3A : memref<!tpu.dma_semaphore, #tpu.memory_space<semaphore_mem>>)
      %dma_wait3A_311 = arith.constant 0 : i32
      %dma_wait3A_312 = tpu.memref_slice %arg7[%mul3A_2, %dma_wait3A_311] : memref<4096x64xf32, #tpu.memory_space<hbm>> -> memref<128x64xf32, #tpu.memory_space<hbm>>
      %dma_wait3A_313 = arith.constant 0 : i32
      %dma_wait3A_314 = tpu.memref_slice %arg7[%mul3A_2, %dma_wait3A_313] : memref<4096x64xf32, #tpu.memory_space<hbm>> -> memref<128x64xf32, #tpu.memory_space<hbm>>
      tpu.wait_dma2 semaphore(%run_scoped3A : memref<!tpu.dma_semaphore, #tpu.memory_space<semaphore_mem>>) src(%arg12 : memref<128x64xf32, #tpu.memory_space<vmem>>) dst(%dma_wait3A_314 : memref<128x64xf32, #tpu.memory_space<hbm>>)
      tpu.yield
    }) : () -> ()
    %dma_wait3A_294 = arith.constant 0 : i32
    %dma_wait3A_295 = tpu.memref_slice %arg2[%add3A_276, %dma_wait3A_294] : memref<100000x64xf32, #tpu.memory_space<hbm>> -> memref<160x64xf32, #tpu.memory_space<hbm>>
    %dma_wait3A_296 = arith.constant 0 : i32
    %dma_wait3A_297 = tpu.memref_slice %arg2[%add3A_276, %dma_wait3A_296] : memref<100000x64xf32, #tpu.memory_space<hbm>> -> memref<160x64xf32, #tpu.memory_space<hbm>>
    tpu.wait_dma2 semaphore(%arg18 : memref<!tpu.dma_semaphore, #tpu.memory_space<semaphore_mem>>) src(%dma_wait3A_297 : memref<160x64xf32, #tpu.memory_space<hbm>>) dst(%arg16 : memref<160x64xf32, #tpu.memory_space<vmem>>)
    %dma_wait3A_298 = arith.constant 0 : i32
    %dma_wait3A_299 = arith.constant 0 : i32
    %dma_wait3A_300 = tpu.memref_slice %arg3[%dma_wait3A_298, %dma_wait3A_299] : memref<4096x64xf32, #tpu.memory_space<hbm>> -> memref<4096x64xf32, #tpu.memory_space<hbm>>
    tpu.wait_indirect_dma semaphore(%arg19 : memref<!tpu.dma_semaphore, #tpu.memory_space<semaphore_mem>>) src(%dma_wait3A_300 : memref<4096x64xf32, #tpu.memory_space<hbm>>) dst(%arg17 : memref<160x64xf32, #tpu.memory_space<vmem>>)
    %scan3A_301 = arith.constant 0 : i32
    %scan3A_302 = arith.constant 0 : i32
    %scan3A_303 = arith.constant 640 : i32
    %scan3A_304 = arith.addi %scan3A_302, %scan3A_303 : i32
    %scan3A_305 = arith.constant 1 : i32
    scf.for %scan3A_307 = %scan3A_302 to %scan3A_304 step %scan3A_305  : i32 {
      %mul3A_308 = arith.constant 16 : i32
      %mul3A_309 = arith.muli %scan3A_307, %mul3A_308 : i32
      %add3A_310 = vector.broadcast %mul3A_309 : i32 to vector<16xi32>
      %add3A_311 = arith.addi %iota3A, %add3A_310 : vector<16xi32>
      %shift_right_logical3A = arith.constant 6 : i32
      %shift_right_logical3A_312 = vector.broadcast %shift_right_logical3A : i32 to vector<16xi32>
      %shift_right_logical3A_313 = arith.shrui %add3A_311, %shift_right_logical3A_312 : vector<16xi32>
      %and3A_314 = arith.constant 63 : i32
      %and3A_315 = vector.broadcast %and3A_314 : i32 to vector<16xi32>
      %and3A_316 = arith.andi %add3A_311, %and3A_315 : vector<16xi32>
      %gather3A = tpu.vector_load_idx %arg17[%shift_right_logical3A_313, %and3A_316] : memref<160x64xf32, #tpu.memory_space<vmem>>[vector<16xi32>, vector<16xi32>], vector<16xf32>,
      %gather3A_317 = tpu.vector_load_idx %arg14[%shift_right_logical3A_313] : memref<160xi32, #tpu.memory_space<vmem>>[vector<16xi32>], vector<16xi32>,
      %ge3A_318 = arith.constant 0 : i32
      %ge3A_319 = vector.broadcast %ge3A_318 : i32 to vector<16xi32>
      %ge3A_320 = arith.cmpi sge, %gather3A_317, %ge3A_319 : vector<16xi32>
      tpu.vector_store_idx %arg16[%shift_right_logical3A_313, %and3A_316], %gather3A masked %ge3A_320 : memref<160x64xf32, #tpu.memory_space<vmem>>[vector<16xi32>, vector<16xi32>], vector<16xf32>, vector<16xi1>
    }
    %scan3A_306 = arith.constant 640 : i32
    "tpu.region"() ({
      %run_scoped3A = tpu.sem_alloc : memref<!tpu.dma_semaphore, #tpu.memory_space<semaphore_mem>>
      %dma_start3A_307 = arith.constant 0 : i32
      %dma_start3A_308 = tpu.memref_slice %arg8[%mul3A_4, %dma_start3A_307] : memref<5120x64xf32, #tpu.memory_space<hbm>> -> memref<160x64xf32, #tpu.memory_space<hbm>>
      %dma_start3A_309 = arith.constant 0 : i32
      %dma_start3A_310 = tpu.memref_slice %arg8[%mul3A_4, %dma_start3A_309] : memref<5120x64xf32, #tpu.memory_space<hbm>> -> memref<160x64xf32, #tpu.memory_space<hbm>>
      tpu.enqueue_dma source(%arg16 : memref<160x64xf32, #tpu.memory_space<vmem>>) target(%dma_start3A_310 : memref<160x64xf32, #tpu.memory_space<hbm>>) target_semaphore(%run_scoped3A : memref<!tpu.dma_semaphore, #tpu.memory_space<semaphore_mem>>)
      %dma_wait3A_311 = arith.constant 0 : i32
      %dma_wait3A_312 = tpu.memref_slice %arg8[%mul3A_4, %dma_wait3A_311] : memref<5120x64xf32, #tpu.memory_space<hbm>> -> memref<160x64xf32, #tpu.memory_space<hbm>>
      %dma_wait3A_313 = arith.constant 0 : i32
      %dma_wait3A_314 = tpu.memref_slice %arg8[%mul3A_4, %dma_wait3A_313] : memref<5120x64xf32, #tpu.memory_space<hbm>> -> memref<160x64xf32, #tpu.memory_space<hbm>>
      tpu.wait_dma2 semaphore(%run_scoped3A : memref<!tpu.dma_semaphore, #tpu.memory_space<semaphore_mem>>) src(%arg16 : memref<160x64xf32, #tpu.memory_space<vmem>>) dst(%dma_wait3A_314 : memref<160x64xf32, #tpu.memory_space<hbm>>)
      tpu.yield
    }) : () -> ()
    return
  }
}

#map = affine_map<(d0, d1) -> (0, 0)>
#map1 = affine_map<(d0, d1) -> (0)>
module attributes {stable_mosaic.version = 14 : i64} {
  func.func @k(%arg0: i32, %arg1: i32, %arg2: memref<4096x5120xi32, #tpu.memory_space<hbm>>, %arg3: memref<4096xi32, #tpu.memory_space<hbm>>, %arg4: memref<40960xf32, #tpu.memory_space<hbm>>, %arg5: memref<4096x640xf32, #tpu.memory_space<hbm>>, %arg6: memref<40960xf32, #tpu.memory_space<vmem>>, %arg7: memref<10240xi32, #tpu.memory_space<vmem>>, %arg8: memref<128xi32, #tpu.memory_space<vmem>>, %arg9: memref<5136xi32, #tpu.memory_space<vmem>>, %arg10: memref<5136xi32, #tpu.memory_space<vmem>>, %arg11: memref<1280xf32, #tpu.memory_space<vmem>>, %arg12: memref<!tpu.dma_semaphore, #tpu.memory_space<semaphore_mem>>, %arg13: memref<!tpu.dma_semaphore, #tpu.memory_space<semaphore_mem>>) attributes {dimension_semantics = [#tpu.dimension_semantics<core_parallel>, #tpu.dimension_semantics<subcore_parallel>], iteration_bounds = array<i64: 2, 16>, scalar_prefetch = 0 : i64, scratch_operands = 8 : i64, tpu.core_type = #tpu.core_type<sc_vector_subcore>, window_params = [{transform_indices = #map}, {transform_indices = #map1}, {transform_indices = #map1}, {transform_indices = #map}]} {
    %mul3A = arith.constant 2 : i32
    %mul3A_0 = arith.muli %arg1, %mul3A : i32
    %add3A = arith.addi %mul3A_0, %arg0 : i32
    %mul3A_1 = arith.constant 128 : i32
    %mul3A_2 = arith.muli %add3A, %mul3A_1 : i32
    "tpu.region"() ({
      %run_scoped3A = tpu.sem_alloc : memref<!tpu.dma_semaphore, #tpu.memory_space<semaphore_mem>>
      tpu.enqueue_dma source(%arg4 : memref<40960xf32, #tpu.memory_space<hbm>>) target(%arg6 : memref<40960xf32, #tpu.memory_space<vmem>>) target_semaphore(%run_scoped3A : memref<!tpu.dma_semaphore, #tpu.memory_space<semaphore_mem>>)
      tpu.wait_dma2 semaphore(%run_scoped3A : memref<!tpu.dma_semaphore, #tpu.memory_space<semaphore_mem>>) src(%arg4 : memref<40960xf32, #tpu.memory_space<hbm>>) dst(%arg6 : memref<40960xf32, #tpu.memory_space<vmem>>)
      tpu.yield
    }) : () -> ()
    "tpu.region"() ({
      %run_scoped3A = tpu.sem_alloc : memref<!tpu.dma_semaphore, #tpu.memory_space<semaphore_mem>>
      %dma_start3A_37 = tpu.memref_slice %arg3[%mul3A_2] : memref<4096xi32, #tpu.memory_space<hbm>> -> memref<128xi32, #tpu.memory_space<hbm>>
      %dma_start3A_38 = tpu.memref_slice %arg3[%mul3A_2] : memref<4096xi32, #tpu.memory_space<hbm>> -> memref<128xi32, #tpu.memory_space<hbm>>
      tpu.enqueue_dma source(%dma_start3A_38 : memref<128xi32, #tpu.memory_space<hbm>>) target(%arg8 : memref<128xi32, #tpu.memory_space<vmem>>) target_semaphore(%run_scoped3A : memref<!tpu.dma_semaphore, #tpu.memory_space<semaphore_mem>>)
      %dma_wait3A_39 = tpu.memref_slice %arg3[%mul3A_2] : memref<4096xi32, #tpu.memory_space<hbm>> -> memref<128xi32, #tpu.memory_space<hbm>>
      %dma_wait3A_40 = tpu.memref_slice %arg3[%mul3A_2] : memref<4096xi32, #tpu.memory_space<hbm>> -> memref<128xi32, #tpu.memory_space<hbm>>
      tpu.wait_dma2 semaphore(%run_scoped3A : memref<!tpu.dma_semaphore, #tpu.memory_space<semaphore_mem>>) src(%dma_wait3A_40 : memref<128xi32, #tpu.memory_space<hbm>>) dst(%arg8 : memref<128xi32, #tpu.memory_space<vmem>>)
      tpu.yield
    }) : () -> ()
    %dma_start3A = arith.constant 0 : i32
    %dma_start3A_3 = tpu.memref_slice %arg7[%dma_start3A] : memref<10240xi32, #tpu.memory_space<vmem>> -> memref<5120xi32, #tpu.memory_space<vmem>>
    %dma_start3A_4 = arith.constant 0 : i32
    %dma_start3A_5 = tpu.memref_slice %arg2[%mul3A_2, %dma_start3A_4] : memref<4096x5120xi32, #tpu.memory_space<hbm>> -> memref<1x5120xi32, #tpu.memory_space<hbm>>
    %dma_start3A_6 = tpu.memref_squeeze %dma_start3A_5 : memref<1x5120xi32, #tpu.memory_space<hbm>> -> memref<5120xi32, #tpu.memory_space<hbm>>
    %dma_start3A_7 = arith.constant 0 : i32
    %dma_start3A_8 = tpu.memref_slice %arg7[%dma_start3A_7] : memref<10240xi32, #tpu.memory_space<vmem>> -> memref<5120xi32, #tpu.memory_space<vmem>>
    %dma_start3A_9 = arith.constant 0 : i32
    %dma_start3A_10 = tpu.memref_slice %arg2[%mul3A_2, %dma_start3A_9] : memref<4096x5120xi32, #tpu.memory_space<hbm>> -> memref<1x5120xi32, #tpu.memory_space<hbm>>
    %dma_start3A_11 = tpu.memref_squeeze %dma_start3A_10 : memref<1x5120xi32, #tpu.memory_space<hbm>> -> memref<5120xi32, #tpu.memory_space<hbm>>
    tpu.enqueue_dma source(%dma_start3A_11 : memref<5120xi32, #tpu.memory_space<hbm>>) target(%dma_start3A_8 : memref<5120xi32, #tpu.memory_space<vmem>>) target_semaphore(%arg12 : memref<!tpu.dma_semaphore, #tpu.memory_space<semaphore_mem>>)
    %iota3A = tpu.iota {dimensions = array<i32: 0>} : vector<16xi32>
    %broadcast_in_dim3A = arith.constant 15 : i32
    %broadcast_in_dim3A_12 = vector.broadcast %broadcast_in_dim3A : i32 to vector<16xi32>
    %scan3A = arith.constant 0 : i32
    %scan3A_13 = arith.constant 0 : i32
    %scan3A_14 = arith.constant 128 : i32
    %scan3A_15 = arith.addi %scan3A_13, %scan3A_14 : i32
    %scan3A_16 = arith.constant 1 : i32
    scf.for %scan3A_37 = %scan3A_13 to %scan3A_15 step %scan3A_16  : i32 {
      %rem3A = arith.constant 2 : i32
      %rem3A_38 = arith.remsi %scan3A_37, %rem3A : i32
      %sub3A = arith.constant 1 : i32
      %sub3A_39 = arith.subi %sub3A, %rem3A_38 : i32
      %add3A_40 = arith.constant 1 : i32
      %add3A_41 = arith.addi %scan3A_37, %add3A_40 : i32
      %lt3A = arith.constant 128 : i32
      %lt3A_42 = arith.cmpi slt, %add3A_41, %lt3A : i32
      %convert_element_type3A = arith.extui %lt3A_42 : i1 to i32
      %cond3A = arith.constant 0 : i32
      %cond3A_43 = arith.cmpi ne, %convert_element_type3A, %cond3A : i32
      scf.if %cond3A_43 {
        %add3A_1086 = arith.addi %mul3A_2, %scan3A_37 : i32
        %add3A_1087 = arith.constant 1 : i32
        %add3A_1088 = arith.addi %add3A_1086, %add3A_1087 : i32
        %mul3A_1089 = arith.constant 5120 : i32
        %mul3A_1090 = arith.muli %sub3A_39, %mul3A_1089 : i32
        %dma_start3A_1091 = tpu.memref_slice %arg7[%mul3A_1090] : memref<10240xi32, #tpu.memory_space<vmem>> -> memref<5120xi32, #tpu.memory_space<vmem>>
        %dma_start3A_1092 = arith.constant 0 : i32
        %dma_start3A_1093 = tpu.memref_slice %arg2[%add3A_1088, %dma_start3A_1092] : memref<4096x5120xi32, #tpu.memory_space<hbm>> -> memref<1x5120xi32, #tpu.memory_space<hbm>>
        %dma_start3A_1094 = tpu.memref_squeeze %dma_start3A_1093 : memref<1x5120xi32, #tpu.memory_space<hbm>> -> memref<5120xi32, #tpu.memory_space<hbm>>
        %dma_start3A_1095 = tpu.memref_slice %arg7[%mul3A_1090] : memref<10240xi32, #tpu.memory_space<vmem>> -> memref<5120xi32, #tpu.memory_space<vmem>>
        %dma_start3A_1096 = arith.constant 0 : i32
        %dma_start3A_1097 = tpu.memref_slice %arg2[%add3A_1088, %dma_start3A_1096] : memref<4096x5120xi32, #tpu.memory_space<hbm>> -> memref<1x5120xi32, #tpu.memory_space<hbm>>
        %dma_start3A_1098 = tpu.memref_squeeze %dma_start3A_1097 : memref<1x5120xi32, #tpu.memory_space<hbm>> -> memref<5120xi32, #tpu.memory_space<hbm>>
        tpu.enqueue_dma source(%dma_start3A_1098 : memref<5120xi32, #tpu.memory_space<hbm>>) target(%dma_start3A_1095 : memref<5120xi32, #tpu.memory_space<vmem>>) target_semaphore(%arg12 : memref<!tpu.dma_semaphore, #tpu.memory_space<semaphore_mem>>)
      } else {
      }
      %mul3A_44 = arith.constant 5120 : i32
      %mul3A_45 = arith.muli %rem3A_38, %mul3A_44 : i32
      %dma_wait3A_46 = tpu.memref_slice %arg7[%mul3A_45] : memref<10240xi32, #tpu.memory_space<vmem>> -> memref<5120xi32, #tpu.memory_space<vmem>>
      %dma_wait3A_47 = arith.constant 0 : i32
      %dma_wait3A_48 = tpu.memref_slice %arg2[%mul3A_2, %dma_wait3A_47] : memref<4096x5120xi32, #tpu.memory_space<hbm>> -> memref<1x5120xi32, #tpu.memory_space<hbm>>
      %dma_wait3A_49 = tpu.memref_squeeze %dma_wait3A_48 : memref<1x5120xi32, #tpu.memory_space<hbm>> -> memref<5120xi32, #tpu.memory_space<hbm>>
      %dma_wait3A_50 = tpu.memref_slice %arg7[%mul3A_45] : memref<10240xi32, #tpu.memory_space<vmem>> -> memref<5120xi32, #tpu.memory_space<vmem>>
      %dma_wait3A_51 = arith.constant 0 : i32
      %dma_wait3A_52 = tpu.memref_slice %arg2[%mul3A_2, %dma_wait3A_51] : memref<4096x5120xi32, #tpu.memory_space<hbm>> -> memref<1x5120xi32, #tpu.memory_space<hbm>>
      %dma_wait3A_53 = tpu.memref_squeeze %dma_wait3A_52 : memref<1x5120xi32, #tpu.memory_space<hbm>> -> memref<5120xi32, #tpu.memory_space<hbm>>
      tpu.wait_dma2 semaphore(%arg12 : memref<!tpu.dma_semaphore, #tpu.memory_space<semaphore_mem>>) src(%dma_wait3A_53 : memref<5120xi32, #tpu.memory_space<hbm>>) dst(%dma_wait3A_50 : memref<5120xi32, #tpu.memory_space<vmem>>)
      %jit3A = arith.constant 16 : i32
      %div3A = arith.divsi %scan3A_37, %jit3A : i32
      %sign3A = arith.constant 0 : i32
      %sign3A_54 = arith.cmpi sgt, %scan3A_37, %sign3A : i32
      %sign3A_55 = arith.extui %sign3A_54 : i1 to i32
      %sign3A_56 = arith.constant 0 : i32
      %sign3A_57 = arith.cmpi slt, %scan3A_37, %sign3A_56 : i32
      %sign3A_58 = arith.extui %sign3A_57 : i1 to i32
      %sign3A_59 = arith.subi %sign3A_55, %sign3A_58 : i32
      %sign3A_60 = arith.constant 0 : i32
      %sign3A_61 = arith.cmpi sgt, %jit3A, %sign3A_60 : i32
      %sign3A_62 = arith.extui %sign3A_61 : i1 to i32
      %sign3A_63 = arith.constant 0 : i32
      %sign3A_64 = arith.cmpi slt, %jit3A, %sign3A_63 : i32
      %sign3A_65 = arith.extui %sign3A_64 : i1 to i32
      %sign3A_66 = arith.subi %sign3A_62, %sign3A_65 : i32
      %ne3A = arith.cmpi ne, %sign3A_59, %sign3A_66 : i32
      %rem3A_67 = arith.remsi %scan3A_37, %jit3A : i32
      %ne3A_68 = arith.constant 0 : i32
      %ne3A_69 = arith.cmpi ne, %rem3A_67, %ne3A_68 : i32
      %and3A = arith.andi %ne3A, %ne3A_69 : i1
      %sub3A_70 = arith.constant 1 : i32
      %sub3A_71 = arith.subi %div3A, %sub3A_70 : i32
      %select_n3A = arith.select %and3A, %sub3A_71, %div3A : i32
      %mul3A_72 = arith.constant 16 : i32
      %mul3A_73 = arith.muli %select_n3A, %mul3A_72 : i32
      %sub3A_74 = arith.subi %scan3A_37, %mul3A_73 : i32
      %mul3A_75 = arith.constant 16 : i32
      %mul3A_76 = arith.muli %select_n3A, %mul3A_75 : i32
      %get3A = arith.index_cast %mul3A_76 : i32 to index
      %get3A_77 = tpu.vector_load %arg8[%get3A] {strides = array<i32>} : memref<128xi32, #tpu.memory_space<vmem>>, vector<16xi32>,
      %broadcast_in_dim3A_78 = vector.broadcast %sub3A_74 : i32 to vector<16xi32>
      %lt3A_79 = arith.constant 0 : i32
      %lt3A_80 = vector.broadcast %lt3A_79 : i32 to vector<16xi32>
      %lt3A_81 = arith.cmpi slt, %broadcast_in_dim3A_78, %lt3A_80 : vector<16xi32>
      %add3A_82 = arith.constant 16 : i32
      %add3A_83 = vector.broadcast %add3A_82 : i32 to vector<16xi32>
      %add3A_84 = arith.addi %broadcast_in_dim3A_78, %add3A_83 : vector<16xi32>
      %select_n3A_85 = arith.select %lt3A_81, %add3A_84, %broadcast_in_dim3A_78 : vector<16xi1>, vector<16xi32>
      %broadcast_in_dim3A_86 = vector.shape_cast %select_n3A_85 : vector<16xi32> to vector<16x1xi32>
      %gather3A = vector.shape_cast %broadcast_in_dim3A_86 : vector<16x1xi32> to vector<16xi32>
      %gather3A_87 = tpu.dynamic_gather %get3A_77[%gather3A] in [0] : vector<16xi32>, vector<16xi32> -> vector<16xi32>
      %broadcast_in_dim3A_88 = arith.constant -2147483648 : i32
      %broadcast_in_dim3A_89 = vector.broadcast %broadcast_in_dim3A_88 : i32 to vector<16xi32>
      %swap3A = arith.constant 0 : index
      %swap3A_90 = tpu.vector_load %arg9[%swap3A] {strides = array<i32>} : memref<5136xi32, #tpu.memory_space<vmem>>, vector<16xi32>,
      tpu.vector_store %arg9[%swap3A], %broadcast_in_dim3A_89 {strides = array<i32>} : memref<5136xi32, #tpu.memory_space<vmem>>, vector<16xi32>,
      %broadcast_in_dim3A_91 = arith.constant 0 : i32
      %broadcast_in_dim3A_92 = vector.broadcast %broadcast_in_dim3A_91 : i32 to vector<16xi32>
      %swap3A_93 = arith.constant 0 : index
      %swap3A_94 = tpu.vector_load %arg10[%swap3A_93] {strides = array<i32>} : memref<5136xi32, #tpu.memory_space<vmem>>, vector<16xi32>,
      tpu.vector_store %arg10[%swap3A_93], %broadcast_in_dim3A_92 {strides = array<i32>} : memref<5136xi32, #tpu.memory_space<vmem>>, vector<16xi32>,
      %broadcast_in_dim3A_95 = arith.constant -2147483648 : i32
      %broadcast_in_dim3A_96 = vector.broadcast %broadcast_in_dim3A_95 : i32 to vector<16xi32>
      %swap3A_97 = arith.constant 16 : index
      %swap3A_98 = tpu.vector_load %arg9[%swap3A_97] {strides = array<i32>} : memref<5136xi32, #tpu.memory_space<vmem>>, vector<16xi32>,
      tpu.vector_store %arg9[%swap3A_97], %broadcast_in_dim3A_96 {strides = array<i32>} : memref<5136xi32, #tpu.memory_space<vmem>>, vector<16xi32>,
      %broadcast_in_dim3A_99 = arith.constant 0 : i32
      %broadcast_in_dim3A_100 = vector.broadcast %broadcast_in_dim3A_99 : i32 to vector<16xi32>
      %swap3A_101 = arith.constant 16 : index
      %swap3A_102 = tpu.vector_load %arg10[%swap3A_101] {strides = array<i32>} : memref<5136xi32, #tpu.memory_space<vmem>>, vector<16xi32>,
      tpu.vector_store %arg10[%swap3A_101], %broadcast_in_dim3A_100 {strides = array<i32>} : memref<5136xi32, #tpu.memory_space<vmem>>, vector<16xi32>,
      %broadcast_in_dim3A_103 = arith.constant -2147483648 : i32
      %broadcast_in_dim3A_104 = vector.broadcast %broadcast_in_dim3A_103 : i32 to vector<16xi32>
      %swap3A_105 = arith.constant 32 : index
      %swap3A_106 = tpu.vector_load %arg9[%swap3A_105] {strides = array<i32>} : memref<5136xi32, #tpu.memory_space<vmem>>, vector<16xi32>,
      tpu.vector_store %arg9[%swap3A_105], %broadcast_in_dim3A_104 {strides = array<i32>} : memref<5136xi32, #tpu.memory_space<vmem>>, vector<16xi32>,
      %broadcast_in_dim3A_107 = arith.constant 0 : i32
      %broadcast_in_dim3A_108 = vector.broadcast %broadcast_in_dim3A_107 : i32 to vector<16xi32>
      %swap3A_109 = arith.constant 32 : index
      %swap3A_110 = tpu.vector_load %arg10[%swap3A_109] {strides = array<i32>} : memref<5136xi32, #tpu.memory_space<vmem>>, vector<16xi32>,
      tpu.vector_store %arg10[%swap3A_109], %broadcast_in_dim3A_108 {strides = array<i32>} : memref<5136xi32, #tpu.memory_space<vmem>>, vector<16xi32>,
      %broadcast_in_dim3A_111 = arith.constant -2147483648 : i32
      %broadcast_in_dim3A_112 = vector.broadcast %broadcast_in_dim3A_111 : i32 to vector<16xi32>
      %swap3A_113 = arith.constant 48 : index
      %swap3A_114 = tpu.vector_load %arg9[%swap3A_113] {strides = array<i32>} : memref<5136xi32, #tpu.memory_space<vmem>>, vector<16xi32>,
      tpu.vector_store %arg9[%swap3A_113], %broadcast_in_dim3A_112 {strides = array<i32>} : memref<5136xi32, #tpu.memory_space<vmem>>, vector<16xi32>,
      %broadcast_in_dim3A_115 = arith.constant 0 : i32
      %broadcast_in_dim3A_116 = vector.broadcast %broadcast_in_dim3A_115 : i32 to vector<16xi32>
      %swap3A_117 = arith.constant 48 : index
      %swap3A_118 = tpu.vector_load %arg10[%swap3A_117] {strides = array<i32>} : memref<5136xi32, #tpu.memory_space<vmem>>, vector<16xi32>,
      tpu.vector_store %arg10[%swap3A_117], %broadcast_in_dim3A_116 {strides = array<i32>} : memref<5136xi32, #tpu.memory_space<vmem>>, vector<16xi32>,
      %broadcast_in_dim3A_119 = arith.constant -2147483648 : i32
      %broadcast_in_dim3A_120 = vector.broadcast %broadcast_in_dim3A_119 : i32 to vector<16xi32>
      %swap3A_121 = arith.constant 64 : index
      %swap3A_122 = tpu.vector_load %arg9[%swap3A_121] {strides = array<i32>} : memref<5136xi32, #tpu.memory_space<vmem>>, vector<16xi32>,
      tpu.vector_store %arg9[%swap3A_121], %broadcast_in_dim3A_120 {strides = array<i32>} : memref<5136xi32, #tpu.memory_space<vmem>>, vector<16xi32>,
      %broadcast_in_dim3A_123 = arith.constant 0 : i32
      %broadcast_in_dim3A_124 = vector.broadcast %broadcast_in_dim3A_123 : i32 to vector<16xi32>
      %swap3A_125 = arith.constant 64 : index
      %swap3A_126 = tpu.vector_load %arg10[%swap3A_125] {strides = array<i32>} : memref<5136xi32, #tpu.memory_space<vmem>>, vector<16xi32>,
      tpu.vector_store %arg10[%swap3A_125], %broadcast_in_dim3A_124 {strides = array<i32>} : memref<5136xi32, #tpu.memory_space<vmem>>, vector<16xi32>,
      %broadcast_in_dim3A_127 = arith.constant -2147483648 : i32
      %broadcast_in_dim3A_128 = vector.broadcast %broadcast_in_dim3A_127 : i32 to vector<16xi32>
      %swap3A_129 = arith.constant 80 : index
      %swap3A_130 = tpu.vector_load %arg9[%swap3A_129] {strides = array<i32>} : memref<5136xi32, #tpu.memory_space<vmem>>, vector<16xi32>,
      tpu.vector_store %arg9[%swap3A_129], %broadcast_in_dim3A_128 {strides = array<i32>} : memref<5136xi32, #tpu.memory_space<vmem>>, vector<16xi32>,
      %broadcast_in_dim3A_131 = arith.constant 0 : i32
      %broadcast_in_dim3A_132 = vector.broadcast %broadcast_in_dim3A_131 : i32 to vector<16xi32>
      %swap3A_133 = arith.constant 80 : index
      %swap3A_134 = tpu.vector_load %arg10[%swap3A_133] {strides = array<i32>} : memref<5136xi32, #tpu.memory_space<vmem>>, vector<16xi32>,
      tpu.vector_store %arg10[%swap3A_133], %broadcast_in_dim3A_132 {strides = array<i32>} : memref<5136xi32, #tpu.memory_space<vmem>>, vector<16xi32>,
      %broadcast_in_dim3A_135 = arith.constant -2147483648 : i32
      %broadcast_in_dim3A_136 = vector.broadcast %broadcast_in_dim3A_135 : i32 to vector<16xi32>
      %swap3A_137 = arith.constant 96 : index
      %swap3A_138 = tpu.vector_load %arg9[%swap3A_137] {strides = array<i32>} : memref<5136xi32, #tpu.memory_space<vmem>>, vector<16xi32>,
      tpu.vector_store %arg9[%swap3A_137], %broadcast_in_dim3A_136 {strides = array<i32>} : memref<5136xi32, #tpu.memory_space<vmem>>, vector<16xi32>,
      %broadcast_in_dim3A_139 = arith.constant 0 : i32
      %broadcast_in_dim3A_140 = vector.broadcast %broadcast_in_dim3A_139 : i32 to vector<16xi32>
      %swap3A_141 = arith.constant 96 : index
      %swap3A_142 = tpu.vector_load %arg10[%swap3A_141] {strides = array<i32>} : memref<5136xi32, #tpu.memory_space<vmem>>, vector<16xi32>,
      tpu.vector_store %arg10[%swap3A_141], %broadcast_in_dim3A_140 {strides = array<i32>} : memref<5136xi32, #tpu.memory_space<vmem>>, vector<16xi32>,
      %broadcast_in_dim3A_143 = arith.constant -2147483648 : i32
      %broadcast_in_dim3A_144 = vector.broadcast %broadcast_in_dim3A_143 : i32 to vector<16xi32>
      %swap3A_145 = arith.constant 112 : index
      %swap3A_146 = tpu.vector_load %arg9[%swap3A_145] {strides = array<i32>} : memref<5136xi32, #tpu.memory_space<vmem>>, vector<16xi32>,
      tpu.vector_store %arg9[%swap3A_145], %broadcast_in_dim3A_144 {strides = array<i32>} : memref<5136xi32, #tpu.memory_space<vmem>>, vector<16xi32>,
      %broadcast_in_dim3A_147 = arith.constant 0 : i32
      %broadcast_in_dim3A_148 = vector.broadcast %broadcast_in_dim3A_147 : i32 to vector<16xi32>
      %swap3A_149 = arith.constant 112 : index
      %swap3A_150 = tpu.vector_load %arg10[%swap3A_149] {strides = array<i32>} : memref<5136xi32, #tpu.memory_space<vmem>>, vector<16xi32>,
      tpu.vector_store %arg10[%swap3A_149], %broadcast_in_dim3A_148 {strides = array<i32>} : memref<5136xi32, #tpu.memory_space<vmem>>, vector<16xi32>,
      %broadcast_in_dim3A_151 = arith.constant 0 : i32
      %broadcast_in_dim3A_152 = vector.broadcast %broadcast_in_dim3A_151 : i32 to vector<16xi32>
      %parallel_loop3A = arith.constant 0 : i32
      %parallel_loop3A_153 = arith.constant 320 : i32
      %parallel_loop3A_154 = arith.constant 1 : i32
      %parallel_loop3A_155 = scf.for %parallel_loop3A_1086 = %parallel_loop3A to %parallel_loop3A_153 step %parallel_loop3A_154 iter_args(%parallel_loop3A_1087 = %broadcast_in_dim3A_152) -> (vector<16xi32>)  : i32 {
        %parallel_loop3A_1088 = arith.constant 5120 : i32
        %parallel_loop3A_1089 = arith.muli %rem3A_38, %parallel_loop3A_1088 : i32
        %parallel_loop3A_1090 = arith.constant 16 : i32
        %parallel_loop3A_1091 = arith.muli %parallel_loop3A_1086, %parallel_loop3A_1090 : i32
        %parallel_loop3A_1092 = arith.addi %parallel_loop3A_1089, %parallel_loop3A_1091 : i32
        %parallel_loop3A_1093 = arith.index_cast %parallel_loop3A_1092 : i32 to index
        %parallel_loop3A_1094 = tpu.vector_load %arg7[%parallel_loop3A_1093] {strides = array<i32>} : memref<10240xi32, #tpu.memory_space<vmem>>, vector<16xi32>,
        %parallel_loop3A_1095 = arith.cmpi sge, %parallel_loop3A_1094, %gather3A_87 : vector<16xi32>
        %parallel_loop3A_1096 = arith.constant 1 : i32
        %parallel_loop3A_1097 = arith.constant 0 : i32
        %parallel_loop3A_1098 = vector.broadcast %parallel_loop3A_1096 : i32 to vector<16xi32>
        %parallel_loop3A_1099 = vector.broadcast %parallel_loop3A_1097 : i32 to vector<16xi32>
        %parallel_loop3A_1100 = arith.select %parallel_loop3A_1095, %parallel_loop3A_1098, %parallel_loop3A_1099 : vector<16xi1>, vector<16xi32>
        %parallel_loop3A_1101 = arith.constant true
        %parallel_loop3A_1102 = vector.broadcast %parallel_loop3A_1101 : i1 to vector<16xi1>
        %parallel_loop3A_1103 = tpu.scan <sum>, %parallel_loop3A_1100 masked %parallel_loop3A_1102 : vector<16xi32>, vector<16xi1> -> vector<16xi32>
        %parallel_loop3A_1104 = arith.addi %parallel_loop3A_1087, %parallel_loop3A_1103 : vector<16xi32>
        %parallel_loop3A_1105 = arith.constant 1 : i32
        %parallel_loop3A_1106 = vector.broadcast %parallel_loop3A_1105 : i32 to vector<16xi32>
        %parallel_loop3A_1107 = arith.subi %parallel_loop3A_1104, %parallel_loop3A_1106 : vector<16xi32>
        tpu.vector_store_idx %arg9[%parallel_loop3A_1107], %parallel_loop3A_1094 masked %parallel_loop3A_1095 : memref<5136xi32, #tpu.memory_space<vmem>>[vector<16xi32>], vector<16xi32>, vector<16xi1>
        %parallel_loop3A_1108 = arith.constant 16 : i32
        %parallel_loop3A_1109 = arith.muli %parallel_loop3A_1086, %parallel_loop3A_1108 : i32
        %parallel_loop3A_1110 = vector.broadcast %parallel_loop3A_1109 : i32 to vector<16xi32>
        %parallel_loop3A_1111 = arith.addi %iota3A, %parallel_loop3A_1110 : vector<16xi32>
        tpu.vector_store_idx %arg10[%parallel_loop3A_1107], %parallel_loop3A_1111 masked %parallel_loop3A_1095 : memref<5136xi32, #tpu.memory_space<vmem>>[vector<16xi32>], vector<16xi32>, vector<16xi1>
        %parallel_loop3A_1112 = arith.constant 0 : i32
        %parallel_loop3A_1113 = vector.broadcast %parallel_loop3A_1112 : i32 to vector<16xi32>
        %parallel_loop3A_1114 = arith.cmpi slt, %broadcast_in_dim3A_12, %parallel_loop3A_1113 : vector<16xi32>
        %parallel_loop3A_1115 = arith.constant 16 : i32
        %parallel_loop3A_1116 = vector.broadcast %parallel_loop3A_1115 : i32 to vector<16xi32>
        %parallel_loop3A_1117 = arith.addi %broadcast_in_dim3A_12, %parallel_loop3A_1116 : vector<16xi32>
        %parallel_loop3A_1118 = arith.select %parallel_loop3A_1114, %parallel_loop3A_1117, %broadcast_in_dim3A_12 : vector<16xi1>, vector<16xi32>
        %parallel_loop3A_1119 = vector.shape_cast %parallel_loop3A_1118 : vector<16xi32> to vector<16x1xi32>
        %parallel_loop3A_1120 = vector.shape_cast %parallel_loop3A_1119 : vector<16x1xi32> to vector<16xi32>
        %parallel_loop3A_1121 = tpu.dynamic_gather %parallel_loop3A_1103[%parallel_loop3A_1120] in [0] : vector<16xi32>, vector<16xi32> -> vector<16xi32>
        %parallel_loop3A_1122 = arith.addi %parallel_loop3A_1087, %parallel_loop3A_1121 : vector<16xi32>
        scf.yield %parallel_loop3A_1122 : vector<16xi32>
      } {sc.loop_unroll_factor = 4 : i64, sc.parallel_access}
      %get3A_156 = arith.constant 0 : index
      %get3A_157 = tpu.vector_load %arg9[%get3A_156] {strides = array<i32>} : memref<5136xi32, #tpu.memory_space<vmem>>, vector<16xi32>,
      %get3A_158 = arith.constant 0 : index
      %get3A_159 = tpu.vector_load %arg10[%get3A_158] {strides = array<i32>} : memref<5136xi32, #tpu.memory_space<vmem>>, vector<16xi32>,
      %get3A_160 = arith.constant 16 : index
      %get3A_161 = tpu.vector_load %arg9[%get3A_160] {strides = array<i32>} : memref<5136xi32, #tpu.memory_space<vmem>>, vector<16xi32>,
      %get3A_162 = arith.constant 16 : index
      %get3A_163 = tpu.vector_load %arg10[%get3A_162] {strides = array<i32>} : memref<5136xi32, #tpu.memory_space<vmem>>, vector<16xi32>,
      %get3A_164 = arith.constant 32 : index
      %get3A_165 = tpu.vector_load %arg9[%get3A_164] {strides = array<i32>} : memref<5136xi32, #tpu.memory_space<vmem>>, vector<16xi32>,
      %get3A_166 = arith.constant 32 : index
      %get3A_167 = tpu.vector_load %arg10[%get3A_166] {strides = array<i32>} : memref<5136xi32, #tpu.memory_space<vmem>>, vector<16xi32>,
      %get3A_168 = arith.constant 48 : index
      %get3A_169 = tpu.vector_load %arg9[%get3A_168] {strides = array<i32>} : memref<5136xi32, #tpu.memory_space<vmem>>, vector<16xi32>,
      %get3A_170 = arith.constant 48 : index
      %get3A_171 = tpu.vector_load %arg10[%get3A_170] {strides = array<i32>} : memref<5136xi32, #tpu.memory_space<vmem>>, vector<16xi32>,
      %get3A_172 = arith.constant 64 : index
      %get3A_173 = tpu.vector_load %arg9[%get3A_172] {strides = array<i32>} : memref<5136xi32, #tpu.memory_space<vmem>>, vector<16xi32>,
      %get3A_174 = arith.constant 64 : index
      %get3A_175 = tpu.vector_load %arg10[%get3A_174] {strides = array<i32>} : memref<5136xi32, #tpu.memory_space<vmem>>, vector<16xi32>,
      %get3A_176 = arith.constant 80 : index
      %get3A_177 = tpu.vector_load %arg9[%get3A_176] {strides = array<i32>} : memref<5136xi32, #tpu.memory_space<vmem>>, vector<16xi32>,
      %get3A_178 = arith.constant 80 : index
      %get3A_179 = tpu.vector_load %arg10[%get3A_178] {strides = array<i32>} : memref<5136xi32, #tpu.memory_space<vmem>>, vector<16xi32>,
      %get3A_180 = arith.constant 96 : index
      %get3A_181 = tpu.vector_load %arg9[%get3A_180] {strides = array<i32>} : memref<5136xi32, #tpu.memory_space<vmem>>, vector<16xi32>,
      %get3A_182 = arith.constant 96 : index
      %get3A_183 = tpu.vector_load %arg10[%get3A_182] {strides = array<i32>} : memref<5136xi32, #tpu.memory_space<vmem>>, vector<16xi32>,
      %get3A_184 = arith.constant 112 : index
      %get3A_185 = tpu.vector_load %arg9[%get3A_184] {strides = array<i32>} : memref<5136xi32, #tpu.memory_space<vmem>>, vector<16xi32>,
      %get3A_186 = arith.constant 112 : index
      %get3A_187 = tpu.vector_load %arg10[%get3A_186] {strides = array<i32>} : memref<5136xi32, #tpu.memory_space<vmem>>, vector<16xi32>,
      %masked_sort3A = arith.constant dense<true> : vector<16xi1>
      %masked_sort3A_188 = arith.constant -2147483648 : i32
      %masked_sort3A_189 = vector.broadcast %masked_sort3A_188 : i32 to vector<16xi32>
      %masked_sort3A_190 = arith.xori %get3A_157, %masked_sort3A_189 : vector<16xi32>
      %masked_sort3A_191, %masked_sort3A_192, %masked_sort3A_193 = tpu.sort %masked_sort3A_190, %get3A_159 masked %masked_sort3A {descending = true} : (vector<16xi32>, vector<16xi32>, vector<16xi1>) -> (vector<16xi1>, vector<16xi32>, vector<16xi32>)
      %masked_sort3A_194 = arith.xori %masked_sort3A_192, %masked_sort3A_189 : vector<16xi32>
      %masked_sort3A_195 = arith.constant dense<true> : vector<16xi1>
      %masked_sort3A_196 = arith.constant -2147483648 : i32
      %masked_sort3A_197 = vector.broadcast %masked_sort3A_196 : i32 to vector<16xi32>
      %masked_sort3A_198 = arith.xori %get3A_161, %masked_sort3A_197 : vector<16xi32>
      %masked_sort3A_199, %masked_sort3A_200, %masked_sort3A_201 = tpu.sort %masked_sort3A_198, %get3A_163 masked %masked_sort3A_195 {descending = true} : (vector<16xi32>, vector<16xi32>, vector<16xi1>) -> (vector<16xi1>, vector<16xi32>, vector<16xi32>)
      %masked_sort3A_202 = arith.xori %masked_sort3A_200, %masked_sort3A_197 : vector<16xi32>
      %masked_sort3A_203 = arith.constant dense<true> : vector<16xi1>
      %masked_sort3A_204 = arith.constant -2147483648 : i32
      %masked_sort3A_205 = vector.broadcast %masked_sort3A_204 : i32 to vector<16xi32>
      %masked_sort3A_206 = arith.xori %get3A_165, %masked_sort3A_205 : vector<16xi32>
      %masked_sort3A_207, %masked_sort3A_208, %masked_sort3A_209 = tpu.sort %masked_sort3A_206, %get3A_167 masked %masked_sort3A_203 {descending = true} : (vector<16xi32>, vector<16xi32>, vector<16xi1>) -> (vector<16xi1>, vector<16xi32>, vector<16xi32>)
      %masked_sort3A_210 = arith.xori %masked_sort3A_208, %masked_sort3A_205 : vector<16xi32>
      %masked_sort3A_211 = arith.constant dense<true> : vector<16xi1>
      %masked_sort3A_212 = arith.constant -2147483648 : i32
      %masked_sort3A_213 = vector.broadcast %masked_sort3A_212 : i32 to vector<16xi32>
      %masked_sort3A_214 = arith.xori %get3A_169, %masked_sort3A_213 : vector<16xi32>
      %masked_sort3A_215, %masked_sort3A_216, %masked_sort3A_217 = tpu.sort %masked_sort3A_214, %get3A_171 masked %masked_sort3A_211 {descending = true} : (vector<16xi32>, vector<16xi32>, vector<16xi1>) -> (vector<16xi1>, vector<16xi32>, vector<16xi32>)
      %masked_sort3A_218 = arith.xori %masked_sort3A_216, %masked_sort3A_213 : vector<16xi32>
      %masked_sort3A_219 = arith.constant dense<true> : vector<16xi1>
      %masked_sort3A_220 = arith.constant -2147483648 : i32
      %masked_sort3A_221 = vector.broadcast %masked_sort3A_220 : i32 to vector<16xi32>
      %masked_sort3A_222 = arith.xori %get3A_173, %masked_sort3A_221 : vector<16xi32>
      %masked_sort3A_223, %masked_sort3A_224, %masked_sort3A_225 = tpu.sort %masked_sort3A_222, %get3A_175 masked %masked_sort3A_219 {descending = true} : (vector<16xi32>, vector<16xi32>, vector<16xi1>) -> (vector<16xi1>, vector<16xi32>, vector<16xi32>)
      %masked_sort3A_226 = arith.xori %masked_sort3A_224, %masked_sort3A_221 : vector<16xi32>
      %masked_sort3A_227 = arith.constant dense<true> : vector<16xi1>
      %masked_sort3A_228 = arith.constant -2147483648 : i32
      %masked_sort3A_229 = vector.broadcast %masked_sort3A_228 : i32 to vector<16xi32>
      %masked_sort3A_230 = arith.xori %get3A_177, %masked_sort3A_229 : vector<16xi32>
      %masked_sort3A_231, %masked_sort3A_232, %masked_sort3A_233 = tpu.sort %masked_sort3A_230, %get3A_179 masked %masked_sort3A_227 {descending = true} : (vector<16xi32>, vector<16xi32>, vector<16xi1>) -> (vector<16xi1>, vector<16xi32>, vector<16xi32>)
      %masked_sort3A_234 = arith.xori %masked_sort3A_232, %masked_sort3A_229 : vector<16xi32>
      %masked_sort3A_235 = arith.constant dense<true> : vector<16xi1>
      %masked_sort3A_236 = arith.constant -2147483648 : i32
      %masked_sort3A_237 = vector.broadcast %masked_sort3A_236 : i32 to vector<16xi32>
      %masked_sort3A_238 = arith.xori %get3A_181, %masked_sort3A_237 : vector<16xi32>
      %masked_sort3A_239, %masked_sort3A_240, %masked_sort3A_241 = tpu.sort %masked_sort3A_238, %get3A_183 masked %masked_sort3A_235 {descending = true} : (vector<16xi32>, vector<16xi32>, vector<16xi1>) -> (vector<16xi1>, vector<16xi32>, vector<16xi32>)
      %masked_sort3A_242 = arith.xori %masked_sort3A_240, %masked_sort3A_237 : vector<16xi32>
      %masked_sort3A_243 = arith.constant dense<true> : vector<16xi1>
      %masked_sort3A_244 = arith.constant -2147483648 : i32
      %masked_sort3A_245 = vector.broadcast %masked_sort3A_244 : i32 to vector<16xi32>
      %masked_sort3A_246 = arith.xori %get3A_185, %masked_sort3A_245 : vector<16xi32>
      %masked_sort3A_247, %masked_sort3A_248, %masked_sort3A_249 = tpu.sort %masked_sort3A_246, %get3A_187 masked %masked_sort3A_243 {descending = true} : (vector<16xi32>, vector<16xi32>, vector<16xi1>) -> (vector<16xi1>, vector<16xi32>, vector<16xi32>)
      %masked_sort3A_250 = arith.xori %masked_sort3A_248, %masked_sort3A_245 : vector<16xi32>
      %rev3A = arith.constant 15 : i32
      %rev3A_251 = vector.broadcast %rev3A : i32 to vector<16xi32>
      %rev3A_252 = tpu.iota {dimensions = array<i32: 0>} : vector<16xi32>
      %rev3A_253 = arith.subi %rev3A_251, %rev3A_252 : vector<16xi32>
      %rev3A_254 = tpu.dynamic_gather %masked_sort3A_202[%rev3A_253] in [0] : vector<16xi32>, vector<16xi32> -> vector<16xi32>
      %rev3A_255 = arith.constant 15 : i32
      %rev3A_256 = vector.broadcast %rev3A_255 : i32 to vector<16xi32>
      %rev3A_257 = tpu.iota {dimensions = array<i32: 0>} : vector<16xi32>
      %rev3A_258 = arith.subi %rev3A_256, %rev3A_257 : vector<16xi32>
      %rev3A_259 = tpu.dynamic_gather %masked_sort3A_201[%rev3A_258] in [0] : vector<16xi32>, vector<16xi32> -> vector<16xi32>
      %ge3A = arith.cmpi sge, %masked_sort3A_194, %rev3A_254 : vector<16xi32>
      %select_n3A_260 = arith.select %ge3A, %masked_sort3A_194, %rev3A_254 : vector<16xi1>, vector<16xi32>
      %select_n3A_261 = arith.select %ge3A, %masked_sort3A_193, %rev3A_259 : vector<16xi1>, vector<16xi32>
      %select_n3A_262 = arith.select %ge3A, %rev3A_254, %masked_sort3A_194 : vector<16xi1>, vector<16xi32>
      %select_n3A_263 = arith.select %ge3A, %rev3A_259, %masked_sort3A_193 : vector<16xi1>, vector<16xi32>
      %masked_sort3A_264 = arith.constant dense<true> : vector<16xi1>
      %masked_sort3A_265 = arith.constant -2147483648 : i32
      %masked_sort3A_266 = vector.broadcast %masked_sort3A_265 : i32 to vector<16xi32>
      %masked_sort3A_267 = arith.xori %select_n3A_260, %masked_sort3A_266 : vector<16xi32>
      %masked_sort3A_268, %masked_sort3A_269, %masked_sort3A_270 = tpu.sort %masked_sort3A_267, %select_n3A_261 masked %masked_sort3A_264 {descending = true} : (vector<16xi32>, vector<16xi32>, vector<16xi1>) -> (vector<16xi1>, vector<16xi32>, vector<16xi32>)
      %masked_sort3A_271 = arith.xori %masked_sort3A_269, %masked_sort3A_266 : vector<16xi32>
      %masked_sort3A_272 = arith.constant dense<true> : vector<16xi1>
      %masked_sort3A_273 = arith.constant -2147483648 : i32
      %masked_sort3A_274 = vector.broadcast %masked_sort3A_273 : i32 to vector<16xi32>
      %masked_sort3A_275 = arith.xori %select_n3A_262, %masked_sort3A_274 : vector<16xi32>
      %masked_sort3A_276, %masked_sort3A_277, %masked_sort3A_278 = tpu.sort %masked_sort3A_275, %select_n3A_263 masked %masked_sort3A_272 {descending = true} : (vector<16xi32>, vector<16xi32>, vector<16xi1>) -> (vector<16xi1>, vector<16xi32>, vector<16xi32>)
      %masked_sort3A_279 = arith.xori %masked_sort3A_277, %masked_sort3A_274 : vector<16xi32>
      %rev3A_280 = arith.constant 15 : i32
      %rev3A_281 = vector.broadcast %rev3A_280 : i32 to vector<16xi32>
      %rev3A_282 = tpu.iota {dimensions = array<i32: 0>} : vector<16xi32>
      %rev3A_283 = arith.subi %rev3A_281, %rev3A_282 : vector<16xi32>
      %rev3A_284 = tpu.dynamic_gather %masked_sort3A_218[%rev3A_283] in [0] : vector<16xi32>, vector<16xi32> -> vector<16xi32>
      %rev3A_285 = arith.constant 15 : i32
      %rev3A_286 = vector.broadcast %rev3A_285 : i32 to vector<16xi32>
      %rev3A_287 = tpu.iota {dimensions = array<i32: 0>} : vector<16xi32>
      %rev3A_288 = arith.subi %rev3A_286, %rev3A_287 : vector<16xi32>
      %rev3A_289 = tpu.dynamic_gather %masked_sort3A_217[%rev3A_288] in [0] : vector<16xi32>, vector<16xi32> -> vector<16xi32>
      %ge3A_290 = arith.cmpi sge, %masked_sort3A_210, %rev3A_284 : vector<16xi32>
      %select_n3A_291 = arith.select %ge3A_290, %masked_sort3A_210, %rev3A_284 : vector<16xi1>, vector<16xi32>
      %select_n3A_292 = arith.select %ge3A_290, %masked_sort3A_209, %rev3A_289 : vector<16xi1>, vector<16xi32>
      %select_n3A_293 = arith.select %ge3A_290, %rev3A_284, %masked_sort3A_210 : vector<16xi1>, vector<16xi32>
      %select_n3A_294 = arith.select %ge3A_290, %rev3A_289, %masked_sort3A_209 : vector<16xi1>, vector<16xi32>
      %masked_sort3A_295 = arith.constant dense<true> : vector<16xi1>
      %masked_sort3A_296 = arith.constant -2147483648 : i32
      %masked_sort3A_297 = vector.broadcast %masked_sort3A_296 : i32 to vector<16xi32>
      %masked_sort3A_298 = arith.xori %select_n3A_291, %masked_sort3A_297 : vector<16xi32>
      %masked_sort3A_299, %masked_sort3A_300, %masked_sort3A_301 = tpu.sort %masked_sort3A_298, %select_n3A_292 masked %masked_sort3A_295 {descending = true} : (vector<16xi32>, vector<16xi32>, vector<16xi1>) -> (vector<16xi1>, vector<16xi32>, vector<16xi32>)
      %masked_sort3A_302 = arith.xori %masked_sort3A_300, %masked_sort3A_297 : vector<16xi32>
      %masked_sort3A_303 = arith.constant dense<true> : vector<16xi1>
      %masked_sort3A_304 = arith.constant -2147483648 : i32
      %masked_sort3A_305 = vector.broadcast %masked_sort3A_304 : i32 to vector<16xi32>
      %masked_sort3A_306 = arith.xori %select_n3A_293, %masked_sort3A_305 : vector<16xi32>
      %masked_sort3A_307, %masked_sort3A_308, %masked_sort3A_309 = tpu.sort %masked_sort3A_306, %select_n3A_294 masked %masked_sort3A_303 {descending = true} : (vector<16xi32>, vector<16xi32>, vector<16xi1>) -> (vector<16xi1>, vector<16xi32>, vector<16xi32>)
      %masked_sort3A_310 = arith.xori %masked_sort3A_308, %masked_sort3A_305 : vector<16xi32>
      %rev3A_311 = arith.constant 15 : i32
      %rev3A_312 = vector.broadcast %rev3A_311 : i32 to vector<16xi32>
      %rev3A_313 = tpu.iota {dimensions = array<i32: 0>} : vector<16xi32>
      %rev3A_314 = arith.subi %rev3A_312, %rev3A_313 : vector<16xi32>
      %rev3A_315 = tpu.dynamic_gather %masked_sort3A_234[%rev3A_314] in [0] : vector<16xi32>, vector<16xi32> -> vector<16xi32>
      %rev3A_316 = arith.constant 15 : i32
      %rev3A_317 = vector.broadcast %rev3A_316 : i32 to vector<16xi32>
      %rev3A_318 = tpu.iota {dimensions = array<i32: 0>} : vector<16xi32>
      %rev3A_319 = arith.subi %rev3A_317, %rev3A_318 : vector<16xi32>
      %rev3A_320 = tpu.dynamic_gather %masked_sort3A_233[%rev3A_319] in [0] : vector<16xi32>, vector<16xi32> -> vector<16xi32>
      %ge3A_321 = arith.cmpi sge, %masked_sort3A_226, %rev3A_315 : vector<16xi32>
      %select_n3A_322 = arith.select %ge3A_321, %masked_sort3A_226, %rev3A_315 : vector<16xi1>, vector<16xi32>
      %select_n3A_323 = arith.select %ge3A_321, %masked_sort3A_225, %rev3A_320 : vector<16xi1>, vector<16xi32>
      %select_n3A_324 = arith.select %ge3A_321, %rev3A_315, %masked_sort3A_226 : vector<16xi1>, vector<16xi32>
      %select_n3A_325 = arith.select %ge3A_321, %rev3A_320, %masked_sort3A_225 : vector<16xi1>, vector<16xi32>
      %masked_sort3A_326 = arith.constant dense<true> : vector<16xi1>
      %masked_sort3A_327 = arith.constant -2147483648 : i32
      %masked_sort3A_328 = vector.broadcast %masked_sort3A_327 : i32 to vector<16xi32>
      %masked_sort3A_329 = arith.xori %select_n3A_322, %masked_sort3A_328 : vector<16xi32>
      %masked_sort3A_330, %masked_sort3A_331, %masked_sort3A_332 = tpu.sort %masked_sort3A_329, %select_n3A_323 masked %masked_sort3A_326 {descending = true} : (vector<16xi32>, vector<16xi32>, vector<16xi1>) -> (vector<16xi1>, vector<16xi32>, vector<16xi32>)
      %masked_sort3A_333 = arith.xori %masked_sort3A_331, %masked_sort3A_328 : vector<16xi32>
      %masked_sort3A_334 = arith.constant dense<true> : vector<16xi1>
      %masked_sort3A_335 = arith.constant -2147483648 : i32
      %masked_sort3A_336 = vector.broadcast %masked_sort3A_335 : i32 to vector<16xi32>
      %masked_sort3A_337 = arith.xori %select_n3A_324, %masked_sort3A_336 : vector<16xi32>
      %masked_sort3A_338, %masked_sort3A_339, %masked_sort3A_340 = tpu.sort %masked_sort3A_337, %select_n3A_325 masked %masked_sort3A_334 {descending = true} : (vector<16xi32>, vector<16xi32>, vector<16xi1>) -> (vector<16xi1>, vector<16xi32>, vector<16xi32>)
      %masked_sort3A_341 = arith.xori %masked_sort3A_339, %masked_sort3A_336 : vector<16xi32>
      %rev3A_342 = arith.constant 15 : i32
      %rev3A_343 = vector.broadcast %rev3A_342 : i32 to vector<16xi32>
      %rev3A_344 = tpu.iota {dimensions = array<i32: 0>} : vector<16xi32>
      %rev3A_345 = arith.subi %rev3A_343, %rev3A_344 : vector<16xi32>
      %rev3A_346 = tpu.dynamic_gather %masked_sort3A_250[%rev3A_345] in [0] : vector<16xi32>, vector<16xi32> -> vector<16xi32>
      %rev3A_347 = arith.constant 15 : i32
      %rev3A_348 = vector.broadcast %rev3A_347 : i32 to vector<16xi32>
      %rev3A_349 = tpu.iota {dimensions = array<i32: 0>} : vector<16xi32>
      %rev3A_350 = arith.subi %rev3A_348, %rev3A_349 : vector<16xi32>
      %rev3A_351 = tpu.dynamic_gather %masked_sort3A_249[%rev3A_350] in [0] : vector<16xi32>, vector<16xi32> -> vector<16xi32>
      %ge3A_352 = arith.cmpi sge, %masked_sort3A_242, %rev3A_346 : vector<16xi32>
      %select_n3A_353 = arith.select %ge3A_352, %masked_sort3A_242, %rev3A_346 : vector<16xi1>, vector<16xi32>
      %select_n3A_354 = arith.select %ge3A_352, %masked_sort3A_241, %rev3A_351 : vector<16xi1>, vector<16xi32>
      %select_n3A_355 = arith.select %ge3A_352, %rev3A_346, %masked_sort3A_242 : vector<16xi1>, vector<16xi32>
      %select_n3A_356 = arith.select %ge3A_352, %rev3A_351, %masked_sort3A_241 : vector<16xi1>, vector<16xi32>
      %masked_sort3A_357 = arith.constant dense<true> : vector<16xi1>
      %masked_sort3A_358 = arith.constant -2147483648 : i32
      %masked_sort3A_359 = vector.broadcast %masked_sort3A_358 : i32 to vector<16xi32>
      %masked_sort3A_360 = arith.xori %select_n3A_353, %masked_sort3A_359 : vector<16xi32>
      %masked_sort3A_361, %masked_sort3A_362, %masked_sort3A_363 = tpu.sort %masked_sort3A_360, %select_n3A_354 masked %masked_sort3A_357 {descending = true} : (vector<16xi32>, vector<16xi32>, vector<16xi1>) -> (vector<16xi1>, vector<16xi32>, vector<16xi32>)
      %masked_sort3A_364 = arith.xori %masked_sort3A_362, %masked_sort3A_359 : vector<16xi32>
      %masked_sort3A_365 = arith.constant dense<true> : vector<16xi1>
      %masked_sort3A_366 = arith.constant -2147483648 : i32
      %masked_sort3A_367 = vector.broadcast %masked_sort3A_366 : i32 to vector<16xi32>
      %masked_sort3A_368 = arith.xori %select_n3A_355, %masked_sort3A_367 : vector<16xi32>
      %masked_sort3A_369, %masked_sort3A_370, %masked_sort3A_371 = tpu.sort %masked_sort3A_368, %select_n3A_356 masked %masked_sort3A_365 {descending = true} : (vector<16xi32>, vector<16xi32>, vector<16xi1>) -> (vector<16xi1>, vector<16xi32>, vector<16xi32>)
      %masked_sort3A_372 = arith.xori %masked_sort3A_370, %masked_sort3A_367 : vector<16xi32>
      %rev3A_373 = arith.constant 15 : i32
      %rev3A_374 = vector.broadcast %rev3A_373 : i32 to vector<16xi32>
      %rev3A_375 = tpu.iota {dimensions = array<i32: 0>} : vector<16xi32>
      %rev3A_376 = arith.subi %rev3A_374, %rev3A_375 : vector<16xi32>
      %rev3A_377 = tpu.dynamic_gather %masked_sort3A_310[%rev3A_376] in [0] : vector<16xi32>, vector<16xi32> -> vector<16xi32>
      %rev3A_378 = arith.constant 15 : i32
      %rev3A_379 = vector.broadcast %rev3A_378 : i32 to vector<16xi32>
      %rev3A_380 = tpu.iota {dimensions = array<i32: 0>} : vector<16xi32>
      %rev3A_381 = arith.subi %rev3A_379, %rev3A_380 : vector<16xi32>
      %rev3A_382 = tpu.dynamic_gather %masked_sort3A_309[%rev3A_381] in [0] : vector<16xi32>, vector<16xi32> -> vector<16xi32>
      %rev3A_383 = arith.constant 15 : i32
      %rev3A_384 = vector.broadcast %rev3A_383 : i32 to vector<16xi32>
      %rev3A_385 = tpu.iota {dimensions = array<i32: 0>} : vector<16xi32>
      %rev3A_386 = arith.subi %rev3A_384, %rev3A_385 : vector<16xi32>
      %rev3A_387 = tpu.dynamic_gather %masked_sort3A_302[%rev3A_386] in [0] : vector<16xi32>, vector<16xi32> -> vector<16xi32>
      %rev3A_388 = arith.constant 15 : i32
      %rev3A_389 = vector.broadcast %rev3A_388 : i32 to vector<16xi32>
      %rev3A_390 = tpu.iota {dimensions = array<i32: 0>} : vector<16xi32>
      %rev3A_391 = arith.subi %rev3A_389, %rev3A_390 : vector<16xi32>
      %rev3A_392 = tpu.dynamic_gather %masked_sort3A_301[%rev3A_391] in [0] : vector<16xi32>, vector<16xi32> -> vector<16xi32>
      %ge3A_393 = arith.cmpi sge, %masked_sort3A_271, %rev3A_377 : vector<16xi32>
      %select_n3A_394 = arith.select %ge3A_393, %masked_sort3A_271, %rev3A_377 : vector<16xi1>, vector<16xi32>
      %select_n3A_395 = arith.select %ge3A_393, %masked_sort3A_270, %rev3A_382 : vector<16xi1>, vector<16xi32>
      %select_n3A_396 = arith.select %ge3A_393, %rev3A_377, %masked_sort3A_271 : vector<16xi1>, vector<16xi32>
      %select_n3A_397 = arith.select %ge3A_393, %rev3A_382, %masked_sort3A_270 : vector<16xi1>, vector<16xi32>
      %ge3A_398 = arith.cmpi sge, %masked_sort3A_279, %rev3A_387 : vector<16xi32>
      %select_n3A_399 = arith.select %ge3A_398, %masked_sort3A_279, %rev3A_387 : vector<16xi1>, vector<16xi32>
      %select_n3A_400 = arith.select %ge3A_398, %masked_sort3A_278, %rev3A_392 : vector<16xi1>, vector<16xi32>
      %select_n3A_401 = arith.select %ge3A_398, %rev3A_387, %masked_sort3A_279 : vector<16xi1>, vector<16xi32>
      %select_n3A_402 = arith.select %ge3A_398, %rev3A_392, %masked_sort3A_278 : vector<16xi1>, vector<16xi32>
      %ge3A_403 = arith.cmpi sge, %select_n3A_394, %select_n3A_399 : vector<16xi32>
      %select_n3A_404 = arith.select %ge3A_403, %select_n3A_394, %select_n3A_399 : vector<16xi1>, vector<16xi32>
      %select_n3A_405 = arith.select %ge3A_403, %select_n3A_395, %select_n3A_400 : vector<16xi1>, vector<16xi32>
      %select_n3A_406 = arith.select %ge3A_403, %select_n3A_399, %select_n3A_394 : vector<16xi1>, vector<16xi32>
      %select_n3A_407 = arith.select %ge3A_403, %select_n3A_400, %select_n3A_395 : vector<16xi1>, vector<16xi32>
      %masked_sort3A_408 = arith.constant dense<true> : vector<16xi1>
      %masked_sort3A_409 = arith.constant -2147483648 : i32
      %masked_sort3A_410 = vector.broadcast %masked_sort3A_409 : i32 to vector<16xi32>
      %masked_sort3A_411 = arith.xori %select_n3A_404, %masked_sort3A_410 : vector<16xi32>
      %masked_sort3A_412, %masked_sort3A_413, %masked_sort3A_414 = tpu.sort %masked_sort3A_411, %select_n3A_405 masked %masked_sort3A_408 {descending = true} : (vector<16xi32>, vector<16xi32>, vector<16xi1>) -> (vector<16xi1>, vector<16xi32>, vector<16xi32>)
      %masked_sort3A_415 = arith.xori %masked_sort3A_413, %masked_sort3A_410 : vector<16xi32>
      %masked_sort3A_416 = arith.constant dense<true> : vector<16xi1>
      %masked_sort3A_417 = arith.constant -2147483648 : i32
      %masked_sort3A_418 = vector.broadcast %masked_sort3A_417 : i32 to vector<16xi32>
      %masked_sort3A_419 = arith.xori %select_n3A_406, %masked_sort3A_418 : vector<16xi32>
      %masked_sort3A_420, %masked_sort3A_421, %masked_sort3A_422 = tpu.sort %masked_sort3A_419, %select_n3A_407 masked %masked_sort3A_416 {descending = true} : (vector<16xi32>, vector<16xi32>, vector<16xi1>) -> (vector<16xi1>, vector<16xi32>, vector<16xi32>)
      %masked_sort3A_423 = arith.xori %masked_sort3A_421, %masked_sort3A_418 : vector<16xi32>
      %ge3A_424 = arith.cmpi sge, %select_n3A_396, %select_n3A_401 : vector<16xi32>
      %select_n3A_425 = arith.select %ge3A_424, %select_n3A_396, %select_n3A_401 : vector<16xi1>, vector<16xi32>
      %select_n3A_426 = arith.select %ge3A_424, %select_n3A_397, %select_n3A_402 : vector<16xi1>, vector<16xi32>
      %select_n3A_427 = arith.select %ge3A_424, %select_n3A_401, %select_n3A_396 : vector<16xi1>, vector<16xi32>
      %select_n3A_428 = arith.select %ge3A_424, %select_n3A_402, %select_n3A_397 : vector<16xi1>, vector<16xi32>
      %masked_sort3A_429 = arith.constant dense<true> : vector<16xi1>
      %masked_sort3A_430 = arith.constant -2147483648 : i32
      %masked_sort3A_431 = vector.broadcast %masked_sort3A_430 : i32 to vector<16xi32>
      %masked_sort3A_432 = arith.xori %select_n3A_425, %masked_sort3A_431 : vector<16xi32>
      %masked_sort3A_433, %masked_sort3A_434, %masked_sort3A_435 = tpu.sort %masked_sort3A_432, %select_n3A_426 masked %masked_sort3A_429 {descending = true} : (vector<16xi32>, vector<16xi32>, vector<16xi1>) -> (vector<16xi1>, vector<16xi32>, vector<16xi32>)
      %masked_sort3A_436 = arith.xori %masked_sort3A_434, %masked_sort3A_431 : vector<16xi32>
      %masked_sort3A_437 = arith.constant dense<true> : vector<16xi1>
      %masked_sort3A_438 = arith.constant -2147483648 : i32
      %masked_sort3A_439 = vector.broadcast %masked_sort3A_438 : i32 to vector<16xi32>
      %masked_sort3A_440 = arith.xori %select_n3A_427, %masked_sort3A_439 : vector<16xi32>
      %masked_sort3A_441, %masked_sort3A_442, %masked_sort3A_443 = tpu.sort %masked_sort3A_440, %select_n3A_428 masked %masked_sort3A_437 {descending = true} : (vector<16xi32>, vector<16xi32>, vector<16xi1>) -> (vector<16xi1>, vector<16xi32>, vector<16xi32>)
      %masked_sort3A_444 = arith.xori %masked_sort3A_442, %masked_sort3A_439 : vector<16xi32>
      %rev3A_445 = arith.constant 15 : i32
      %rev3A_446 = vector.broadcast %rev3A_445 : i32 to vector<16xi32>
      %rev3A_447 = tpu.iota {dimensions = array<i32: 0>} : vector<16xi32>
      %rev3A_448 = arith.subi %rev3A_446, %rev3A_447 : vector<16xi32>
      %rev3A_449 = tpu.dynamic_gather %masked_sort3A_372[%rev3A_448] in [0] : vector<16xi32>, vector<16xi32> -> vector<16xi32>
      %rev3A_450 = arith.constant 15 : i32
      %rev3A_451 = vector.broadcast %rev3A_450 : i32 to vector<16xi32>
      %rev3A_452 = tpu.iota {dimensions = array<i32: 0>} : vector<16xi32>
      %rev3A_453 = arith.subi %rev3A_451, %rev3A_452 : vector<16xi32>
      %rev3A_454 = tpu.dynamic_gather %masked_sort3A_371[%rev3A_453] in [0] : vector<16xi32>, vector<16xi32> -> vector<16xi32>
      %rev3A_455 = arith.constant 15 : i32
      %rev3A_456 = vector.broadcast %rev3A_455 : i32 to vector<16xi32>
      %rev3A_457 = tpu.iota {dimensions = array<i32: 0>} : vector<16xi32>
      %rev3A_458 = arith.subi %rev3A_456, %rev3A_457 : vector<16xi32>
      %rev3A_459 = tpu.dynamic_gather %masked_sort3A_364[%rev3A_458] in [0] : vector<16xi32>, vector<16xi32> -> vector<16xi32>
      %rev3A_460 = arith.constant 15 : i32
      %rev3A_461 = vector.broadcast %rev3A_460 : i32 to vector<16xi32>
      %rev3A_462 = tpu.iota {dimensions = array<i32: 0>} : vector<16xi32>
      %rev3A_463 = arith.subi %rev3A_461, %rev3A_462 : vector<16xi32>
      %rev3A_464 = tpu.dynamic_gather %masked_sort3A_363[%rev3A_463] in [0] : vector<16xi32>, vector<16xi32> -> vector<16xi32>
      %ge3A_465 = arith.cmpi sge, %masked_sort3A_333, %rev3A_449 : vector<16xi32>
      %select_n3A_466 = arith.select %ge3A_465, %masked_sort3A_333, %rev3A_449 : vector<16xi1>, vector<16xi32>
      %select_n3A_467 = arith.select %ge3A_465, %masked_sort3A_332, %rev3A_454 : vector<16xi1>, vector<16xi32>
      %select_n3A_468 = arith.select %ge3A_465, %rev3A_449, %masked_sort3A_333 : vector<16xi1>, vector<16xi32>
      %select_n3A_469 = arith.select %ge3A_465, %rev3A_454, %masked_sort3A_332 : vector<16xi1>, vector<16xi32>
      %ge3A_470 = arith.cmpi sge, %masked_sort3A_341, %rev3A_459 : vector<16xi32>
      %select_n3A_471 = arith.select %ge3A_470, %masked_sort3A_341, %rev3A_459 : vector<16xi1>, vector<16xi32>
      %select_n3A_472 = arith.select %ge3A_470, %masked_sort3A_340, %rev3A_464 : vector<16xi1>, vector<16xi32>
      %select_n3A_473 = arith.select %ge3A_470, %rev3A_459, %masked_sort3A_341 : vector<16xi1>, vector<16xi32>
      %select_n3A_474 = arith.select %ge3A_470, %rev3A_464, %masked_sort3A_340 : vector<16xi1>, vector<16xi32>
      %ge3A_475 = arith.cmpi sge, %select_n3A_466, %select_n3A_471 : vector<16xi32>
      %select_n3A_476 = arith.select %ge3A_475, %select_n3A_466, %select_n3A_471 : vector<16xi1>, vector<16xi32>
      %select_n3A_477 = arith.select %ge3A_475, %select_n3A_467, %select_n3A_472 : vector<16xi1>, vector<16xi32>
      %select_n3A_478 = arith.select %ge3A_475, %select_n3A_471, %select_n3A_466 : vector<16xi1>, vector<16xi32>
      %select_n3A_479 = arith.select %ge3A_475, %select_n3A_472, %select_n3A_467 : vector<16xi1>, vector<16xi32>
      %masked_sort3A_480 = arith.constant dense<true> : vector<16xi1>
      %masked_sort3A_481 = arith.constant -2147483648 : i32
      %masked_sort3A_482 = vector.broadcast %masked_sort3A_481 : i32 to vector<16xi32>
      %masked_sort3A_483 = arith.xori %select_n3A_476, %masked_sort3A_482 : vector<16xi32>
      %masked_sort3A_484, %masked_sort3A_485, %masked_sort3A_486 = tpu.sort %masked_sort3A_483, %select_n3A_477 masked %masked_sort3A_480 {descending = true} : (vector<16xi32>, vector<16xi32>, vector<16xi1>) -> (vector<16xi1>, vector<16xi32>, vector<16xi32>)
      %masked_sort3A_487 = arith.xori %masked_sort3A_485, %masked_sort3A_482 : vector<16xi32>
      %masked_sort3A_488 = arith.constant dense<true> : vector<16xi1>
      %masked_sort3A_489 = arith.constant -2147483648 : i32
      %masked_sort3A_490 = vector.broadcast %masked_sort3A_489 : i32 to vector<16xi32>
      %masked_sort3A_491 = arith.xori %select_n3A_478, %masked_sort3A_490 : vector<16xi32>
      %masked_sort3A_492, %masked_sort3A_493, %masked_sort3A_494 = tpu.sort %masked_sort3A_491, %select_n3A_479 masked %masked_sort3A_488 {descending = true} : (vector<16xi32>, vector<16xi32>, vector<16xi1>) -> (vector<16xi1>, vector<16xi32>, vector<16xi32>)
      %masked_sort3A_495 = arith.xori %masked_sort3A_493, %masked_sort3A_490 : vector<16xi32>
      %ge3A_496 = arith.cmpi sge, %select_n3A_468, %select_n3A_473 : vector<16xi32>
      %select_n3A_497 = arith.select %ge3A_496, %select_n3A_468, %select_n3A_473 : vector<16xi1>, vector<16xi32>
      %select_n3A_498 = arith.select %ge3A_496, %select_n3A_469, %select_n3A_474 : vector<16xi1>, vector<16xi32>
      %select_n3A_499 = arith.select %ge3A_496, %select_n3A_473, %select_n3A_468 : vector<16xi1>, vector<16xi32>
      %select_n3A_500 = arith.select %ge3A_496, %select_n3A_474, %select_n3A_469 : vector<16xi1>, vector<16xi32>
      %masked_sort3A_501 = arith.constant dense<true> : vector<16xi1>
      %masked_sort3A_502 = arith.constant -2147483648 : i32
      %masked_sort3A_503 = vector.broadcast %masked_sort3A_502 : i32 to vector<16xi32>
      %masked_sort3A_504 = arith.xori %select_n3A_497, %masked_sort3A_503 : vector<16xi32>
      %masked_sort3A_505, %masked_sort3A_506, %masked_sort3A_507 = tpu.sort %masked_sort3A_504, %select_n3A_498 masked %masked_sort3A_501 {descending = true} : (vector<16xi32>, vector<16xi32>, vector<16xi1>) -> (vector<16xi1>, vector<16xi32>, vector<16xi32>)
      %masked_sort3A_508 = arith.xori %masked_sort3A_506, %masked_sort3A_503 : vector<16xi32>
      %masked_sort3A_509 = arith.constant dense<true> : vector<16xi1>
      %masked_sort3A_510 = arith.constant -2147483648 : i32
      %masked_sort3A_511 = vector.broadcast %masked_sort3A_510 : i32 to vector<16xi32>
      %masked_sort3A_512 = arith.xori %select_n3A_499, %masked_sort3A_511 : vector<16xi32>
      %masked_sort3A_513, %masked_sort3A_514, %masked_sort3A_515 = tpu.sort %masked_sort3A_512, %select_n3A_500 masked %masked_sort3A_509 {descending = true} : (vector<16xi32>, vector<16xi32>, vector<16xi1>) -> (vector<16xi1>, vector<16xi32>, vector<16xi32>)
      %masked_sort3A_516 = arith.xori %masked_sort3A_514, %masked_sort3A_511 : vector<16xi32>
      %rev3A_517 = arith.constant 15 : i32
      %rev3A_518 = vector.broadcast %rev3A_517 : i32 to vector<16xi32>
      %rev3A_519 = tpu.iota {dimensions = array<i32: 0>} : vector<16xi32>
      %rev3A_520 = arith.subi %rev3A_518, %rev3A_519 : vector<16xi32>
      %rev3A_521 = tpu.dynamic_gather %masked_sort3A_516[%rev3A_520] in [0] : vector<16xi32>, vector<16xi32> -> vector<16xi32>
      %rev3A_522 = arith.constant 15 : i32
      %rev3A_523 = vector.broadcast %rev3A_522 : i32 to vector<16xi32>
      %rev3A_524 = tpu.iota {dimensions = array<i32: 0>} : vector<16xi32>
      %rev3A_525 = arith.subi %rev3A_523, %rev3A_524 : vector<16xi32>
      %rev3A_526 = tpu.dynamic_gather %masked_sort3A_515[%rev3A_525] in [0] : vector<16xi32>, vector<16xi32> -> vector<16xi32>
      %rev3A_527 = arith.constant 15 : i32
      %rev3A_528 = vector.broadcast %rev3A_527 : i32 to vector<16xi32>
      %rev3A_529 = tpu.iota {dimensions = array<i32: 0>} : vector<16xi32>
      %rev3A_530 = arith.subi %rev3A_528, %rev3A_529 : vector<16xi32>
      %rev3A_531 = tpu.dynamic_gather %masked_sort3A_508[%rev3A_530] in [0] : vector<16xi32>, vector<16xi32> -> vector<16xi32>
      %rev3A_532 = arith.constant 15 : i32
      %rev3A_533 = vector.broadcast %rev3A_532 : i32 to vector<16xi32>
      %rev3A_534 = tpu.iota {dimensions = array<i32: 0>} : vector<16xi32>
      %rev3A_535 = arith.subi %rev3A_533, %rev3A_534 : vector<16xi32>
      %rev3A_536 = tpu.dynamic_gather %masked_sort3A_507[%rev3A_535] in [0] : vector<16xi32>, vector<16xi32> -> vector<16xi32>
      %rev3A_537 = arith.constant 15 : i32
      %rev3A_538 = vector.broadcast %rev3A_537 : i32 to vector<16xi32>
      %rev3A_539 = tpu.iota {dimensions = array<i32: 0>} : vector<16xi32>
      %rev3A_540 = arith.subi %rev3A_538, %rev3A_539 : vector<16xi32>
      %rev3A_541 = tpu.dynamic_gather %masked_sort3A_495[%rev3A_540] in [0] : vector<16xi32>, vector<16xi32> -> vector<16xi32>
      %rev3A_542 = arith.constant 15 : i32
      %rev3A_543 = vector.broadcast %rev3A_542 : i32 to vector<16xi32>
      %rev3A_544 = tpu.iota {dimensions = array<i32: 0>} : vector<16xi32>
      %rev3A_545 = arith.subi %rev3A_543, %rev3A_544 : vector<16xi32>
      %rev3A_546 = tpu.dynamic_gather %masked_sort3A_494[%rev3A_545] in [0] : vector<16xi32>, vector<16xi32> -> vector<16xi32>
      %rev3A_547 = arith.constant 15 : i32
      %rev3A_548 = vector.broadcast %rev3A_547 : i32 to vector<16xi32>
      %rev3A_549 = tpu.iota {dimensions = array<i32: 0>} : vector<16xi32>
      %rev3A_550 = arith.subi %rev3A_548, %rev3A_549 : vector<16xi32>
      %rev3A_551 = tpu.dynamic_gather %masked_sort3A_487[%rev3A_550] in [0] : vector<16xi32>, vector<16xi32> -> vector<16xi32>
      %rev3A_552 = arith.constant 15 : i32
      %rev3A_553 = vector.broadcast %rev3A_552 : i32 to vector<16xi32>
      %rev3A_554 = tpu.iota {dimensions = array<i32: 0>} : vector<16xi32>
      %rev3A_555 = arith.subi %rev3A_553, %rev3A_554 : vector<16xi32>
      %rev3A_556 = tpu.dynamic_gather %masked_sort3A_486[%rev3A_555] in [0] : vector<16xi32>, vector<16xi32> -> vector<16xi32>
      %ge3A_557 = arith.cmpi sge, %masked_sort3A_415, %rev3A_521 : vector<16xi32>
      %select_n3A_558 = arith.select %ge3A_557, %masked_sort3A_415, %rev3A_521 : vector<16xi1>, vector<16xi32>
      %select_n3A_559 = arith.select %ge3A_557, %masked_sort3A_414, %rev3A_526 : vector<16xi1>, vector<16xi32>
      %select_n3A_560 = arith.select %ge3A_557, %rev3A_521, %masked_sort3A_415 : vector<16xi1>, vector<16xi32>
      %select_n3A_561 = arith.select %ge3A_557, %rev3A_526, %masked_sort3A_414 : vector<16xi1>, vector<16xi32>
      %ge3A_562 = arith.cmpi sge, %masked_sort3A_423, %rev3A_531 : vector<16xi32>
      %select_n3A_563 = arith.select %ge3A_562, %masked_sort3A_423, %rev3A_531 : vector<16xi1>, vector<16xi32>
      %select_n3A_564 = arith.select %ge3A_562, %masked_sort3A_422, %rev3A_536 : vector<16xi1>, vector<16xi32>
      %select_n3A_565 = arith.select %ge3A_562, %rev3A_531, %masked_sort3A_423 : vector<16xi1>, vector<16xi32>
      %select_n3A_566 = arith.select %ge3A_562, %rev3A_536, %masked_sort3A_422 : vector<16xi1>, vector<16xi32>
      %ge3A_567 = arith.cmpi sge, %masked_sort3A_436, %rev3A_541 : vector<16xi32>
      %select_n3A_568 = arith.select %ge3A_567, %masked_sort3A_436, %rev3A_541 : vector<16xi1>, vector<16xi32>
      %select_n3A_569 = arith.select %ge3A_567, %masked_sort3A_435, %rev3A_546 : vector<16xi1>, vector<16xi32>
      %select_n3A_570 = arith.select %ge3A_567, %rev3A_541, %masked_sort3A_436 : vector<16xi1>, vector<16xi32>
      %select_n3A_571 = arith.select %ge3A_567, %rev3A_546, %masked_sort3A_435 : vector<16xi1>, vector<16xi32>
      %ge3A_572 = arith.cmpi sge, %masked_sort3A_444, %rev3A_551 : vector<16xi32>
      %select_n3A_573 = arith.select %ge3A_572, %masked_sort3A_444, %rev3A_551 : vector<16xi1>, vector<16xi32>
      %select_n3A_574 = arith.select %ge3A_572, %masked_sort3A_443, %rev3A_556 : vector<16xi1>, vector<16xi32>
      %select_n3A_575 = arith.select %ge3A_572, %rev3A_551, %masked_sort3A_444 : vector<16xi1>, vector<16xi32>
      %select_n3A_576 = arith.select %ge3A_572, %rev3A_556, %masked_sort3A_443 : vector<16xi1>, vector<16xi32>
      %ge3A_577 = arith.cmpi sge, %select_n3A_558, %select_n3A_568 : vector<16xi32>
      %select_n3A_578 = arith.select %ge3A_577, %select_n3A_558, %select_n3A_568 : vector<16xi1>, vector<16xi32>
      %select_n3A_579 = arith.select %ge3A_577, %select_n3A_559, %select_n3A_569 : vector<16xi1>, vector<16xi32>
      %select_n3A_580 = arith.select %ge3A_577, %select_n3A_568, %select_n3A_558 : vector<16xi1>, vector<16xi32>
      %select_n3A_581 = arith.select %ge3A_577, %select_n3A_569, %select_n3A_559 : vector<16xi1>, vector<16xi32>
      %ge3A_582 = arith.cmpi sge, %select_n3A_563, %select_n3A_573 : vector<16xi32>
      %select_n3A_583 = arith.select %ge3A_582, %select_n3A_563, %select_n3A_573 : vector<16xi1>, vector<16xi32>
      %select_n3A_584 = arith.select %ge3A_582, %select_n3A_564, %select_n3A_574 : vector<16xi1>, vector<16xi32>
      %select_n3A_585 = arith.select %ge3A_582, %select_n3A_573, %select_n3A_563 : vector<16xi1>, vector<16xi32>
      %select_n3A_586 = arith.select %ge3A_582, %select_n3A_574, %select_n3A_564 : vector<16xi1>, vector<16xi32>
      %ge3A_587 = arith.cmpi sge, %select_n3A_578, %select_n3A_583 : vector<16xi32>
      %select_n3A_588 = arith.select %ge3A_587, %select_n3A_578, %select_n3A_583 : vector<16xi1>, vector<16xi32>
      %select_n3A_589 = arith.select %ge3A_587, %select_n3A_579, %select_n3A_584 : vector<16xi1>, vector<16xi32>
      %select_n3A_590 = arith.select %ge3A_587, %select_n3A_583, %select_n3A_578 : vector<16xi1>, vector<16xi32>
      %select_n3A_591 = arith.select %ge3A_587, %select_n3A_584, %select_n3A_579 : vector<16xi1>, vector<16xi32>
      %masked_sort3A_592 = arith.constant dense<true> : vector<16xi1>
      %masked_sort3A_593 = arith.constant -2147483648 : i32
      %masked_sort3A_594 = vector.broadcast %masked_sort3A_593 : i32 to vector<16xi32>
      %masked_sort3A_595 = arith.xori %select_n3A_588, %masked_sort3A_594 : vector<16xi32>
      %masked_sort3A_596, %masked_sort3A_597, %masked_sort3A_598 = tpu.sort %masked_sort3A_595, %select_n3A_589 masked %masked_sort3A_592 {descending = true} : (vector<16xi32>, vector<16xi32>, vector<16xi1>) -> (vector<16xi1>, vector<16xi32>, vector<16xi32>)
      %masked_sort3A_599 = arith.xori %masked_sort3A_597, %masked_sort3A_594 : vector<16xi32>
      %masked_sort3A_600 = arith.constant dense<true> : vector<16xi1>
      %masked_sort3A_601 = arith.constant -2147483648 : i32
      %masked_sort3A_602 = vector.broadcast %masked_sort3A_601 : i32 to vector<16xi32>
      %masked_sort3A_603 = arith.xori %select_n3A_590, %masked_sort3A_602 : vector<16xi32>
      %masked_sort3A_604, %masked_sort3A_605, %masked_sort3A_606 = tpu.sort %masked_sort3A_603, %select_n3A_591 masked %masked_sort3A_600 {descending = true} : (vector<16xi32>, vector<16xi32>, vector<16xi1>) -> (vector<16xi1>, vector<16xi32>, vector<16xi32>)
      %masked_sort3A_607 = arith.xori %masked_sort3A_605, %masked_sort3A_602 : vector<16xi32>
      %ge3A_608 = arith.cmpi sge, %select_n3A_580, %select_n3A_585 : vector<16xi32>
      %select_n3A_609 = arith.select %ge3A_608, %select_n3A_580, %select_n3A_585 : vector<16xi1>, vector<16xi32>
      %select_n3A_610 = arith.select %ge3A_608, %select_n3A_581, %select_n3A_586 : vector<16xi1>, vector<16xi32>
      %select_n3A_611 = arith.select %ge3A_608, %select_n3A_585, %select_n3A_580 : vector<16xi1>, vector<16xi32>
      %select_n3A_612 = arith.select %ge3A_608, %select_n3A_586, %select_n3A_581 : vector<16xi1>, vector<16xi32>
      %masked_sort3A_613 = arith.constant dense<true> : vector<16xi1>
      %masked_sort3A_614 = arith.constant -2147483648 : i32
      %masked_sort3A_615 = vector.broadcast %masked_sort3A_614 : i32 to vector<16xi32>
      %masked_sort3A_616 = arith.xori %select_n3A_609, %masked_sort3A_615 : vector<16xi32>
      %masked_sort3A_617, %masked_sort3A_618, %masked_sort3A_619 = tpu.sort %masked_sort3A_616, %select_n3A_610 masked %masked_sort3A_613 {descending = true} : (vector<16xi32>, vector<16xi32>, vector<16xi1>) -> (vector<16xi1>, vector<16xi32>, vector<16xi32>)
      %masked_sort3A_620 = arith.xori %masked_sort3A_618, %masked_sort3A_615 : vector<16xi32>
      %masked_sort3A_621 = arith.constant dense<true> : vector<16xi1>
      %masked_sort3A_622 = arith.constant -2147483648 : i32
      %masked_sort3A_623 = vector.broadcast %masked_sort3A_622 : i32 to vector<16xi32>
      %masked_sort3A_624 = arith.xori %select_n3A_611, %masked_sort3A_623 : vector<16xi32>
      %masked_sort3A_625, %masked_sort3A_626, %masked_sort3A_627 = tpu.sort %masked_sort3A_624, %select_n3A_612 masked %masked_sort3A_621 {descending = true} : (vector<16xi32>, vector<16xi32>, vector<16xi1>) -> (vector<16xi1>, vector<16xi32>, vector<16xi32>)
      %masked_sort3A_628 = arith.xori %masked_sort3A_626, %masked_sort3A_623 : vector<16xi32>
      %ge3A_629 = arith.cmpi sge, %select_n3A_560, %select_n3A_570 : vector<16xi32>
      %select_n3A_630 = arith.select %ge3A_629, %select_n3A_560, %select_n3A_570 : vector<16xi1>, vector<16xi32>
      %select_n3A_631 = arith.select %ge3A_629, %select_n3A_561, %select_n3A_571 : vector<16xi1>, vector<16xi32>
      %select_n3A_632 = arith.select %ge3A_629, %select_n3A_570, %select_n3A_560 : vector<16xi1>, vector<16xi32>
      %select_n3A_633 = arith.select %ge3A_629, %select_n3A_571, %select_n3A_561 : vector<16xi1>, vector<16xi32>
      %ge3A_634 = arith.cmpi sge, %select_n3A_565, %select_n3A_575 : vector<16xi32>
      %select_n3A_635 = arith.select %ge3A_634, %select_n3A_565, %select_n3A_575 : vector<16xi1>, vector<16xi32>
      %select_n3A_636 = arith.select %ge3A_634, %select_n3A_566, %select_n3A_576 : vector<16xi1>, vector<16xi32>
      %select_n3A_637 = arith.select %ge3A_634, %select_n3A_575, %select_n3A_565 : vector<16xi1>, vector<16xi32>
      %select_n3A_638 = arith.select %ge3A_634, %select_n3A_576, %select_n3A_566 : vector<16xi1>, vector<16xi32>
      %ge3A_639 = arith.cmpi sge, %select_n3A_630, %select_n3A_635 : vector<16xi32>
      %select_n3A_640 = arith.select %ge3A_639, %select_n3A_630, %select_n3A_635 : vector<16xi1>, vector<16xi32>
      %select_n3A_641 = arith.select %ge3A_639, %select_n3A_631, %select_n3A_636 : vector<16xi1>, vector<16xi32>
      %select_n3A_642 = arith.select %ge3A_639, %select_n3A_635, %select_n3A_630 : vector<16xi1>, vector<16xi32>
      %select_n3A_643 = arith.select %ge3A_639, %select_n3A_636, %select_n3A_631 : vector<16xi1>, vector<16xi32>
      %masked_sort3A_644 = arith.constant dense<true> : vector<16xi1>
      %masked_sort3A_645 = arith.constant -2147483648 : i32
      %masked_sort3A_646 = vector.broadcast %masked_sort3A_645 : i32 to vector<16xi32>
      %masked_sort3A_647 = arith.xori %select_n3A_640, %masked_sort3A_646 : vector<16xi32>
      %masked_sort3A_648, %masked_sort3A_649, %masked_sort3A_650 = tpu.sort %masked_sort3A_647, %select_n3A_641 masked %masked_sort3A_644 {descending = true} : (vector<16xi32>, vector<16xi32>, vector<16xi1>) -> (vector<16xi1>, vector<16xi32>, vector<16xi32>)
      %masked_sort3A_651 = arith.xori %masked_sort3A_649, %masked_sort3A_646 : vector<16xi32>
      %masked_sort3A_652 = arith.constant dense<true> : vector<16xi1>
      %masked_sort3A_653 = arith.constant -2147483648 : i32
      %masked_sort3A_654 = vector.broadcast %masked_sort3A_653 : i32 to vector<16xi32>
      %masked_sort3A_655 = arith.xori %select_n3A_642, %masked_sort3A_654 : vector<16xi32>
      %masked_sort3A_656, %masked_sort3A_657, %masked_sort3A_658 = tpu.sort %masked_sort3A_655, %select_n3A_643 masked %masked_sort3A_652 {descending = true} : (vector<16xi32>, vector<16xi32>, vector<16xi1>) -> (vector<16xi1>, vector<16xi32>, vector<16xi32>)
      %masked_sort3A_659 = arith.xori %masked_sort3A_657, %masked_sort3A_654 : vector<16xi32>
      %ge3A_660 = arith.cmpi sge, %select_n3A_632, %select_n3A_637 : vector<16xi32>
      %select_n3A_661 = arith.select %ge3A_660, %select_n3A_632, %select_n3A_637 : vector<16xi1>, vector<16xi32>
      %select_n3A_662 = arith.select %ge3A_660, %select_n3A_633, %select_n3A_638 : vector<16xi1>, vector<16xi32>
      %select_n3A_663 = arith.select %ge3A_660, %select_n3A_637, %select_n3A_632 : vector<16xi1>, vector<16xi32>
      %select_n3A_664 = arith.select %ge3A_660, %select_n3A_638, %select_n3A_633 : vector<16xi1>, vector<16xi32>
      %masked_sort3A_665 = arith.constant dense<true> : vector<16xi1>
      %masked_sort3A_666 = arith.constant -2147483648 : i32
      %masked_sort3A_667 = vector.broadcast %masked_sort3A_666 : i32 to vector<16xi32>
      %masked_sort3A_668 = arith.xori %select_n3A_661, %masked_sort3A_667 : vector<16xi32>
      %masked_sort3A_669, %masked_sort3A_670, %masked_sort3A_671 = tpu.sort %masked_sort3A_668, %select_n3A_662 masked %masked_sort3A_665 {descending = true} : (vector<16xi32>, vector<16xi32>, vector<16xi1>) -> (vector<16xi1>, vector<16xi32>, vector<16xi32>)
      %masked_sort3A_672 = arith.xori %masked_sort3A_670, %masked_sort3A_667 : vector<16xi32>
      %masked_sort3A_673 = arith.constant dense<true> : vector<16xi1>
      %masked_sort3A_674 = arith.constant -2147483648 : i32
      %masked_sort3A_675 = vector.broadcast %masked_sort3A_674 : i32 to vector<16xi32>
      %masked_sort3A_676 = arith.xori %select_n3A_663, %masked_sort3A_675 : vector<16xi32>
      %masked_sort3A_677, %masked_sort3A_678, %masked_sort3A_679 = tpu.sort %masked_sort3A_676, %select_n3A_664 masked %masked_sort3A_673 {descending = true} : (vector<16xi32>, vector<16xi32>, vector<16xi1>) -> (vector<16xi1>, vector<16xi32>, vector<16xi32>)
      %masked_sort3A_680 = arith.xori %masked_sort3A_678, %masked_sort3A_675 : vector<16xi32>
      %ge3A_681 = arith.constant 2 : i32
      %ge3A_682 = arith.cmpi sge, %scan3A_37, %ge3A_681 : i32
      %convert_element_type3A_683 = arith.extui %ge3A_682 : i1 to i32
      %cond3A_684 = arith.constant 0 : i32
      %cond3A_685 = arith.cmpi ne, %convert_element_type3A_683, %cond3A_684 : i32
      scf.if %cond3A_685 {
        %mul3A_1086 = arith.constant 80 : i32
        %mul3A_1087 = arith.muli %rem3A_38, %mul3A_1086 : i32
        %mul3A_1088 = arith.constant 8 : i32
        %mul3A_1089 = arith.muli %mul3A_1087, %mul3A_1088 : i32
        %dma_wait3A_1090 = tpu.memref_slice %arg11[%mul3A_1089] : memref<1280xf32, #tpu.memory_space<vmem>> -> memref<640xf32, #tpu.memory_space<vmem>>
        %dma_wait3A_1091 = arith.constant 0 : i32
        %dma_wait3A_1092 = tpu.memref_slice %arg5[%mul3A_2, %dma_wait3A_1091] : memref<4096x640xf32, #tpu.memory_space<hbm>> -> memref<1x640xf32, #tpu.memory_space<hbm>>
        %dma_wait3A_1093 = tpu.memref_squeeze %dma_wait3A_1092 : memref<1x640xf32, #tpu.memory_space<hbm>> -> memref<640xf32, #tpu.memory_space<hbm>>
        %dma_wait3A_1094 = arith.constant 0 : i32
        %dma_wait3A_1095 = tpu.memref_slice %arg5[%mul3A_2, %dma_wait3A_1094] : memref<4096x640xf32, #tpu.memory_space<hbm>> -> memref<1x640xf32, #tpu.memory_space<hbm>>
        %dma_wait3A_1096 = tpu.memref_squeeze %dma_wait3A_1095 : memref<1x640xf32, #tpu.memory_space<hbm>> -> memref<640xf32, #tpu.memory_space<hbm>>
        %dma_wait3A_1097 = tpu.memref_slice %arg11[%mul3A_1089] : memref<1280xf32, #tpu.memory_space<vmem>> -> memref<640xf32, #tpu.memory_space<vmem>>
        tpu.wait_dma2 semaphore(%arg13 : memref<!tpu.dma_semaphore, #tpu.memory_space<semaphore_mem>>) src(%dma_wait3A_1097 : memref<640xf32, #tpu.memory_space<vmem>>) dst(%dma_wait3A_1096 : memref<640xf32, #tpu.memory_space<hbm>>)
      } else {
      }
      %xor3A = arith.constant -2147483648 : i32
      %xor3A_686 = vector.broadcast %xor3A : i32 to vector<16xi32>
      %xor3A_687 = arith.xori %masked_sort3A_599, %xor3A_686 : vector<16xi32>
      %bitcast_convert_type3A = tpu.bitcast %xor3A_687 : vector<16xi32> -> vector<16xi32>
      %bitcast_convert_type3A_688 = tpu.bitcast %bitcast_convert_type3A : vector<16xi32> -> vector<16xi32>
      %not3A = arith.constant dense<-1> : vector<16xi32>
      %not3A_689 = arith.xori %bitcast_convert_type3A_688, %not3A : vector<16xi32>
      %and3A_690 = arith.constant 2147483647 : i32
      %and3A_691 = vector.broadcast %and3A_690 : i32 to vector<16xi32>
      %and3A_692 = arith.andi %bitcast_convert_type3A, %and3A_691 : vector<16xi32>
      %bitcast_convert_type3A_693 = tpu.bitcast %and3A_692 : vector<16xi32> -> vector<16xi32>
      %ge3A_694 = arith.constant -2147483648 : i32
      %ge3A_695 = vector.broadcast %ge3A_694 : i32 to vector<16xi32>
      %ge3A_696 = arith.cmpi uge, %bitcast_convert_type3A, %ge3A_695 : vector<16xi32>
      %select_n3A_697 = arith.select %ge3A_696, %bitcast_convert_type3A_693, %not3A_689 : vector<16xi1>, vector<16xi32>
      %bitcast_convert_type3A_698 = tpu.bitcast %select_n3A_697 : vector<16xi32> -> vector<16xf32>
      %add3A_699 = arith.constant 0 : i32
      %add3A_700 = vector.broadcast %add3A_699 : i32 to vector<16xi32>
      %add3A_701 = arith.addi %iota3A, %add3A_700 : vector<16xi32>
      %mul3A_702 = arith.constant 8 : i32
      %mul3A_703 = vector.broadcast %mul3A_702 : i32 to vector<16xi32>
      %mul3A_704 = arith.muli %add3A_701, %mul3A_703 : vector<16xi32>
      %mul3A_705 = arith.constant 640 : i32
      %mul3A_706 = arith.muli %rem3A_38, %mul3A_705 : i32
      %add3A_707 = vector.broadcast %mul3A_706 : i32 to vector<16xi32>
      %add3A_708 = arith.addi %mul3A_704, %add3A_707 : vector<16xi32>
      tpu.vector_store_idx %arg11[%add3A_708], %bitcast_convert_type3A_698 : memref<1280xf32, #tpu.memory_space<vmem>>[vector<16xi32>], vector<16xf32>,
      %mul3A_709 = arith.constant 8 : i32
      %mul3A_710 = vector.broadcast %mul3A_709 : i32 to vector<16xi32>
      %mul3A_711 = arith.muli %masked_sort3A_598, %mul3A_710 : vector<16xi32>
      %add3A_712 = arith.constant 1 : i32
      %add3A_713 = vector.broadcast %add3A_712 : i32 to vector<16xi32>
      %add3A_714 = arith.addi %mul3A_711, %add3A_713 : vector<16xi32>
      %gather3A_715 = tpu.vector_load_idx %arg6[%add3A_714] : memref<40960xf32, #tpu.memory_space<vmem>>[vector<16xi32>], vector<16xf32>,
      %add3A_716 = arith.constant 1 : i32
      %add3A_717 = vector.broadcast %add3A_716 : i32 to vector<16xi32>
      %add3A_718 = arith.addi %add3A_708, %add3A_717 : vector<16xi32>
      tpu.vector_store_idx %arg11[%add3A_718], %gather3A_715 : memref<1280xf32, #tpu.memory_space<vmem>>[vector<16xi32>], vector<16xf32>,
      %add3A_719 = arith.constant 2 : i32
      %add3A_720 = vector.broadcast %add3A_719 : i32 to vector<16xi32>
      %add3A_721 = arith.addi %mul3A_711, %add3A_720 : vector<16xi32>
      %gather3A_722 = tpu.vector_load_idx %arg6[%add3A_721] : memref<40960xf32, #tpu.memory_space<vmem>>[vector<16xi32>], vector<16xf32>,
      %add3A_723 = arith.constant 2 : i32
      %add3A_724 = vector.broadcast %add3A_723 : i32 to vector<16xi32>
      %add3A_725 = arith.addi %add3A_708, %add3A_724 : vector<16xi32>
      tpu.vector_store_idx %arg11[%add3A_725], %gather3A_722 : memref<1280xf32, #tpu.memory_space<vmem>>[vector<16xi32>], vector<16xf32>,
      %add3A_726 = arith.constant 3 : i32
      %add3A_727 = vector.broadcast %add3A_726 : i32 to vector<16xi32>
      %add3A_728 = arith.addi %mul3A_711, %add3A_727 : vector<16xi32>
      %gather3A_729 = tpu.vector_load_idx %arg6[%add3A_728] : memref<40960xf32, #tpu.memory_space<vmem>>[vector<16xi32>], vector<16xf32>,
      %add3A_730 = arith.constant 3 : i32
      %add3A_731 = vector.broadcast %add3A_730 : i32 to vector<16xi32>
      %add3A_732 = arith.addi %add3A_708, %add3A_731 : vector<16xi32>
      tpu.vector_store_idx %arg11[%add3A_732], %gather3A_729 : memref<1280xf32, #tpu.memory_space<vmem>>[vector<16xi32>], vector<16xf32>,
      %add3A_733 = arith.constant 4 : i32
      %add3A_734 = vector.broadcast %add3A_733 : i32 to vector<16xi32>
      %add3A_735 = arith.addi %mul3A_711, %add3A_734 : vector<16xi32>
      %gather3A_736 = tpu.vector_load_idx %arg6[%add3A_735] : memref<40960xf32, #tpu.memory_space<vmem>>[vector<16xi32>], vector<16xf32>,
      %add3A_737 = arith.constant 4 : i32
      %add3A_738 = vector.broadcast %add3A_737 : i32 to vector<16xi32>
      %add3A_739 = arith.addi %add3A_708, %add3A_738 : vector<16xi32>
      tpu.vector_store_idx %arg11[%add3A_739], %gather3A_736 : memref<1280xf32, #tpu.memory_space<vmem>>[vector<16xi32>], vector<16xf32>,
      %add3A_740 = arith.constant 5 : i32
      %add3A_741 = vector.broadcast %add3A_740 : i32 to vector<16xi32>
      %add3A_742 = arith.addi %mul3A_711, %add3A_741 : vector<16xi32>
      %gather3A_743 = tpu.vector_load_idx %arg6[%add3A_742] : memref<40960xf32, #tpu.memory_space<vmem>>[vector<16xi32>], vector<16xf32>,
      %add3A_744 = arith.constant 5 : i32
      %add3A_745 = vector.broadcast %add3A_744 : i32 to vector<16xi32>
      %add3A_746 = arith.addi %add3A_708, %add3A_745 : vector<16xi32>
      tpu.vector_store_idx %arg11[%add3A_746], %gather3A_743 : memref<1280xf32, #tpu.memory_space<vmem>>[vector<16xi32>], vector<16xf32>,
      %add3A_747 = arith.constant 6 : i32
      %add3A_748 = vector.broadcast %add3A_747 : i32 to vector<16xi32>
      %add3A_749 = arith.addi %mul3A_711, %add3A_748 : vector<16xi32>
      %gather3A_750 = tpu.vector_load_idx %arg6[%add3A_749] : memref<40960xf32, #tpu.memory_space<vmem>>[vector<16xi32>], vector<16xf32>,
      %add3A_751 = arith.constant 6 : i32
      %add3A_752 = vector.broadcast %add3A_751 : i32 to vector<16xi32>
      %add3A_753 = arith.addi %add3A_708, %add3A_752 : vector<16xi32>
      tpu.vector_store_idx %arg11[%add3A_753], %gather3A_750 : memref<1280xf32, #tpu.memory_space<vmem>>[vector<16xi32>], vector<16xf32>,
      %add3A_754 = arith.constant 7 : i32
      %add3A_755 = vector.broadcast %add3A_754 : i32 to vector<16xi32>
      %add3A_756 = arith.addi %mul3A_711, %add3A_755 : vector<16xi32>
      %gather3A_757 = tpu.vector_load_idx %arg6[%add3A_756] : memref<40960xf32, #tpu.memory_space<vmem>>[vector<16xi32>], vector<16xf32>,
      %add3A_758 = arith.constant 7 : i32
      %add3A_759 = vector.broadcast %add3A_758 : i32 to vector<16xi32>
      %add3A_760 = arith.addi %add3A_708, %add3A_759 : vector<16xi32>
      tpu.vector_store_idx %arg11[%add3A_760], %gather3A_757 : memref<1280xf32, #tpu.memory_space<vmem>>[vector<16xi32>], vector<16xf32>,
      %xor3A_761 = arith.constant -2147483648 : i32
      %xor3A_762 = vector.broadcast %xor3A_761 : i32 to vector<16xi32>
      %xor3A_763 = arith.xori %masked_sort3A_607, %xor3A_762 : vector<16xi32>
      %bitcast_convert_type3A_764 = tpu.bitcast %xor3A_763 : vector<16xi32> -> vector<16xi32>
      %bitcast_convert_type3A_765 = tpu.bitcast %bitcast_convert_type3A_764 : vector<16xi32> -> vector<16xi32>
      %not3A_766 = arith.constant dense<-1> : vector<16xi32>
      %not3A_767 = arith.xori %bitcast_convert_type3A_765, %not3A_766 : vector<16xi32>
      %and3A_768 = arith.constant 2147483647 : i32
      %and3A_769 = vector.broadcast %and3A_768 : i32 to vector<16xi32>
      %and3A_770 = arith.andi %bitcast_convert_type3A_764, %and3A_769 : vector<16xi32>
      %bitcast_convert_type3A_771 = tpu.bitcast %and3A_770 : vector<16xi32> -> vector<16xi32>
      %ge3A_772 = arith.constant -2147483648 : i32
      %ge3A_773 = vector.broadcast %ge3A_772 : i32 to vector<16xi32>
      %ge3A_774 = arith.cmpi uge, %bitcast_convert_type3A_764, %ge3A_773 : vector<16xi32>
      %select_n3A_775 = arith.select %ge3A_774, %bitcast_convert_type3A_771, %not3A_767 : vector<16xi1>, vector<16xi32>
      %bitcast_convert_type3A_776 = tpu.bitcast %select_n3A_775 : vector<16xi32> -> vector<16xf32>
      %add3A_777 = arith.constant 16 : i32
      %add3A_778 = vector.broadcast %add3A_777 : i32 to vector<16xi32>
      %add3A_779 = arith.addi %iota3A, %add3A_778 : vector<16xi32>
      %mul3A_780 = arith.constant 8 : i32
      %mul3A_781 = vector.broadcast %mul3A_780 : i32 to vector<16xi32>
      %mul3A_782 = arith.muli %add3A_779, %mul3A_781 : vector<16xi32>
      %mul3A_783 = arith.constant 640 : i32
      %mul3A_784 = arith.muli %rem3A_38, %mul3A_783 : i32
      %add3A_785 = vector.broadcast %mul3A_784 : i32 to vector<16xi32>
      %add3A_786 = arith.addi %mul3A_782, %add3A_785 : vector<16xi32>
      tpu.vector_store_idx %arg11[%add3A_786], %bitcast_convert_type3A_776 : memref<1280xf32, #tpu.memory_space<vmem>>[vector<16xi32>], vector<16xf32>,
      %mul3A_787 = arith.constant 8 : i32
      %mul3A_788 = vector.broadcast %mul3A_787 : i32 to vector<16xi32>
      %mul3A_789 = arith.muli %masked_sort3A_606, %mul3A_788 : vector<16xi32>
      %add3A_790 = arith.constant 1 : i32
      %add3A_791 = vector.broadcast %add3A_790 : i32 to vector<16xi32>
      %add3A_792 = arith.addi %mul3A_789, %add3A_791 : vector<16xi32>
      %gather3A_793 = tpu.vector_load_idx %arg6[%add3A_792] : memref<40960xf32, #tpu.memory_space<vmem>>[vector<16xi32>], vector<16xf32>,
      %add3A_794 = arith.constant 1 : i32
      %add3A_795 = vector.broadcast %add3A_794 : i32 to vector<16xi32>
      %add3A_796 = arith.addi %add3A_786, %add3A_795 : vector<16xi32>
      tpu.vector_store_idx %arg11[%add3A_796], %gather3A_793 : memref<1280xf32, #tpu.memory_space<vmem>>[vector<16xi32>], vector<16xf32>,
      %add3A_797 = arith.constant 2 : i32
      %add3A_798 = vector.broadcast %add3A_797 : i32 to vector<16xi32>
      %add3A_799 = arith.addi %mul3A_789, %add3A_798 : vector<16xi32>
      %gather3A_800 = tpu.vector_load_idx %arg6[%add3A_799] : memref<40960xf32, #tpu.memory_space<vmem>>[vector<16xi32>], vector<16xf32>,
      %add3A_801 = arith.constant 2 : i32
      %add3A_802 = vector.broadcast %add3A_801 : i32 to vector<16xi32>
      %add3A_803 = arith.addi %add3A_786, %add3A_802 : vector<16xi32>
      tpu.vector_store_idx %arg11[%add3A_803], %gather3A_800 : memref<1280xf32, #tpu.memory_space<vmem>>[vector<16xi32>], vector<16xf32>,
      %add3A_804 = arith.constant 3 : i32
      %add3A_805 = vector.broadcast %add3A_804 : i32 to vector<16xi32>
      %add3A_806 = arith.addi %mul3A_789, %add3A_805 : vector<16xi32>
      %gather3A_807 = tpu.vector_load_idx %arg6[%add3A_806] : memref<40960xf32, #tpu.memory_space<vmem>>[vector<16xi32>], vector<16xf32>,
      %add3A_808 = arith.constant 3 : i32
      %add3A_809 = vector.broadcast %add3A_808 : i32 to vector<16xi32>
      %add3A_810 = arith.addi %add3A_786, %add3A_809 : vector<16xi32>
      tpu.vector_store_idx %arg11[%add3A_810], %gather3A_807 : memref<1280xf32, #tpu.memory_space<vmem>>[vector<16xi32>], vector<16xf32>,
      %add3A_811 = arith.constant 4 : i32
      %add3A_812 = vector.broadcast %add3A_811 : i32 to vector<16xi32>
      %add3A_813 = arith.addi %mul3A_789, %add3A_812 : vector<16xi32>
      %gather3A_814 = tpu.vector_load_idx %arg6[%add3A_813] : memref<40960xf32, #tpu.memory_space<vmem>>[vector<16xi32>], vector<16xf32>,
      %add3A_815 = arith.constant 4 : i32
      %add3A_816 = vector.broadcast %add3A_815 : i32 to vector<16xi32>
      %add3A_817 = arith.addi %add3A_786, %add3A_816 : vector<16xi32>
      tpu.vector_store_idx %arg11[%add3A_817], %gather3A_814 : memref<1280xf32, #tpu.memory_space<vmem>>[vector<16xi32>], vector<16xf32>,
      %add3A_818 = arith.constant 5 : i32
      %add3A_819 = vector.broadcast %add3A_818 : i32 to vector<16xi32>
      %add3A_820 = arith.addi %mul3A_789, %add3A_819 : vector<16xi32>
      %gather3A_821 = tpu.vector_load_idx %arg6[%add3A_820] : memref<40960xf32, #tpu.memory_space<vmem>>[vector<16xi32>], vector<16xf32>,
      %add3A_822 = arith.constant 5 : i32
      %add3A_823 = vector.broadcast %add3A_822 : i32 to vector<16xi32>
      %add3A_824 = arith.addi %add3A_786, %add3A_823 : vector<16xi32>
      tpu.vector_store_idx %arg11[%add3A_824], %gather3A_821 : memref<1280xf32, #tpu.memory_space<vmem>>[vector<16xi32>], vector<16xf32>,
      %add3A_825 = arith.constant 6 : i32
      %add3A_826 = vector.broadcast %add3A_825 : i32 to vector<16xi32>
      %add3A_827 = arith.addi %mul3A_789, %add3A_826 : vector<16xi32>
      %gather3A_828 = tpu.vector_load_idx %arg6[%add3A_827] : memref<40960xf32, #tpu.memory_space<vmem>>[vector<16xi32>], vector<16xf32>,
      %add3A_829 = arith.constant 6 : i32
      %add3A_830 = vector.broadcast %add3A_829 : i32 to vector<16xi32>
      %add3A_831 = arith.addi %add3A_786, %add3A_830 : vector<16xi32>
      tpu.vector_store_idx %arg11[%add3A_831], %gather3A_828 : memref<1280xf32, #tpu.memory_space<vmem>>[vector<16xi32>], vector<16xf32>,
      %add3A_832 = arith.constant 7 : i32
      %add3A_833 = vector.broadcast %add3A_832 : i32 to vector<16xi32>
      %add3A_834 = arith.addi %mul3A_789, %add3A_833 : vector<16xi32>
      %gather3A_835 = tpu.vector_load_idx %arg6[%add3A_834] : memref<40960xf32, #tpu.memory_space<vmem>>[vector<16xi32>], vector<16xf32>,
      %add3A_836 = arith.constant 7 : i32
      %add3A_837 = vector.broadcast %add3A_836 : i32 to vector<16xi32>
      %add3A_838 = arith.addi %add3A_786, %add3A_837 : vector<16xi32>
      tpu.vector_store_idx %arg11[%add3A_838], %gather3A_835 : memref<1280xf32, #tpu.memory_space<vmem>>[vector<16xi32>], vector<16xf32>,
      %xor3A_839 = arith.constant -2147483648 : i32
      %xor3A_840 = vector.broadcast %xor3A_839 : i32 to vector<16xi32>
      %xor3A_841 = arith.xori %masked_sort3A_620, %xor3A_840 : vector<16xi32>
      %bitcast_convert_type3A_842 = tpu.bitcast %xor3A_841 : vector<16xi32> -> vector<16xi32>
      %bitcast_convert_type3A_843 = tpu.bitcast %bitcast_convert_type3A_842 : vector<16xi32> -> vector<16xi32>
      %not3A_844 = arith.constant dense<-1> : vector<16xi32>
      %not3A_845 = arith.xori %bitcast_convert_type3A_843, %not3A_844 : vector<16xi32>
      %and3A_846 = arith.constant 2147483647 : i32
      %and3A_847 = vector.broadcast %and3A_846 : i32 to vector<16xi32>
      %and3A_848 = arith.andi %bitcast_convert_type3A_842, %and3A_847 : vector<16xi32>
      %bitcast_convert_type3A_849 = tpu.bitcast %and3A_848 : vector<16xi32> -> vector<16xi32>
      %ge3A_850 = arith.constant -2147483648 : i32
      %ge3A_851 = vector.broadcast %ge3A_850 : i32 to vector<16xi32>
      %ge3A_852 = arith.cmpi uge, %bitcast_convert_type3A_842, %ge3A_851 : vector<16xi32>
      %select_n3A_853 = arith.select %ge3A_852, %bitcast_convert_type3A_849, %not3A_845 : vector<16xi1>, vector<16xi32>
      %bitcast_convert_type3A_854 = tpu.bitcast %select_n3A_853 : vector<16xi32> -> vector<16xf32>
      %add3A_855 = arith.constant 32 : i32
      %add3A_856 = vector.broadcast %add3A_855 : i32 to vector<16xi32>
      %add3A_857 = arith.addi %iota3A, %add3A_856 : vector<16xi32>
      %mul3A_858 = arith.constant 8 : i32
      %mul3A_859 = vector.broadcast %mul3A_858 : i32 to vector<16xi32>
      %mul3A_860 = arith.muli %add3A_857, %mul3A_859 : vector<16xi32>
      %mul3A_861 = arith.constant 640 : i32
      %mul3A_862 = arith.muli %rem3A_38, %mul3A_861 : i32
      %add3A_863 = vector.broadcast %mul3A_862 : i32 to vector<16xi32>
      %add3A_864 = arith.addi %mul3A_860, %add3A_863 : vector<16xi32>
      tpu.vector_store_idx %arg11[%add3A_864], %bitcast_convert_type3A_854 : memref<1280xf32, #tpu.memory_space<vmem>>[vector<16xi32>], vector<16xf32>,
      %mul3A_865 = arith.constant 8 : i32
      %mul3A_866 = vector.broadcast %mul3A_865 : i32 to vector<16xi32>
      %mul3A_867 = arith.muli %masked_sort3A_619, %mul3A_866 : vector<16xi32>
      %add3A_868 = arith.constant 1 : i32
      %add3A_869 = vector.broadcast %add3A_868 : i32 to vector<16xi32>
      %add3A_870 = arith.addi %mul3A_867, %add3A_869 : vector<16xi32>
      %gather3A_871 = tpu.vector_load_idx %arg6[%add3A_870] : memref<40960xf32, #tpu.memory_space<vmem>>[vector<16xi32>], vector<16xf32>,
      %add3A_872 = arith.constant 1 : i32
      %add3A_873 = vector.broadcast %add3A_872 : i32 to vector<16xi32>
      %add3A_874 = arith.addi %add3A_864, %add3A_873 : vector<16xi32>
      tpu.vector_store_idx %arg11[%add3A_874], %gather3A_871 : memref<1280xf32, #tpu.memory_space<vmem>>[vector<16xi32>], vector<16xf32>,
      %add3A_875 = arith.constant 2 : i32
      %add3A_876 = vector.broadcast %add3A_875 : i32 to vector<16xi32>
      %add3A_877 = arith.addi %mul3A_867, %add3A_876 : vector<16xi32>
      %gather3A_878 = tpu.vector_load_idx %arg6[%add3A_877] : memref<40960xf32, #tpu.memory_space<vmem>>[vector<16xi32>], vector<16xf32>,
      %add3A_879 = arith.constant 2 : i32
      %add3A_880 = vector.broadcast %add3A_879 : i32 to vector<16xi32>
      %add3A_881 = arith.addi %add3A_864, %add3A_880 : vector<16xi32>
      tpu.vector_store_idx %arg11[%add3A_881], %gather3A_878 : memref<1280xf32, #tpu.memory_space<vmem>>[vector<16xi32>], vector<16xf32>,
      %add3A_882 = arith.constant 3 : i32
      %add3A_883 = vector.broadcast %add3A_882 : i32 to vector<16xi32>
      %add3A_884 = arith.addi %mul3A_867, %add3A_883 : vector<16xi32>
      %gather3A_885 = tpu.vector_load_idx %arg6[%add3A_884] : memref<40960xf32, #tpu.memory_space<vmem>>[vector<16xi32>], vector<16xf32>,
      %add3A_886 = arith.constant 3 : i32
      %add3A_887 = vector.broadcast %add3A_886 : i32 to vector<16xi32>
      %add3A_888 = arith.addi %add3A_864, %add3A_887 : vector<16xi32>
      tpu.vector_store_idx %arg11[%add3A_888], %gather3A_885 : memref<1280xf32, #tpu.memory_space<vmem>>[vector<16xi32>], vector<16xf32>,
      %add3A_889 = arith.constant 4 : i32
      %add3A_890 = vector.broadcast %add3A_889 : i32 to vector<16xi32>
      %add3A_891 = arith.addi %mul3A_867, %add3A_890 : vector<16xi32>
      %gather3A_892 = tpu.vector_load_idx %arg6[%add3A_891] : memref<40960xf32, #tpu.memory_space<vmem>>[vector<16xi32>], vector<16xf32>,
      %add3A_893 = arith.constant 4 : i32
      %add3A_894 = vector.broadcast %add3A_893 : i32 to vector<16xi32>
      %add3A_895 = arith.addi %add3A_864, %add3A_894 : vector<16xi32>
      tpu.vector_store_idx %arg11[%add3A_895], %gather3A_892 : memref<1280xf32, #tpu.memory_space<vmem>>[vector<16xi32>], vector<16xf32>,
      %add3A_896 = arith.constant 5 : i32
      %add3A_897 = vector.broadcast %add3A_896 : i32 to vector<16xi32>
      %add3A_898 = arith.addi %mul3A_867, %add3A_897 : vector<16xi32>
      %gather3A_899 = tpu.vector_load_idx %arg6[%add3A_898] : memref<40960xf32, #tpu.memory_space<vmem>>[vector<16xi32>], vector<16xf32>,
      %add3A_900 = arith.constant 5 : i32
      %add3A_901 = vector.broadcast %add3A_900 : i32 to vector<16xi32>
      %add3A_902 = arith.addi %add3A_864, %add3A_901 : vector<16xi32>
      tpu.vector_store_idx %arg11[%add3A_902], %gather3A_899 : memref<1280xf32, #tpu.memory_space<vmem>>[vector<16xi32>], vector<16xf32>,
      %add3A_903 = arith.constant 6 : i32
      %add3A_904 = vector.broadcast %add3A_903 : i32 to vector<16xi32>
      %add3A_905 = arith.addi %mul3A_867, %add3A_904 : vector<16xi32>
      %gather3A_906 = tpu.vector_load_idx %arg6[%add3A_905] : memref<40960xf32, #tpu.memory_space<vmem>>[vector<16xi32>], vector<16xf32>,
      %add3A_907 = arith.constant 6 : i32
      %add3A_908 = vector.broadcast %add3A_907 : i32 to vector<16xi32>
      %add3A_909 = arith.addi %add3A_864, %add3A_908 : vector<16xi32>
      tpu.vector_store_idx %arg11[%add3A_909], %gather3A_906 : memref<1280xf32, #tpu.memory_space<vmem>>[vector<16xi32>], vector<16xf32>,
      %add3A_910 = arith.constant 7 : i32
      %add3A_911 = vector.broadcast %add3A_910 : i32 to vector<16xi32>
      %add3A_912 = arith.addi %mul3A_867, %add3A_911 : vector<16xi32>
      %gather3A_913 = tpu.vector_load_idx %arg6[%add3A_912] : memref<40960xf32, #tpu.memory_space<vmem>>[vector<16xi32>], vector<16xf32>,
      %add3A_914 = arith.constant 7 : i32
      %add3A_915 = vector.broadcast %add3A_914 : i32 to vector<16xi32>
      %add3A_916 = arith.addi %add3A_864, %add3A_915 : vector<16xi32>
      tpu.vector_store_idx %arg11[%add3A_916], %gather3A_913 : memref<1280xf32, #tpu.memory_space<vmem>>[vector<16xi32>], vector<16xf32>,
      %xor3A_917 = arith.constant -2147483648 : i32
      %xor3A_918 = vector.broadcast %xor3A_917 : i32 to vector<16xi32>
      %xor3A_919 = arith.xori %masked_sort3A_628, %xor3A_918 : vector<16xi32>
      %bitcast_convert_type3A_920 = tpu.bitcast %xor3A_919 : vector<16xi32> -> vector<16xi32>
      %bitcast_convert_type3A_921 = tpu.bitcast %bitcast_convert_type3A_920 : vector<16xi32> -> vector<16xi32>
      %not3A_922 = arith.constant dense<-1> : vector<16xi32>
      %not3A_923 = arith.xori %bitcast_convert_type3A_921, %not3A_922 : vector<16xi32>
      %and3A_924 = arith.constant 2147483647 : i32
      %and3A_925 = vector.broadcast %and3A_924 : i32 to vector<16xi32>
      %and3A_926 = arith.andi %bitcast_convert_type3A_920, %and3A_925 : vector<16xi32>
      %bitcast_convert_type3A_927 = tpu.bitcast %and3A_926 : vector<16xi32> -> vector<16xi32>
      %ge3A_928 = arith.constant -2147483648 : i32
      %ge3A_929 = vector.broadcast %ge3A_928 : i32 to vector<16xi32>
      %ge3A_930 = arith.cmpi uge, %bitcast_convert_type3A_920, %ge3A_929 : vector<16xi32>
      %select_n3A_931 = arith.select %ge3A_930, %bitcast_convert_type3A_927, %not3A_923 : vector<16xi1>, vector<16xi32>
      %bitcast_convert_type3A_932 = tpu.bitcast %select_n3A_931 : vector<16xi32> -> vector<16xf32>
      %add3A_933 = arith.constant 48 : i32
      %add3A_934 = vector.broadcast %add3A_933 : i32 to vector<16xi32>
      %add3A_935 = arith.addi %iota3A, %add3A_934 : vector<16xi32>
      %mul3A_936 = arith.constant 8 : i32
      %mul3A_937 = vector.broadcast %mul3A_936 : i32 to vector<16xi32>
      %mul3A_938 = arith.muli %add3A_935, %mul3A_937 : vector<16xi32>
      %mul3A_939 = arith.constant 640 : i32
      %mul3A_940 = arith.muli %rem3A_38, %mul3A_939 : i32
      %add3A_941 = vector.broadcast %mul3A_940 : i32 to vector<16xi32>
      %add3A_942 = arith.addi %mul3A_938, %add3A_941 : vector<16xi32>
      tpu.vector_store_idx %arg11[%add3A_942], %bitcast_convert_type3A_932 : memref<1280xf32, #tpu.memory_space<vmem>>[vector<16xi32>], vector<16xf32>,
      %mul3A_943 = arith.constant 8 : i32
      %mul3A_944 = vector.broadcast %mul3A_943 : i32 to vector<16xi32>
      %mul3A_945 = arith.muli %masked_sort3A_627, %mul3A_944 : vector<16xi32>
      %add3A_946 = arith.constant 1 : i32
      %add3A_947 = vector.broadcast %add3A_946 : i32 to vector<16xi32>
      %add3A_948 = arith.addi %mul3A_945, %add3A_947 : vector<16xi32>
      %gather3A_949 = tpu.vector_load_idx %arg6[%add3A_948] : memref<40960xf32, #tpu.memory_space<vmem>>[vector<16xi32>], vector<16xf32>,
      %add3A_950 = arith.constant 1 : i32
      %add3A_951 = vector.broadcast %add3A_950 : i32 to vector<16xi32>
      %add3A_952 = arith.addi %add3A_942, %add3A_951 : vector<16xi32>
      tpu.vector_store_idx %arg11[%add3A_952], %gather3A_949 : memref<1280xf32, #tpu.memory_space<vmem>>[vector<16xi32>], vector<16xf32>,
      %add3A_953 = arith.constant 2 : i32
      %add3A_954 = vector.broadcast %add3A_953 : i32 to vector<16xi32>
      %add3A_955 = arith.addi %mul3A_945, %add3A_954 : vector<16xi32>
      %gather3A_956 = tpu.vector_load_idx %arg6[%add3A_955] : memref<40960xf32, #tpu.memory_space<vmem>>[vector<16xi32>], vector<16xf32>,
      %add3A_957 = arith.constant 2 : i32
      %add3A_958 = vector.broadcast %add3A_957 : i32 to vector<16xi32>
      %add3A_959 = arith.addi %add3A_942, %add3A_958 : vector<16xi32>
      tpu.vector_store_idx %arg11[%add3A_959], %gather3A_956 : memref<1280xf32, #tpu.memory_space<vmem>>[vector<16xi32>], vector<16xf32>,
      %add3A_960 = arith.constant 3 : i32
      %add3A_961 = vector.broadcast %add3A_960 : i32 to vector<16xi32>
      %add3A_962 = arith.addi %mul3A_945, %add3A_961 : vector<16xi32>
      %gather3A_963 = tpu.vector_load_idx %arg6[%add3A_962] : memref<40960xf32, #tpu.memory_space<vmem>>[vector<16xi32>], vector<16xf32>,
      %add3A_964 = arith.constant 3 : i32
      %add3A_965 = vector.broadcast %add3A_964 : i32 to vector<16xi32>
      %add3A_966 = arith.addi %add3A_942, %add3A_965 : vector<16xi32>
      tpu.vector_store_idx %arg11[%add3A_966], %gather3A_963 : memref<1280xf32, #tpu.memory_space<vmem>>[vector<16xi32>], vector<16xf32>,
      %add3A_967 = arith.constant 4 : i32
      %add3A_968 = vector.broadcast %add3A_967 : i32 to vector<16xi32>
      %add3A_969 = arith.addi %mul3A_945, %add3A_968 : vector<16xi32>
      %gather3A_970 = tpu.vector_load_idx %arg6[%add3A_969] : memref<40960xf32, #tpu.memory_space<vmem>>[vector<16xi32>], vector<16xf32>,
      %add3A_971 = arith.constant 4 : i32
      %add3A_972 = vector.broadcast %add3A_971 : i32 to vector<16xi32>
      %add3A_973 = arith.addi %add3A_942, %add3A_972 : vector<16xi32>
      tpu.vector_store_idx %arg11[%add3A_973], %gather3A_970 : memref<1280xf32, #tpu.memory_space<vmem>>[vector<16xi32>], vector<16xf32>,
      %add3A_974 = arith.constant 5 : i32
      %add3A_975 = vector.broadcast %add3A_974 : i32 to vector<16xi32>
      %add3A_976 = arith.addi %mul3A_945, %add3A_975 : vector<16xi32>
      %gather3A_977 = tpu.vector_load_idx %arg6[%add3A_976] : memref<40960xf32, #tpu.memory_space<vmem>>[vector<16xi32>], vector<16xf32>,
      %add3A_978 = arith.constant 5 : i32
      %add3A_979 = vector.broadcast %add3A_978 : i32 to vector<16xi32>
      %add3A_980 = arith.addi %add3A_942, %add3A_979 : vector<16xi32>
      tpu.vector_store_idx %arg11[%add3A_980], %gather3A_977 : memref<1280xf32, #tpu.memory_space<vmem>>[vector<16xi32>], vector<16xf32>,
      %add3A_981 = arith.constant 6 : i32
      %add3A_982 = vector.broadcast %add3A_981 : i32 to vector<16xi32>
      %add3A_983 = arith.addi %mul3A_945, %add3A_982 : vector<16xi32>
      %gather3A_984 = tpu.vector_load_idx %arg6[%add3A_983] : memref<40960xf32, #tpu.memory_space<vmem>>[vector<16xi32>], vector<16xf32>,
      %add3A_985 = arith.constant 6 : i32
      %add3A_986 = vector.broadcast %add3A_985 : i32 to vector<16xi32>
      %add3A_987 = arith.addi %add3A_942, %add3A_986 : vector<16xi32>
      tpu.vector_store_idx %arg11[%add3A_987], %gather3A_984 : memref<1280xf32, #tpu.memory_space<vmem>>[vector<16xi32>], vector<16xf32>,
      %add3A_988 = arith.constant 7 : i32
      %add3A_989 = vector.broadcast %add3A_988 : i32 to vector<16xi32>
      %add3A_990 = arith.addi %mul3A_945, %add3A_989 : vector<16xi32>
      %gather3A_991 = tpu.vector_load_idx %arg6[%add3A_990] : memref<40960xf32, #tpu.memory_space<vmem>>[vector<16xi32>], vector<16xf32>,
      %add3A_992 = arith.constant 7 : i32
      %add3A_993 = vector.broadcast %add3A_992 : i32 to vector<16xi32>
      %add3A_994 = arith.addi %add3A_942, %add3A_993 : vector<16xi32>
      tpu.vector_store_idx %arg11[%add3A_994], %gather3A_991 : memref<1280xf32, #tpu.memory_space<vmem>>[vector<16xi32>], vector<16xf32>,
      %xor3A_995 = arith.constant -2147483648 : i32
      %xor3A_996 = vector.broadcast %xor3A_995 : i32 to vector<16xi32>
      %xor3A_997 = arith.xori %masked_sort3A_651, %xor3A_996 : vector<16xi32>
      %bitcast_convert_type3A_998 = tpu.bitcast %xor3A_997 : vector<16xi32> -> vector<16xi32>
      %bitcast_convert_type3A_999 = tpu.bitcast %bitcast_convert_type3A_998 : vector<16xi32> -> vector<16xi32>
      %not3A_1000 = arith.constant dense<-1> : vector<16xi32>
      %not3A_1001 = arith.xori %bitcast_convert_type3A_999, %not3A_1000 : vector<16xi32>
      %and3A_1002 = arith.constant 2147483647 : i32
      %and3A_1003 = vector.broadcast %and3A_1002 : i32 to vector<16xi32>
      %and3A_1004 = arith.andi %bitcast_convert_type3A_998, %and3A_1003 : vector<16xi32>
      %bitcast_convert_type3A_1005 = tpu.bitcast %and3A_1004 : vector<16xi32> -> vector<16xi32>
      %ge3A_1006 = arith.constant -2147483648 : i32
      %ge3A_1007 = vector.broadcast %ge3A_1006 : i32 to vector<16xi32>
      %ge3A_1008 = arith.cmpi uge, %bitcast_convert_type3A_998, %ge3A_1007 : vector<16xi32>
      %select_n3A_1009 = arith.select %ge3A_1008, %bitcast_convert_type3A_1005, %not3A_1001 : vector<16xi1>, vector<16xi32>
      %bitcast_convert_type3A_1010 = tpu.bitcast %select_n3A_1009 : vector<16xi32> -> vector<16xf32>
      %add3A_1011 = arith.constant 64 : i32
      %add3A_1012 = vector.broadcast %add3A_1011 : i32 to vector<16xi32>
      %add3A_1013 = arith.addi %iota3A, %add3A_1012 : vector<16xi32>
      %mul3A_1014 = arith.constant 8 : i32
      %mul3A_1015 = vector.broadcast %mul3A_1014 : i32 to vector<16xi32>
      %mul3A_1016 = arith.muli %add3A_1013, %mul3A_1015 : vector<16xi32>
      %mul3A_1017 = arith.constant 640 : i32
      %mul3A_1018 = arith.muli %rem3A_38, %mul3A_1017 : i32
      %add3A_1019 = vector.broadcast %mul3A_1018 : i32 to vector<16xi32>
      %add3A_1020 = arith.addi %mul3A_1016, %add3A_1019 : vector<16xi32>
      tpu.vector_store_idx %arg11[%add3A_1020], %bitcast_convert_type3A_1010 : memref<1280xf32, #tpu.memory_space<vmem>>[vector<16xi32>], vector<16xf32>,
      %mul3A_1021 = arith.constant 8 : i32
      %mul3A_1022 = vector.broadcast %mul3A_1021 : i32 to vector<16xi32>
      %mul3A_1023 = arith.muli %masked_sort3A_650, %mul3A_1022 : vector<16xi32>
      %add3A_1024 = arith.constant 1 : i32
      %add3A_1025 = vector.broadcast %add3A_1024 : i32 to vector<16xi32>
      %add3A_1026 = arith.addi %mul3A_1023, %add3A_1025 : vector<16xi32>
      %gather3A_1027 = tpu.vector_load_idx %arg6[%add3A_1026] : memref<40960xf32, #tpu.memory_space<vmem>>[vector<16xi32>], vector<16xf32>,
      %add3A_1028 = arith.constant 1 : i32
      %add3A_1029 = vector.broadcast %add3A_1028 : i32 to vector<16xi32>
      %add3A_1030 = arith.addi %add3A_1020, %add3A_1029 : vector<16xi32>
      tpu.vector_store_idx %arg11[%add3A_1030], %gather3A_1027 : memref<1280xf32, #tpu.memory_space<vmem>>[vector<16xi32>], vector<16xf32>,
      %add3A_1031 = arith.constant 2 : i32
      %add3A_1032 = vector.broadcast %add3A_1031 : i32 to vector<16xi32>
      %add3A_1033 = arith.addi %mul3A_1023, %add3A_1032 : vector<16xi32>
      %gather3A_1034 = tpu.vector_load_idx %arg6[%add3A_1033] : memref<40960xf32, #tpu.memory_space<vmem>>[vector<16xi32>], vector<16xf32>,
      %add3A_1035 = arith.constant 2 : i32
      %add3A_1036 = vector.broadcast %add3A_1035 : i32 to vector<16xi32>
      %add3A_1037 = arith.addi %add3A_1020, %add3A_1036 : vector<16xi32>
      tpu.vector_store_idx %arg11[%add3A_1037], %gather3A_1034 : memref<1280xf32, #tpu.memory_space<vmem>>[vector<16xi32>], vector<16xf32>,
      %add3A_1038 = arith.constant 3 : i32
      %add3A_1039 = vector.broadcast %add3A_1038 : i32 to vector<16xi32>
      %add3A_1040 = arith.addi %mul3A_1023, %add3A_1039 : vector<16xi32>
      %gather3A_1041 = tpu.vector_load_idx %arg6[%add3A_1040] : memref<40960xf32, #tpu.memory_space<vmem>>[vector<16xi32>], vector<16xf32>,
      %add3A_1042 = arith.constant 3 : i32
      %add3A_1043 = vector.broadcast %add3A_1042 : i32 to vector<16xi32>
      %add3A_1044 = arith.addi %add3A_1020, %add3A_1043 : vector<16xi32>
      tpu.vector_store_idx %arg11[%add3A_1044], %gather3A_1041 : memref<1280xf32, #tpu.memory_space<vmem>>[vector<16xi32>], vector<16xf32>,
      %add3A_1045 = arith.constant 4 : i32
      %add3A_1046 = vector.broadcast %add3A_1045 : i32 to vector<16xi32>
      %add3A_1047 = arith.addi %mul3A_1023, %add3A_1046 : vector<16xi32>
      %gather3A_1048 = tpu.vector_load_idx %arg6[%add3A_1047] : memref<40960xf32, #tpu.memory_space<vmem>>[vector<16xi32>], vector<16xf32>,
      %add3A_1049 = arith.constant 4 : i32
      %add3A_1050 = vector.broadcast %add3A_1049 : i32 to vector<16xi32>
      %add3A_1051 = arith.addi %add3A_1020, %add3A_1050 : vector<16xi32>
      tpu.vector_store_idx %arg11[%add3A_1051], %gather3A_1048 : memref<1280xf32, #tpu.memory_space<vmem>>[vector<16xi32>], vector<16xf32>,
      %add3A_1052 = arith.constant 5 : i32
      %add3A_1053 = vector.broadcast %add3A_1052 : i32 to vector<16xi32>
      %add3A_1054 = arith.addi %mul3A_1023, %add3A_1053 : vector<16xi32>
      %gather3A_1055 = tpu.vector_load_idx %arg6[%add3A_1054] : memref<40960xf32, #tpu.memory_space<vmem>>[vector<16xi32>], vector<16xf32>,
      %add3A_1056 = arith.constant 5 : i32
      %add3A_1057 = vector.broadcast %add3A_1056 : i32 to vector<16xi32>
      %add3A_1058 = arith.addi %add3A_1020, %add3A_1057 : vector<16xi32>
      tpu.vector_store_idx %arg11[%add3A_1058], %gather3A_1055 : memref<1280xf32, #tpu.memory_space<vmem>>[vector<16xi32>], vector<16xf32>,
      %add3A_1059 = arith.constant 6 : i32
      %add3A_1060 = vector.broadcast %add3A_1059 : i32 to vector<16xi32>
      %add3A_1061 = arith.addi %mul3A_1023, %add3A_1060 : vector<16xi32>
      %gather3A_1062 = tpu.vector_load_idx %arg6[%add3A_1061] : memref<40960xf32, #tpu.memory_space<vmem>>[vector<16xi32>], vector<16xf32>,
      %add3A_1063 = arith.constant 6 : i32
      %add3A_1064 = vector.broadcast %add3A_1063 : i32 to vector<16xi32>
      %add3A_1065 = arith.addi %add3A_1020, %add3A_1064 : vector<16xi32>
      tpu.vector_store_idx %arg11[%add3A_1065], %gather3A_1062 : memref<1280xf32, #tpu.memory_space<vmem>>[vector<16xi32>], vector<16xf32>,
      %add3A_1066 = arith.constant 7 : i32
      %add3A_1067 = vector.broadcast %add3A_1066 : i32 to vector<16xi32>
      %add3A_1068 = arith.addi %mul3A_1023, %add3A_1067 : vector<16xi32>
      %gather3A_1069 = tpu.vector_load_idx %arg6[%add3A_1068] : memref<40960xf32, #tpu.memory_space<vmem>>[vector<16xi32>], vector<16xf32>,
      %add3A_1070 = arith.constant 7 : i32
      %add3A_1071 = vector.broadcast %add3A_1070 : i32 to vector<16xi32>
      %add3A_1072 = arith.addi %add3A_1020, %add3A_1071 : vector<16xi32>
      tpu.vector_store_idx %arg11[%add3A_1072], %gather3A_1069 : memref<1280xf32, #tpu.memory_space<vmem>>[vector<16xi32>], vector<16xf32>,
      %mul3A_1073 = arith.constant 80 : i32
      %mul3A_1074 = arith.muli %rem3A_38, %mul3A_1073 : i32
      %mul3A_1075 = arith.constant 8 : i32
      %mul3A_1076 = arith.muli %mul3A_1074, %mul3A_1075 : i32
      %add3A_1077 = arith.addi %mul3A_2, %scan3A_37 : i32
      %dma_start3A_1078 = tpu.memref_slice %arg11[%mul3A_1076] : memref<1280xf32, #tpu.memory_space<vmem>> -> memref<640xf32, #tpu.memory_space<vmem>>
      %dma_start3A_1079 = arith.constant 0 : i32
      %dma_start3A_1080 = tpu.memref_slice %arg5[%add3A_1077, %dma_start3A_1079] : memref<4096x640xf32, #tpu.memory_space<hbm>> -> memref<1x640xf32, #tpu.memory_space<hbm>>
      %dma_start3A_1081 = tpu.memref_squeeze %dma_start3A_1080 : memref<1x640xf32, #tpu.memory_space<hbm>> -> memref<640xf32, #tpu.memory_space<hbm>>
      %dma_start3A_1082 = arith.constant 0 : i32
      %dma_start3A_1083 = tpu.memref_slice %arg5[%add3A_1077, %dma_start3A_1082] : memref<4096x640xf32, #tpu.memory_space<hbm>> -> memref<1x640xf32, #tpu.memory_space<hbm>>
      %dma_start3A_1084 = tpu.memref_squeeze %dma_start3A_1083 : memref<1x640xf32, #tpu.memory_space<hbm>> -> memref<640xf32, #tpu.memory_space<hbm>>
      %dma_start3A_1085 = tpu.memref_slice %arg11[%mul3A_1076] : memref<1280xf32, #tpu.memory_space<vmem>> -> memref<640xf32, #tpu.memory_space<vmem>>
      tpu.enqueue_dma source(%dma_start3A_1085 : memref<640xf32, #tpu.memory_space<vmem>>) target(%dma_start3A_1084 : memref<640xf32, #tpu.memory_space<hbm>>) target_semaphore(%arg13 : memref<!tpu.dma_semaphore, #tpu.memory_space<semaphore_mem>>)
    }
    %scan3A_17 = arith.constant 128 : i32
    %dma_wait3A = arith.constant 0 : i32
    %dma_wait3A_18 = tpu.memref_slice %arg11[%dma_wait3A] : memref<1280xf32, #tpu.memory_space<vmem>> -> memref<640xf32, #tpu.memory_space<vmem>>
    %dma_wait3A_19 = arith.constant 0 : i32
    %dma_wait3A_20 = tpu.memref_slice %arg5[%mul3A_2, %dma_wait3A_19] : memref<4096x640xf32, #tpu.memory_space<hbm>> -> memref<1x640xf32, #tpu.memory_space<hbm>>
    %dma_wait3A_21 = tpu.memref_squeeze %dma_wait3A_20 : memref<1x640xf32, #tpu.memory_space<hbm>> -> memref<640xf32, #tpu.memory_space<hbm>>
    %dma_wait3A_22 = arith.constant 0 : i32
    %dma_wait3A_23 = tpu.memref_slice %arg5[%mul3A_2, %dma_wait3A_22] : memref<4096x640xf32, #tpu.memory_space<hbm>> -> memref<1x640xf32, #tpu.memory_space<hbm>>
    %dma_wait3A_24 = tpu.memref_squeeze %dma_wait3A_23 : memref<1x640xf32, #tpu.memory_space<hbm>> -> memref<640xf32, #tpu.memory_space<hbm>>
    %dma_wait3A_25 = arith.constant 0 : i32
    %dma_wait3A_26 = tpu.memref_slice %arg11[%dma_wait3A_25] : memref<1280xf32, #tpu.memory_space<vmem>> -> memref<640xf32, #tpu.memory_space<vmem>>
    tpu.wait_dma2 semaphore(%arg13 : memref<!tpu.dma_semaphore, #tpu.memory_space<semaphore_mem>>) src(%dma_wait3A_26 : memref<640xf32, #tpu.memory_space<vmem>>) dst(%dma_wait3A_24 : memref<640xf32, #tpu.memory_space<hbm>>)
    %dma_wait3A_27 = arith.constant 640 : i32
    %dma_wait3A_28 = tpu.memref_slice %arg11[%dma_wait3A_27] : memref<1280xf32, #tpu.memory_space<vmem>> -> memref<640xf32, #tpu.memory_space<vmem>>
    %dma_wait3A_29 = arith.constant 0 : i32
    %dma_wait3A_30 = tpu.memref_slice %arg5[%mul3A_2, %dma_wait3A_29] : memref<4096x640xf32, #tpu.memory_space<hbm>> -> memref<1x640xf32, #tpu.memory_space<hbm>>
    %dma_wait3A_31 = tpu.memref_squeeze %dma_wait3A_30 : memref<1x640xf32, #tpu.memory_space<hbm>> -> memref<640xf32, #tpu.memory_space<hbm>>
    %dma_wait3A_32 = arith.constant 0 : i32
    %dma_wait3A_33 = tpu.memref_slice %arg5[%mul3A_2, %dma_wait3A_32] : memref<4096x640xf32, #tpu.memory_space<hbm>> -> memref<1x640xf32, #tpu.memory_space<hbm>>
    %dma_wait3A_34 = tpu.memref_squeeze %dma_wait3A_33 : memref<1x640xf32, #tpu.memory_space<hbm>> -> memref<640xf32, #tpu.memory_space<hbm>>
    %dma_wait3A_35 = arith.constant 640 : i32
    %dma_wait3A_36 = tpu.memref_slice %arg11[%dma_wait3A_35] : memref<1280xf32, #tpu.memory_space<vmem>> -> memref<640xf32, #tpu.memory_space<vmem>>
    tpu.wait_dma2 semaphore(%arg13 : memref<!tpu.dma_semaphore, #tpu.memory_space<semaphore_mem>>) src(%dma_wait3A_36 : memref<640xf32, #tpu.memory_space<vmem>>) dst(%dma_wait3A_34 : memref<640xf32, #tpu.memory_space<hbm>>)
    return
  }
}

module attributes {stable_mosaic.version = 14 : i64} {
  func.func @_match_body(%arg0: i32, %arg1: memref<1024x1xi32, #tpu.memory_space<vmem>>, %arg2: memref<1x4096xi32, #tpu.memory_space<vmem>>, %arg3: memref<1024x1xi32, #tpu.memory_space<vmem>>) attributes {dimension_semantics = [#tpu.dimension_semantics<arbitrary>], iteration_bounds = array<i64: 9>, scalar_prefetch = 0 : i64, scratch_operands = 0 : i64, tpu.core_type = #tpu.core_type<tc>, window_params = [{transform_indices = @transform_0, window_bounds = array<i64: 1024, 1>}, {pipeline_mode = #tpu.pipeline_mode<synchronous>, transform_indices = @transform_1, window_bounds = array<i64: 1, 4096>}, {transform_indices = @transform_2, window_bounds = array<i64: 1024, 1>}]} {
    %get3A = arith.constant 0 : index
    %get3A_0 = arith.constant 0 : index
    %get3A_1 = vector.load %arg1[%get3A, %get3A_0] : memref<1024x1xi32, #tpu.memory_space<vmem>>, vector<1024x1xi32>
    %get3A_2 = arith.constant 0 : index
    %get3A_3 = arith.constant 0 : index
    %get3A_4 = vector.load %arg2[%get3A_2, %get3A_3] : memref<1x4096xi32, #tpu.memory_space<vmem>>, vector<1x4096xi32>
    %broadcast_in_dim3A = arith.constant -1 : i32
    %broadcast_in_dim3A_5 = vector.broadcast %broadcast_in_dim3A : i32 to vector<1024x1xi32>
    %slice3A = vector.extract_strided_slice %get3A_4 {offsets = [0, 0], sizes = [1, 1024], strides = [1, 1]} : vector<1x4096xi32> to vector<1x1024xi32>
    %eq3A = vector.broadcast %get3A_1 : vector<1024x1xi32> to vector<1024x1024xi32>
    %eq3A_6 = vector.broadcast %slice3A : vector<1x1024xi32> to vector<1024x1024xi32>
    %eq3A_7 = arith.cmpi eq, %eq3A, %eq3A_6 : vector<1024x1024xi32>
    %iota3A = tpu.iota {dimensions = array<i32: 1>} : vector<1024x1024xi32>
    %add3A = arith.constant 0 : i32
    %add3A_8 = vector.broadcast %add3A : i32 to vector<1024x1024xi32>
    %add3A_9 = arith.addi %iota3A, %add3A_8 : vector<1024x1024xi32>
    %jit3A = arith.constant -1 : i32
    %broadcast_in_dim3A_10 = vector.broadcast %jit3A : i32 to vector<1024x1024xi32>
    %select_n3A = arith.select %eq3A_7, %add3A_9, %broadcast_in_dim3A_10 : vector<1024x1024xi1>, vector<1024x1024xi32>
    %reduce_max3A = arith.constant dense<-2147483648> : vector<1024xi32>
    %reduce_max3A_11 = vector.multi_reduction <maxsi>, %select_n3A, %reduce_max3A [1] : vector<1024x1024xi32> to vector<1024xi32>
    %broadcast_in_dim3A_12 = vector.shape_cast %reduce_max3A_11 : vector<1024xi32> to vector<1024x1xi32>
    %max3A = arith.maxsi %broadcast_in_dim3A_5, %broadcast_in_dim3A_12 : vector<1024x1xi32>
    %slice3A_13 = vector.extract_strided_slice %get3A_4 {offsets = [0, 1024], sizes = [1, 1024], strides = [1, 1]} : vector<1x4096xi32> to vector<1x1024xi32>
    %eq3A_14 = vector.broadcast %get3A_1 : vector<1024x1xi32> to vector<1024x1024xi32>
    %eq3A_15 = vector.broadcast %slice3A_13 : vector<1x1024xi32> to vector<1024x1024xi32>
    %eq3A_16 = arith.cmpi eq, %eq3A_14, %eq3A_15 : vector<1024x1024xi32>
    %iota3A_17 = tpu.iota {dimensions = array<i32: 1>} : vector<1024x1024xi32>
    %add3A_18 = arith.constant 1024 : i32
    %add3A_19 = vector.broadcast %add3A_18 : i32 to vector<1024x1024xi32>
    %add3A_20 = arith.addi %iota3A_17, %add3A_19 : vector<1024x1024xi32>
    %jit3A_21 = arith.constant -1 : i32
    %broadcast_in_dim3A_22 = vector.broadcast %jit3A_21 : i32 to vector<1024x1024xi32>
    %select_n3A_23 = arith.select %eq3A_16, %add3A_20, %broadcast_in_dim3A_22 : vector<1024x1024xi1>, vector<1024x1024xi32>
    %reduce_max3A_24 = arith.constant dense<-2147483648> : vector<1024xi32>
    %reduce_max3A_25 = vector.multi_reduction <maxsi>, %select_n3A_23, %reduce_max3A_24 [1] : vector<1024x1024xi32> to vector<1024xi32>
    %broadcast_in_dim3A_26 = vector.shape_cast %reduce_max3A_25 : vector<1024xi32> to vector<1024x1xi32>
    %max3A_27 = arith.maxsi %max3A, %broadcast_in_dim3A_26 : vector<1024x1xi32>
    %slice3A_28 = vector.extract_strided_slice %get3A_4 {offsets = [0, 2048], sizes = [1, 1024], strides = [1, 1]} : vector<1x4096xi32> to vector<1x1024xi32>
    %eq3A_29 = vector.broadcast %get3A_1 : vector<1024x1xi32> to vector<1024x1024xi32>
    %eq3A_30 = vector.broadcast %slice3A_28 : vector<1x1024xi32> to vector<1024x1024xi32>
    %eq3A_31 = arith.cmpi eq, %eq3A_29, %eq3A_30 : vector<1024x1024xi32>
    %iota3A_32 = tpu.iota {dimensions = array<i32: 1>} : vector<1024x1024xi32>
    %add3A_33 = arith.constant 2048 : i32
    %add3A_34 = vector.broadcast %add3A_33 : i32 to vector<1024x1024xi32>
    %add3A_35 = arith.addi %iota3A_32, %add3A_34 : vector<1024x1024xi32>
    %jit3A_36 = arith.constant -1 : i32
    %broadcast_in_dim3A_37 = vector.broadcast %jit3A_36 : i32 to vector<1024x1024xi32>
    %select_n3A_38 = arith.select %eq3A_31, %add3A_35, %broadcast_in_dim3A_37 : vector<1024x1024xi1>, vector<1024x1024xi32>
    %reduce_max3A_39 = arith.constant dense<-2147483648> : vector<1024xi32>
    %reduce_max3A_40 = vector.multi_reduction <maxsi>, %select_n3A_38, %reduce_max3A_39 [1] : vector<1024x1024xi32> to vector<1024xi32>
    %broadcast_in_dim3A_41 = vector.shape_cast %reduce_max3A_40 : vector<1024xi32> to vector<1024x1xi32>
    %max3A_42 = arith.maxsi %max3A_27, %broadcast_in_dim3A_41 : vector<1024x1xi32>
    %slice3A_43 = vector.extract_strided_slice %get3A_4 {offsets = [0, 3072], sizes = [1, 1024], strides = [1, 1]} : vector<1x4096xi32> to vector<1x1024xi32>
    %eq3A_44 = vector.broadcast %get3A_1 : vector<1024x1xi32> to vector<1024x1024xi32>
    %eq3A_45 = vector.broadcast %slice3A_43 : vector<1x1024xi32> to vector<1024x1024xi32>
    %eq3A_46 = arith.cmpi eq, %eq3A_44, %eq3A_45 : vector<1024x1024xi32>
    %iota3A_47 = tpu.iota {dimensions = array<i32: 1>} : vector<1024x1024xi32>
    %add3A_48 = arith.constant 3072 : i32
    %add3A_49 = vector.broadcast %add3A_48 : i32 to vector<1024x1024xi32>
    %add3A_50 = arith.addi %iota3A_47, %add3A_49 : vector<1024x1024xi32>
    %jit3A_51 = arith.constant -1 : i32
    %broadcast_in_dim3A_52 = vector.broadcast %jit3A_51 : i32 to vector<1024x1024xi32>
    %select_n3A_53 = arith.select %eq3A_46, %add3A_50, %broadcast_in_dim3A_52 : vector<1024x1024xi1>, vector<1024x1024xi32>
    %reduce_max3A_54 = arith.constant dense<-2147483648> : vector<1024xi32>
    %reduce_max3A_55 = vector.multi_reduction <maxsi>, %select_n3A_53, %reduce_max3A_54 [1] : vector<1024x1024xi32> to vector<1024xi32>
    %broadcast_in_dim3A_56 = vector.shape_cast %reduce_max3A_55 : vector<1024xi32> to vector<1024x1xi32>
    %max3A_57 = arith.maxsi %max3A_42, %broadcast_in_dim3A_56 : vector<1024x1xi32>
    %swap3A = arith.constant 0 : index
    %swap3A_58 = arith.constant 0 : index
    %swap3A_59 = vector.load %arg3[%swap3A, %swap3A_58] : memref<1024x1xi32, #tpu.memory_space<vmem>>, vector<1024x1xi32>
    tpu.vector_store %arg3[%swap3A, %swap3A_58], %max3A_57 {strides = array<i32>} : memref<1024x1xi32, #tpu.memory_space<vmem>>, vector<1024x1xi32>,
    return
  }
  func.func @transform_0(%arg0: i32) -> (i32, i32) {
    %c0_i32 = arith.constant 0 : i32
    %c0_i32_0 = arith.constant 0 : i32
    return %arg0, %c0_i32 : i32, i32
  }
  func.func @transform_1(%arg0: i32) -> (i32, i32) {
    %c0_i32 = arith.constant 0 : i32
    %c0_i32_0 = arith.constant 0 : i32
    %c0_i32_1 = arith.constant 0 : i32
    return %c0_i32, %c0_i32_0 : i32, i32
  }
  func.func @transform_2(%arg0: i32) -> (i32, i32) {
    %c0_i32 = arith.constant 0 : i32
    %c0_i32_0 = arith.constant 0 : i32
    return %arg0, %c0_i32 : i32, i32
  }
}

module attributes {stable_mosaic.version = 14 : i64} {
  func.func @_mm_thresh_body(%arg0: i32, %arg1: memref<512x64xf32, #tpu.memory_space<vmem>>, %arg2: memref<5120x64xf32, #tpu.memory_space<vmem>>, %arg3: memref<512x5120xi32, #tpu.memory_space<vmem>>, %arg4: memref<1x1x512xi32, #tpu.memory_space<vmem>>) attributes {dimension_semantics = [#tpu.dimension_semantics<arbitrary>], iteration_bounds = array<i64: 8>, scalar_prefetch = 0 : i64, scratch_operands = 0 : i64, tpu.core_type = #tpu.core_type<tc>, window_params = [{transform_indices = @transform_0, window_bounds = array<i64: 512, 64>}, {pipeline_mode = #tpu.pipeline_mode<synchronous>, transform_indices = @transform_1, window_bounds = array<i64: 5120, 64>}, {transform_indices = @transform_2, window_bounds = array<i64: 512, 5120>}, {transform_indices = @transform_3, window_bounds = array<i64: 1, 1, 512>}]} {
    %get3A = arith.constant 0 : index
    %get3A_0 = arith.constant 0 : index
    %get3A_1 = vector.load %arg1[%get3A, %get3A_0] : memref<512x64xf32, #tpu.memory_space<vmem>>, vector<512x64xf32>
    %get3A_2 = arith.constant 0 : index
    %get3A_3 = arith.constant 0 : index
    %get3A_4 = vector.load %arg2[%get3A_2, %get3A_3] : memref<5120x64xf32, #tpu.memory_space<vmem>>, vector<5120x64xf32>
    %dot_general3A = arith.constant dense<0.000000e+00> : vector<512x5120xf32>
    %dot_general3A_5 = tpu.matmul %get3A_1, %get3A_4, %dot_general3A {dimension_numbers = #tpu.dot_dimension_numbers<[1], [1], [0], [0], [0, 0, 1, 0], [], []>, transpose_lhs_hint = false} : vector<512x64xf32>, vector<5120x64xf32>, vector<512x5120xf32> -> vector<512x5120xf32>
    %bitcast_convert_type3A = tpu.bitcast %dot_general3A_5 : vector<512x5120xf32> -> vector<512x5120xi32>
    %lt3A = arith.constant 0 : i32
    %lt3A_6 = vector.broadcast %lt3A : i32 to vector<512x5120xi32>
    %lt3A_7 = arith.cmpi slt, %bitcast_convert_type3A, %lt3A_6 : vector<512x5120xi32>
    %not3A = arith.constant dense<-1> : vector<512x5120xi32>
    %not3A_8 = arith.xori %bitcast_convert_type3A, %not3A : vector<512x5120xi32>
    %or3A = arith.constant -2147483648 : i32
    %or3A_9 = vector.broadcast %or3A : i32 to vector<512x5120xi32>
    %or3A_10 = arith.ori %bitcast_convert_type3A, %or3A_9 : vector<512x5120xi32>
    %select_n3A = arith.select %lt3A_7, %not3A_8, %or3A_10 : vector<512x5120xi1>, vector<512x5120xi32>
    %iota3A = tpu.iota {dimensions = array<i32: 1>} : vector<512x5120xi32>
    %ge3A = arith.constant 120 : i32
    %ge3A_11 = vector.broadcast %ge3A : i32 to vector<512x5120xi32>
    %ge3A_12 = arith.cmpi sge, %iota3A, %ge3A_11 : vector<512x5120xi32>
    %jit3A = arith.constant 0 : i32
    %broadcast_in_dim3A = vector.broadcast %jit3A : i32 to vector<512x5120xi32>
    %select_n3A_13 = arith.select %ge3A_12, %select_n3A, %broadcast_in_dim3A : vector<512x5120xi1>, vector<512x5120xi32>
    %bitcast_convert_type3A_14 = tpu.bitcast %select_n3A_13 : vector<512x5120xi32> -> vector<512x5120xi32>
    %xor3A = arith.constant -2147483648 : i32
    %xor3A_15 = vector.broadcast %xor3A : i32 to vector<512x5120xi32>
    %xor3A_16 = arith.xori %bitcast_convert_type3A_14, %xor3A_15 : vector<512x5120xi32>
    %swap3A = arith.constant 0 : index
    %swap3A_17 = arith.constant 0 : index
    %swap3A_18 = vector.load %arg3[%swap3A, %swap3A_17] : memref<512x5120xi32, #tpu.memory_space<vmem>>, vector<512x5120xi32>
    tpu.vector_store %arg3[%swap3A, %swap3A_17], %xor3A_16 {strides = array<i32>} : memref<512x5120xi32, #tpu.memory_space<vmem>>, vector<512x5120xi32>,
    %broadcast_in_dim3A_19 = arith.constant 0 : i32
    %broadcast_in_dim3A_20 = vector.broadcast %broadcast_in_dim3A_19 : i32 to vector<512x1xi32>
    %or3A_21 = arith.constant -2147483648 : i32
    %or3A_22 = vector.broadcast %or3A_21 : i32 to vector<512x1xi32>
    %or3A_23 = arith.ori %broadcast_in_dim3A_20, %or3A_22 : vector<512x1xi32>
    %ge3A_24 = vector.broadcast %or3A_23 : vector<512x1xi32> to vector<512x5120xi32>
    %ge3A_25 = arith.cmpi uge, %select_n3A_13, %ge3A_24 : vector<512x5120xi32>
    %convert_element_type3A = arith.extui %ge3A_25 : vector<512x5120xi1> to vector<512x5120xi32>
    %reduce_sum3A = arith.constant dense<0> : vector<512xi32>
    %reduce_sum3A_26 = vector.multi_reduction <add>, %convert_element_type3A, %reduce_sum3A [1] : vector<512x5120xi32> to vector<512xi32>
    %broadcast_in_dim3A_27 = vector.shape_cast %reduce_sum3A_26 : vector<512xi32> to vector<512x1xi32>
    %ge3A_28 = arith.constant 80 : i32
    %ge3A_29 = vector.broadcast %ge3A_28 : i32 to vector<512x1xi32>
    %ge3A_30 = arith.cmpi sge, %broadcast_in_dim3A_27, %ge3A_29 : vector<512x1xi32>
    %select_n3A_31 = arith.select %ge3A_30, %or3A_23, %broadcast_in_dim3A_20 : vector<512x1xi1>, vector<512x1xi32>
    %or3A_32 = arith.constant 1073741824 : i32
    %or3A_33 = vector.broadcast %or3A_32 : i32 to vector<512x1xi32>
    %or3A_34 = arith.ori %select_n3A_31, %or3A_33 : vector<512x1xi32>
    %ge3A_35 = vector.broadcast %or3A_34 : vector<512x1xi32> to vector<512x5120xi32>
    %ge3A_36 = arith.cmpi uge, %select_n3A_13, %ge3A_35 : vector<512x5120xi32>
    %convert_element_type3A_37 = arith.extui %ge3A_36 : vector<512x5120xi1> to vector<512x5120xi32>
    %reduce_sum3A_38 = arith.constant dense<0> : vector<512xi32>
    %reduce_sum3A_39 = vector.multi_reduction <add>, %convert_element_type3A_37, %reduce_sum3A_38 [1] : vector<512x5120xi32> to vector<512xi32>
    %broadcast_in_dim3A_40 = vector.shape_cast %reduce_sum3A_39 : vector<512xi32> to vector<512x1xi32>
    %ge3A_41 = arith.constant 80 : i32
    %ge3A_42 = vector.broadcast %ge3A_41 : i32 to vector<512x1xi32>
    %ge3A_43 = arith.cmpi sge, %broadcast_in_dim3A_40, %ge3A_42 : vector<512x1xi32>
    %select_n3A_44 = arith.select %ge3A_43, %or3A_34, %select_n3A_31 : vector<512x1xi1>, vector<512x1xi32>
    %or3A_45 = arith.constant 536870912 : i32
    %or3A_46 = vector.broadcast %or3A_45 : i32 to vector<512x1xi32>
    %or3A_47 = arith.ori %select_n3A_44, %or3A_46 : vector<512x1xi32>
    %ge3A_48 = vector.broadcast %or3A_47 : vector<512x1xi32> to vector<512x5120xi32>
    %ge3A_49 = arith.cmpi uge, %select_n3A_13, %ge3A_48 : vector<512x5120xi32>
    %convert_element_type3A_50 = arith.extui %ge3A_49 : vector<512x5120xi1> to vector<512x5120xi32>
    %reduce_sum3A_51 = arith.constant dense<0> : vector<512xi32>
    %reduce_sum3A_52 = vector.multi_reduction <add>, %convert_element_type3A_50, %reduce_sum3A_51 [1] : vector<512x5120xi32> to vector<512xi32>
    %broadcast_in_dim3A_53 = vector.shape_cast %reduce_sum3A_52 : vector<512xi32> to vector<512x1xi32>
    %ge3A_54 = arith.constant 80 : i32
    %ge3A_55 = vector.broadcast %ge3A_54 : i32 to vector<512x1xi32>
    %ge3A_56 = arith.cmpi sge, %broadcast_in_dim3A_53, %ge3A_55 : vector<512x1xi32>
    %select_n3A_57 = arith.select %ge3A_56, %or3A_47, %select_n3A_44 : vector<512x1xi1>, vector<512x1xi32>
    %or3A_58 = arith.constant 268435456 : i32
    %or3A_59 = vector.broadcast %or3A_58 : i32 to vector<512x1xi32>
    %or3A_60 = arith.ori %select_n3A_57, %or3A_59 : vector<512x1xi32>
    %ge3A_61 = vector.broadcast %or3A_60 : vector<512x1xi32> to vector<512x5120xi32>
    %ge3A_62 = arith.cmpi uge, %select_n3A_13, %ge3A_61 : vector<512x5120xi32>
    %convert_element_type3A_63 = arith.extui %ge3A_62 : vector<512x5120xi1> to vector<512x5120xi32>
    %reduce_sum3A_64 = arith.constant dense<0> : vector<512xi32>
    %reduce_sum3A_65 = vector.multi_reduction <add>, %convert_element_type3A_63, %reduce_sum3A_64 [1] : vector<512x5120xi32> to vector<512xi32>
    %broadcast_in_dim3A_66 = vector.shape_cast %reduce_sum3A_65 : vector<512xi32> to vector<512x1xi32>
    %ge3A_67 = arith.constant 80 : i32
    %ge3A_68 = vector.broadcast %ge3A_67 : i32 to vector<512x1xi32>
    %ge3A_69 = arith.cmpi sge, %broadcast_in_dim3A_66, %ge3A_68 : vector<512x1xi32>
    %select_n3A_70 = arith.select %ge3A_69, %or3A_60, %select_n3A_57 : vector<512x1xi1>, vector<512x1xi32>
    %or3A_71 = arith.constant 134217728 : i32
    %or3A_72 = vector.broadcast %or3A_71 : i32 to vector<512x1xi32>
    %or3A_73 = arith.ori %select_n3A_70, %or3A_72 : vector<512x1xi32>
    %ge3A_74 = vector.broadcast %or3A_73 : vector<512x1xi32> to vector<512x5120xi32>
    %ge3A_75 = arith.cmpi uge, %select_n3A_13, %ge3A_74 : vector<512x5120xi32>
    %convert_element_type3A_76 = arith.extui %ge3A_75 : vector<512x5120xi1> to vector<512x5120xi32>
    %reduce_sum3A_77 = arith.constant dense<0> : vector<512xi32>
    %reduce_sum3A_78 = vector.multi_reduction <add>, %convert_element_type3A_76, %reduce_sum3A_77 [1] : vector<512x5120xi32> to vector<512xi32>
    %broadcast_in_dim3A_79 = vector.shape_cast %reduce_sum3A_78 : vector<512xi32> to vector<512x1xi32>
    %ge3A_80 = arith.constant 80 : i32
    %ge3A_81 = vector.broadcast %ge3A_80 : i32 to vector<512x1xi32>
    %ge3A_82 = arith.cmpi sge, %broadcast_in_dim3A_79, %ge3A_81 : vector<512x1xi32>
    %select_n3A_83 = arith.select %ge3A_82, %or3A_73, %select_n3A_70 : vector<512x1xi1>, vector<512x1xi32>
    %or3A_84 = arith.constant 67108864 : i32
    %or3A_85 = vector.broadcast %or3A_84 : i32 to vector<512x1xi32>
    %or3A_86 = arith.ori %select_n3A_83, %or3A_85 : vector<512x1xi32>
    %ge3A_87 = vector.broadcast %or3A_86 : vector<512x1xi32> to vector<512x5120xi32>
    %ge3A_88 = arith.cmpi uge, %select_n3A_13, %ge3A_87 : vector<512x5120xi32>
    %convert_element_type3A_89 = arith.extui %ge3A_88 : vector<512x5120xi1> to vector<512x5120xi32>
    %reduce_sum3A_90 = arith.constant dense<0> : vector<512xi32>
    %reduce_sum3A_91 = vector.multi_reduction <add>, %convert_element_type3A_89, %reduce_sum3A_90 [1] : vector<512x5120xi32> to vector<512xi32>
    %broadcast_in_dim3A_92 = vector.shape_cast %reduce_sum3A_91 : vector<512xi32> to vector<512x1xi32>
    %ge3A_93 = arith.constant 80 : i32
    %ge3A_94 = vector.broadcast %ge3A_93 : i32 to vector<512x1xi32>
    %ge3A_95 = arith.cmpi sge, %broadcast_in_dim3A_92, %ge3A_94 : vector<512x1xi32>
    %select_n3A_96 = arith.select %ge3A_95, %or3A_86, %select_n3A_83 : vector<512x1xi1>, vector<512x1xi32>
    %or3A_97 = arith.constant 33554432 : i32
    %or3A_98 = vector.broadcast %or3A_97 : i32 to vector<512x1xi32>
    %or3A_99 = arith.ori %select_n3A_96, %or3A_98 : vector<512x1xi32>
    %ge3A_100 = vector.broadcast %or3A_99 : vector<512x1xi32> to vector<512x5120xi32>
    %ge3A_101 = arith.cmpi uge, %select_n3A_13, %ge3A_100 : vector<512x5120xi32>
    %convert_element_type3A_102 = arith.extui %ge3A_101 : vector<512x5120xi1> to vector<512x5120xi32>
    %reduce_sum3A_103 = arith.constant dense<0> : vector<512xi32>
    %reduce_sum3A_104 = vector.multi_reduction <add>, %convert_element_type3A_102, %reduce_sum3A_103 [1] : vector<512x5120xi32> to vector<512xi32>
    %broadcast_in_dim3A_105 = vector.shape_cast %reduce_sum3A_104 : vector<512xi32> to vector<512x1xi32>
    %ge3A_106 = arith.constant 80 : i32
    %ge3A_107 = vector.broadcast %ge3A_106 : i32 to vector<512x1xi32>
    %ge3A_108 = arith.cmpi sge, %broadcast_in_dim3A_105, %ge3A_107 : vector<512x1xi32>
    %select_n3A_109 = arith.select %ge3A_108, %or3A_99, %select_n3A_96 : vector<512x1xi1>, vector<512x1xi32>
    %or3A_110 = arith.constant 16777216 : i32
    %or3A_111 = vector.broadcast %or3A_110 : i32 to vector<512x1xi32>
    %or3A_112 = arith.ori %select_n3A_109, %or3A_111 : vector<512x1xi32>
    %ge3A_113 = vector.broadcast %or3A_112 : vector<512x1xi32> to vector<512x5120xi32>
    %ge3A_114 = arith.cmpi uge, %select_n3A_13, %ge3A_113 : vector<512x5120xi32>
    %convert_element_type3A_115 = arith.extui %ge3A_114 : vector<512x5120xi1> to vector<512x5120xi32>
    %reduce_sum3A_116 = arith.constant dense<0> : vector<512xi32>
    %reduce_sum3A_117 = vector.multi_reduction <add>, %convert_element_type3A_115, %reduce_sum3A_116 [1] : vector<512x5120xi32> to vector<512xi32>
    %broadcast_in_dim3A_118 = vector.shape_cast %reduce_sum3A_117 : vector<512xi32> to vector<512x1xi32>
    %ge3A_119 = arith.constant 80 : i32
    %ge3A_120 = vector.broadcast %ge3A_119 : i32 to vector<512x1xi32>
    %ge3A_121 = arith.cmpi sge, %broadcast_in_dim3A_118, %ge3A_120 : vector<512x1xi32>
    %select_n3A_122 = arith.select %ge3A_121, %or3A_112, %select_n3A_109 : vector<512x1xi1>, vector<512x1xi32>
    %or3A_123 = arith.constant 8388608 : i32
    %or3A_124 = vector.broadcast %or3A_123 : i32 to vector<512x1xi32>
    %or3A_125 = arith.ori %select_n3A_122, %or3A_124 : vector<512x1xi32>
    %ge3A_126 = vector.broadcast %or3A_125 : vector<512x1xi32> to vector<512x5120xi32>
    %ge3A_127 = arith.cmpi uge, %select_n3A_13, %ge3A_126 : vector<512x5120xi32>
    %convert_element_type3A_128 = arith.extui %ge3A_127 : vector<512x5120xi1> to vector<512x5120xi32>
    %reduce_sum3A_129 = arith.constant dense<0> : vector<512xi32>
    %reduce_sum3A_130 = vector.multi_reduction <add>, %convert_element_type3A_128, %reduce_sum3A_129 [1] : vector<512x5120xi32> to vector<512xi32>
    %broadcast_in_dim3A_131 = vector.shape_cast %reduce_sum3A_130 : vector<512xi32> to vector<512x1xi32>
    %ge3A_132 = arith.constant 80 : i32
    %ge3A_133 = vector.broadcast %ge3A_132 : i32 to vector<512x1xi32>
    %ge3A_134 = arith.cmpi sge, %broadcast_in_dim3A_131, %ge3A_133 : vector<512x1xi32>
    %select_n3A_135 = arith.select %ge3A_134, %or3A_125, %select_n3A_122 : vector<512x1xi1>, vector<512x1xi32>
    %or3A_136 = arith.constant 4194304 : i32
    %or3A_137 = vector.broadcast %or3A_136 : i32 to vector<512x1xi32>
    %or3A_138 = arith.ori %select_n3A_135, %or3A_137 : vector<512x1xi32>
    %ge3A_139 = vector.broadcast %or3A_138 : vector<512x1xi32> to vector<512x5120xi32>
    %ge3A_140 = arith.cmpi uge, %select_n3A_13, %ge3A_139 : vector<512x5120xi32>
    %convert_element_type3A_141 = arith.extui %ge3A_140 : vector<512x5120xi1> to vector<512x5120xi32>
    %reduce_sum3A_142 = arith.constant dense<0> : vector<512xi32>
    %reduce_sum3A_143 = vector.multi_reduction <add>, %convert_element_type3A_141, %reduce_sum3A_142 [1] : vector<512x5120xi32> to vector<512xi32>
    %broadcast_in_dim3A_144 = vector.shape_cast %reduce_sum3A_143 : vector<512xi32> to vector<512x1xi32>
    %ge3A_145 = arith.constant 80 : i32
    %ge3A_146 = vector.broadcast %ge3A_145 : i32 to vector<512x1xi32>
    %ge3A_147 = arith.cmpi sge, %broadcast_in_dim3A_144, %ge3A_146 : vector<512x1xi32>
    %select_n3A_148 = arith.select %ge3A_147, %or3A_138, %select_n3A_135 : vector<512x1xi1>, vector<512x1xi32>
    %or3A_149 = arith.constant 2097152 : i32
    %or3A_150 = vector.broadcast %or3A_149 : i32 to vector<512x1xi32>
    %or3A_151 = arith.ori %select_n3A_148, %or3A_150 : vector<512x1xi32>
    %ge3A_152 = vector.broadcast %or3A_151 : vector<512x1xi32> to vector<512x5120xi32>
    %ge3A_153 = arith.cmpi uge, %select_n3A_13, %ge3A_152 : vector<512x5120xi32>
    %convert_element_type3A_154 = arith.extui %ge3A_153 : vector<512x5120xi1> to vector<512x5120xi32>
    %reduce_sum3A_155 = arith.constant dense<0> : vector<512xi32>
    %reduce_sum3A_156 = vector.multi_reduction <add>, %convert_element_type3A_154, %reduce_sum3A_155 [1] : vector<512x5120xi32> to vector<512xi32>
    %broadcast_in_dim3A_157 = vector.shape_cast %reduce_sum3A_156 : vector<512xi32> to vector<512x1xi32>
    %ge3A_158 = arith.constant 80 : i32
    %ge3A_159 = vector.broadcast %ge3A_158 : i32 to vector<512x1xi32>
    %ge3A_160 = arith.cmpi sge, %broadcast_in_dim3A_157, %ge3A_159 : vector<512x1xi32>
    %select_n3A_161 = arith.select %ge3A_160, %or3A_151, %select_n3A_148 : vector<512x1xi1>, vector<512x1xi32>
    %or3A_162 = arith.constant 1048576 : i32
    %or3A_163 = vector.broadcast %or3A_162 : i32 to vector<512x1xi32>
    %or3A_164 = arith.ori %select_n3A_161, %or3A_163 : vector<512x1xi32>
    %ge3A_165 = vector.broadcast %or3A_164 : vector<512x1xi32> to vector<512x5120xi32>
    %ge3A_166 = arith.cmpi uge, %select_n3A_13, %ge3A_165 : vector<512x5120xi32>
    %convert_element_type3A_167 = arith.extui %ge3A_166 : vector<512x5120xi1> to vector<512x5120xi32>
    %reduce_sum3A_168 = arith.constant dense<0> : vector<512xi32>
    %reduce_sum3A_169 = vector.multi_reduction <add>, %convert_element_type3A_167, %reduce_sum3A_168 [1] : vector<512x5120xi32> to vector<512xi32>
    %broadcast_in_dim3A_170 = vector.shape_cast %reduce_sum3A_169 : vector<512xi32> to vector<512x1xi32>
    %ge3A_171 = arith.constant 80 : i32
    %ge3A_172 = vector.broadcast %ge3A_171 : i32 to vector<512x1xi32>
    %ge3A_173 = arith.cmpi sge, %broadcast_in_dim3A_170, %ge3A_172 : vector<512x1xi32>
    %select_n3A_174 = arith.select %ge3A_173, %or3A_164, %select_n3A_161 : vector<512x1xi1>, vector<512x1xi32>
    %or3A_175 = arith.constant 524288 : i32
    %or3A_176 = vector.broadcast %or3A_175 : i32 to vector<512x1xi32>
    %or3A_177 = arith.ori %select_n3A_174, %or3A_176 : vector<512x1xi32>
    %ge3A_178 = vector.broadcast %or3A_177 : vector<512x1xi32> to vector<512x5120xi32>
    %ge3A_179 = arith.cmpi uge, %select_n3A_13, %ge3A_178 : vector<512x5120xi32>
    %convert_element_type3A_180 = arith.extui %ge3A_179 : vector<512x5120xi1> to vector<512x5120xi32>
    %reduce_sum3A_181 = arith.constant dense<0> : vector<512xi32>
    %reduce_sum3A_182 = vector.multi_reduction <add>, %convert_element_type3A_180, %reduce_sum3A_181 [1] : vector<512x5120xi32> to vector<512xi32>
    %broadcast_in_dim3A_183 = vector.shape_cast %reduce_sum3A_182 : vector<512xi32> to vector<512x1xi32>
    %ge3A_184 = arith.constant 80 : i32
    %ge3A_185 = vector.broadcast %ge3A_184 : i32 to vector<512x1xi32>
    %ge3A_186 = arith.cmpi sge, %broadcast_in_dim3A_183, %ge3A_185 : vector<512x1xi32>
    %select_n3A_187 = arith.select %ge3A_186, %or3A_177, %select_n3A_174 : vector<512x1xi1>, vector<512x1xi32>
    %or3A_188 = arith.constant 262144 : i32
    %or3A_189 = vector.broadcast %or3A_188 : i32 to vector<512x1xi32>
    %or3A_190 = arith.ori %select_n3A_187, %or3A_189 : vector<512x1xi32>
    %ge3A_191 = vector.broadcast %or3A_190 : vector<512x1xi32> to vector<512x5120xi32>
    %ge3A_192 = arith.cmpi uge, %select_n3A_13, %ge3A_191 : vector<512x5120xi32>
    %convert_element_type3A_193 = arith.extui %ge3A_192 : vector<512x5120xi1> to vector<512x5120xi32>
    %reduce_sum3A_194 = arith.constant dense<0> : vector<512xi32>
    %reduce_sum3A_195 = vector.multi_reduction <add>, %convert_element_type3A_193, %reduce_sum3A_194 [1] : vector<512x5120xi32> to vector<512xi32>
    %broadcast_in_dim3A_196 = vector.shape_cast %reduce_sum3A_195 : vector<512xi32> to vector<512x1xi32>
    %ge3A_197 = arith.constant 80 : i32
    %ge3A_198 = vector.broadcast %ge3A_197 : i32 to vector<512x1xi32>
    %ge3A_199 = arith.cmpi sge, %broadcast_in_dim3A_196, %ge3A_198 : vector<512x1xi32>
    %select_n3A_200 = arith.select %ge3A_199, %or3A_190, %select_n3A_187 : vector<512x1xi1>, vector<512x1xi32>
    %or3A_201 = arith.constant 131072 : i32
    %or3A_202 = vector.broadcast %or3A_201 : i32 to vector<512x1xi32>
    %or3A_203 = arith.ori %select_n3A_200, %or3A_202 : vector<512x1xi32>
    %ge3A_204 = vector.broadcast %or3A_203 : vector<512x1xi32> to vector<512x5120xi32>
    %ge3A_205 = arith.cmpi uge, %select_n3A_13, %ge3A_204 : vector<512x5120xi32>
    %convert_element_type3A_206 = arith.extui %ge3A_205 : vector<512x5120xi1> to vector<512x5120xi32>
    %reduce_sum3A_207 = arith.constant dense<0> : vector<512xi32>
    %reduce_sum3A_208 = vector.multi_reduction <add>, %convert_element_type3A_206, %reduce_sum3A_207 [1] : vector<512x5120xi32> to vector<512xi32>
    %broadcast_in_dim3A_209 = vector.shape_cast %reduce_sum3A_208 : vector<512xi32> to vector<512x1xi32>
    %ge3A_210 = arith.constant 80 : i32
    %ge3A_211 = vector.broadcast %ge3A_210 : i32 to vector<512x1xi32>
    %ge3A_212 = arith.cmpi sge, %broadcast_in_dim3A_209, %ge3A_211 : vector<512x1xi32>
    %select_n3A_213 = arith.select %ge3A_212, %or3A_203, %select_n3A_200 : vector<512x1xi1>, vector<512x1xi32>
    %or3A_214 = arith.constant 65536 : i32
    %or3A_215 = vector.broadcast %or3A_214 : i32 to vector<512x1xi32>
    %or3A_216 = arith.ori %select_n3A_213, %or3A_215 : vector<512x1xi32>
    %ge3A_217 = vector.broadcast %or3A_216 : vector<512x1xi32> to vector<512x5120xi32>
    %ge3A_218 = arith.cmpi uge, %select_n3A_13, %ge3A_217 : vector<512x5120xi32>
    %convert_element_type3A_219 = arith.extui %ge3A_218 : vector<512x5120xi1> to vector<512x5120xi32>
    %reduce_sum3A_220 = arith.constant dense<0> : vector<512xi32>
    %reduce_sum3A_221 = vector.multi_reduction <add>, %convert_element_type3A_219, %reduce_sum3A_220 [1] : vector<512x5120xi32> to vector<512xi32>
    %broadcast_in_dim3A_222 = vector.shape_cast %reduce_sum3A_221 : vector<512xi32> to vector<512x1xi32>
    %ge3A_223 = arith.constant 80 : i32
    %ge3A_224 = vector.broadcast %ge3A_223 : i32 to vector<512x1xi32>
    %ge3A_225 = arith.cmpi sge, %broadcast_in_dim3A_222, %ge3A_224 : vector<512x1xi32>
    %select_n3A_226 = arith.select %ge3A_225, %or3A_216, %select_n3A_213 : vector<512x1xi1>, vector<512x1xi32>
    %bitcast_convert_type3A_227 = tpu.bitcast %select_n3A_226 : vector<512x1xi32> -> vector<512x1xi32>
    %xor3A_228 = arith.constant -2147483648 : i32
    %xor3A_229 = vector.broadcast %xor3A_228 : i32 to vector<512x1xi32>
    %xor3A_230 = arith.xori %bitcast_convert_type3A_227, %xor3A_229 : vector<512x1xi32>
    %reshape3A = vector.shape_cast %xor3A_230 : vector<512x1xi32> to vector<1x1x512xi32>
    %swap3A_231 = arith.constant 0 : index
    %swap3A_232 = arith.constant 0 : index
    %swap3A_233 = arith.constant 0 : index
    %swap3A_234 = vector.load %arg4[%swap3A_231, %swap3A_232, %swap3A_233] : memref<1x1x512xi32, #tpu.memory_space<vmem>>, vector<1x1x512xi32>
    tpu.vector_store %arg4[%swap3A_231, %swap3A_232, %swap3A_233], %reshape3A {strides = array<i32>} : memref<1x1x512xi32, #tpu.memory_space<vmem>>, vector<1x1x512xi32>,
    return
  }
  func.func @transform_0(%arg0: i32) -> (i32, i32) {
    %c0_i32 = arith.constant 0 : i32
    %c0_i32_0 = arith.constant 0 : i32
    return %arg0, %c0_i32 : i32, i32
  }
  func.func @transform_1(%arg0: i32) -> (i32, i32) {
    %c0_i32 = arith.constant 0 : i32
    %c0_i32_0 = arith.constant 0 : i32
    %c0_i32_1 = arith.constant 0 : i32
    return %c0_i32, %c0_i32_0 : i32, i32
  }
  func.func @transform_2(%arg0: i32) -> (i32, i32) {
    %c0_i32 = arith.constant 0 : i32
    %c0_i32_0 = arith.constant 0 : i32
    return %arg0, %c0_i32 : i32, i32
  }
  func.func @transform_3(%arg0: i32) -> (i32, i32, i32) {
    %c0_i32 = arith.constant 0 : i32
    %c0_i32_0 = arith.constant 0 : i32
    %c0_i32_1 = arith.constant 0 : i32
    return %arg0, %c0_i32, %c0_i32_0 : i32, i32, i32
  }
}

</mosaic_0001>

<sc_bundles>
// kernel: kernel.6.cloned.1.call-start
scs
__scs_entry_jumppad:
0x0: {  	(pc) =	sbr.rel $0x88, $3  }
0x1: {  	(tag) =	ssettag $0x0;
	lr =	simm.s32 $0x1  }
0x2: {  	[smem:$0x3F9B] =	sst lr;
	_ =	strace $0xD0000000  }
0x3: {  	_ = 	snop  }
0x4: {  	_ = 	snop  }
0x5: {  	_ = 	snop  }
0x6: {  	_ = 	snop  }
0x7: {  	_ = 	snop  }
__scs_overlays_trampoline_lowered:
0x8: {  	[smem:$0x3FAA] =	sst s0  }
0x9: {  	[smem:$0x3FAB] =	sst s1  }
0xa: {  	[smem:$0x3FAC] =	sst s2  }
0xb: {  	[smem:$0x3FAD] =	sst s3  }
0xc: {  	[smem:$0x3FAE] =	sst s4  }
0xd: {  	[smem:$0x3FAF] =	sst s5  }
0xe: {  	[smem:$0x3FB0] =	sst s6  }
0xf: {  	[smem:$0x3FB1] =	sst s7  }
0x10: {  	[smem:$0x3FB2] =	sst s8  }
0x11: {  	[smem:$0x3FB3] =	sst s9;
	s0 =	simm.s32 @!p0 $0x0  }
0x12: {  	s1 =	sld [smem:$0x3F99];
	s0 =	simm.s32 @p0 $0x1  }
0x13: {  	[smem:$0x3FB4] =	sst s0;
	s0 =	simm.s32 @!p1 $0x0  }
0x14: {  	s2 =	sld [smem:$0x3F98];
	s0 =	simm.s32 @p1 $0x1  }
0x15: {  	[smem:$0x3FB5] =	sst s0;
	s0 =	simm.s32 @!p2 $0x0  }
0x16: {  	s3 =	sld [smem:$0x3FDB];
	s0 =	simm.s32 @p2 $0x1  }
0x17: {  	s4 =	simm.s32 $0x1BF5;
	[smem:$0x3FB7] =	sst s0  }
0x18: {  	s0 =	sld [smem:$0x3F9A];
	_ =	swait.ge [sflag:s4], $0x0  }
0x19: {  	s7 =	sld [smem:$0x3F9B]  }
0x1a: {  	s8 =	sadd.s32 $0xFFFFE003, lr  }
0x1b: {  	s9 =	sadd.s32 $0xFFFFFEF7, lr;
	s5 =	simm.s32 $0xFFFFFFFF;
	p2 =	slt.u32 s8, $0xFFFFF086  }
0x1c: {  	p1 =	slt.u32 s9, $0xF7A;
	s5 =	simm.s32 @!p2 $0x0  }
0x1d: {  	s5 =	simm.s32 @p1 $0x1;
	p0 =	seq.s32 s7, s2  }
0x1e: {  	s7 =	smul.u32 @!p0 $0xF7A, s2;
	p2 =	seq.s32 @!p0 s5, $0x0  }
0x1f: {  	s9 =	smul.u32 $0xF7A, s1;
	s8 =	simm.s32 @!p0 $0x1BF5;
	p2 =	por !p2, p0  }
0x20: {  	[sflag:s8] =	ssyncset.s32 @!p0 $0xFFFFF086;
	s6 =	sadd.s32 @!p0 s3, s7;
	s7 =	simm.s32 @!p0 $0x108  }
0x21: {  	s3 =	sadd.s32 s3, s9;
	s6 =	sadd.s32 @!p0 $0x88, s6;
	s7 =	simm.s32 @p2 $0x1082  }
0x22: {  	[simem:s7], [sflag:s8] =	dma.local @!p0 [hbm:s6], $0xF7A  }
0x23: {  	s9 =	sor.u32 $0xD0000000, s2;
	s6 =	simm.s32 $0x108;
	_ =	swait.ge @!p0 [sflag:s8], $0x0  }
0x24: {  	s3 =	sadd.s32 $0x88, s3;
	s6 =	simm.s32 @!p1 $0x1082;
	[sflag:s4] =	ssyncset.s32 $0xFFFFF086  }
0x25: {  	[simem:s6], [sflag:s4] =	dma.local [hbm:s3], $0xF7A  }
0x26: {  	[smem:$0x3F9B] =	sst s1;
	(tag) =	ssettag s2;
	_ =	strace s9  }
0x27: {  	s1 =	sld [smem:$0x3FAB]  }
0x28: {  	s2 =	sld [smem:$0x3FAC]  }
0x29: {  	s4 =	sld [smem:$0x3FAE]  }
0x2a: {  	p0 =	seq.s32 s5, $0x0;
	s5 =	sld [smem:$0x3FAF]  }
0x2b: {  	s6 =	sld [smem:$0x3FB0]  }
0x2c: {  	s7 =	sld [smem:$0x3FB1]  }
0x2d: {  	s3 =	simm.s32 $0x108;
	s8 =	sld [smem:$0x3FB2]  }
0x2e: {  	s3 =	simm.s32 @!p0 $0x1082;
	s9 =	sld [smem:$0x3FB3]  }
0x2f: {  	lr =	sadd.s32 s0, s3;
	s0 =	sld [smem:$0x3FAA]  }
0x30: {  	s3 =	sld [smem:$0x3FAD]  }
0x31: {  	[smem:$0x3FB6] =	sst s10  }
0x32: {  	s10 =	sld [smem:$0x3FB4];
	_ =	sdelay $0x3  }
0x33: {  	p0 =	seq.s32 s10, $0x1;
	s10 =	sld [smem:$0x3FB6];
	_ =	sdelay $0x3  }
0x34: {  	[smem:$0x3FB6] =	sst s10  }
0x35: {  	s10 =	sld [smem:$0x3FB5];
	_ =	sdelay $0x3  }
0x36: {  	p1 =	seq.s32 s10, $0x1;
	s10 =	sld [smem:$0x3FB6];
	_ =	sdelay $0x3  }
0x37: {  	[smem:$0x3FB6] =	sst s10  }
0x38: {  	s10 =	sld [smem:$0x3FB7]  }
0x39: {  	_ = 	snop;
	(pc) =	sbr.ind lr, $3  }
0x3a: {  	_ = 	snop  }
0x3b: {  	_ = 	snop  }
0x3c: {  	p2 =	seq.s32 s10, $0x1;
	s10 =	sld [smem:$0x3FB6]  }
0x3d: {  	_ =	shalt  }
0x3e: {  	_ =	shalt  }
0x3f: {  	_ =	shalt  }
0x40: {  	_ =	shalt  }
0x41: {  	_ =	shalt  }
0x42: {  	_ =	shalt  }
0x43: {  	_ =	shalt  }
0x44: {  	_ =	shalt  }
0x45: {  	_ =	shalt  }
0x46: {  	_ =	shalt  }
0x47: {  	_ =	shalt  }
0x48: {  	_ =	shalt  }
0x49: {  	_ =	shalt  }
0x4a: {  	_ =	shalt  }
0x4b: {  	_ =	shalt  }
0x4c: {  	_ =	shalt  }
0x4d: {  	_ =	shalt  }
0x4e: {  	_ =	shalt  }
0x4f: {  	_ =	shalt  }
0x50: {  	_ =	shalt  }
0x51: {  	_ =	shalt  }
0x52: {  	_ =	shalt  }
0x53: {  	_ =	shalt  }
0x54: {  	_ =	shalt  }
0x55: {  	_ =	shalt  }
0x56: {  	_ =	shalt  }
0x57: {  	_ =	shalt  }
0x58: {  	_ =	shalt  }
0x59: {  	_ =	shalt  }
0x5a: {  	_ =	shalt  }
0x5b: {  	_ =	shalt  }
0x5c: {  	_ =	shalt  }
0x5d: {  	_ =	shalt  }
0x5e: {  	_ =	shalt  }
0x5f: {  	_ =	shalt  }
0x60: {  	_ =	shalt  }
0x61: {  	_ =	shalt  }
0x62: {  	_ =	shalt  }
0x63: {  	_ =	shalt  }
0x64: {  	_ =	shalt  }
0x65: {  	_ =	shalt  }
0x66: {  	_ =	shalt  }
0x67: {  	_ =	shalt  }
0x68: {  	_ =	shalt  }
0x69: {  	_ =	shalt  }
0x6a: {  	_ =	shalt  }
0x6b: {  	_ =	shalt  }
0x6c: {  	_ =	shalt  }
0x6d: {  	_ =	shalt  }
0x6e: {  	_ =	shalt  }
0x6f: {  	_ =	shalt  }
0x70: {  	_ =	shalt  }
0x71: {  	_ =	shalt  }
0x72: {  	_ =	shalt  }
0x73: {  	_ =	shalt  }
0x74: {  	_ =	shalt  }
0x75: {  	_ =	shalt  }
0x76: {  	_ =	shalt  }
0x77: {  	_ =	shalt  }
0x78: {  	_ =	shalt  }
0x79: {  	_ =	shalt  }
0x7a: {  	_ =	shalt  }
0x7b: {  	_ =	shalt  }
0x7c: {  	_ =	shalt  }
0x7d: {  	_ =	shalt  }
0x7e: {  	_ =	shalt  }
0x7f: {  	_ =	shalt  }
0x80: {  	_ =	shalt  }
0x81: {  	_ =	shalt  }
0x82: {  	_ =	shalt  }
0x83: {  	_ =	shalt  }
0x84: {  	_ =	shalt  }
0x85: {  	_ =	shalt  }
0x86: {  	_ =	shalt  }
0x87: {  	_ =	shalt  }
.Lfunc_end0:
.L_simem_size_0:
called_computation_lowered:
.L_overlay_start_0:
0x88: {  	s2 =	sld [smem:$0x3FD9]  }
0x89: {  	s3 =	sld [smem:$0x3FFE];
	_ =	sdelay $0x1  }
0x8a: {  	s1 =	srdreg.scid  }
0x8b: {  	s0 =	sand.u32 $0x1, s1  }
0x8c: {  	s17 =	sshll.u32 s0, $0xA;
	s2 =	sadd.s32 s3, s2  }
0x8d: {  	s2 =	sadd.s32 s2, s17  }
0x8e: {  	[smem:$0x3FC2] =	sst s2  }
0x8f: {  	_ = 	snop  }
0x90: {  	s2 =	sld [smem:$0x3FC4]  }
0x91: {  	s18 =	sld [smem:$0x3FD0];
	(tm) =	ssettm $0x1  }
0x92: {  	s4 =	sld [smem:$0x3FFB];
	_ =	sdelay $0x3  }
0x93: {  	_ =	strace s4  }
0x94: {  	s4 =	sld [smem:$0x3FFC];
	_ =	sdelay $0x3  }
0x95: {  	_ =	strace s4  }
0x96: {  	s4 =	sld [smem:$0x3FFD];
	_ =	sdelay $0x3  }
0x97: {  	_ =	strace s4  }
0x98: {  	_ =	strace $0x8FFFFFFF  }
0x99: {  	s19 =	sld [smem:$0x3FDB];
	_ =	sdelay $0x1  }
0x9a: {  	s5 =	simm.s32 $_scs_section_size  }
0x9b: {  	s6 =	simm.s32 $_size__tile_overlayer_lowered;
	s7 =	simm.s32 $_tile_overlayer_lowered  }
0x9c: {  	s22 =	simm.s32 $0x1BFF;
	s21 =	sshll.u32 s7, $0x1;
	s4 =	sadd.s32 s5, s19  }
0x9d: {  	s8 =	simm.s32 $0x0;
	s20 =	sshll.u32 s6, $0x1;
	s6 =	sadd.s32 s21, s4  }
0x9e: {  	[timem:s8], [sflag:s22] =	dma.local [hbm:s6], s20  }
0x9f: {  	_ =	swait.ge [sflag:s22], s20  }
0xa0: {  	s5 =	ssub.s32 $0x0, s20;
	[sflag:s22] =	ssyncset.done $0x0  }
0xa1: {  	[sflag:s22] =	ssyncadd.s32 s5;
	_ =	sdelay $0x1  }
0xa2: {  	s23 =	simm.s32 $0x1B8B  }
0xa3: {  	_ =	swait.ge [sflag:s23], $0x1  }
0xa4: {  	[sflag:s23] =	ssyncset.done $0x0  }
0xa5: {  	s25 =	simm.s32 $0x1B8E;
	s24 =	sld [smem:$0x3FFE];
	[sflag:s23] =	ssyncadd.s32 $0xFFFFFFFF  }
0xa6: {  	s26 =	simm.s32 $execute0_lowered;
	[smem:$0x3FD2] =	sst s25  }
0xa7: {  	s6 =	sshll.u32 s26, $0x1;
	_ =	strace $0x80000046;
	[dreg:$0x1] =	wrdreg $0xFFFFFFFF  }
0xa8: {  	s28 =	simm.s32 $_size_execute0_lowered;
	s4 =	sadd.s32 s4, s6;
	[dreg:$0x0] =	wrdreg $0x0  }
0xa9: {  	s6 =	sshll.u32 s28, $0x1;
	[dreg:$0x2] =	wrdreg s4  }
0xaa: {  	[dreg:$0x3] =	wrdreg s6  }
0xab: {  	[dreg:$0x4] =	wrdreg $0xC0  }
0xac: {  	_ =	task [dreg:s8], $0x5FFFF  }
0xad: {  	[dreg:$0x1] =	wrdreg $0xFFFFFFFF  }
0xae: {  	[dreg:$0x0] =	wrdreg $0x60  }
0xaf: {  	[dreg:$0x2] =	wrdreg s24  }
0xb0: {  	[dreg:$0x3] =	wrdreg s2  }
0xb1: {  	[dreg:$0x4] =	wrdreg s18  }
0xb2: {  	[dreg:$0x5] =	wrdreg $0x9  }
0xb3: {  	_ =	task.clear_ibuf [dreg:s8], $0x6FFFF;
	_ =	strace $0x90000046  }
0xb4: {  	s29 =	simm.s32 $0x9;
	_ =	strace $0x80000048  }
0xb5: {  	_ =	swait.ge [sflag:s29], $0x1  }
0xb6: {  	[sflag:s29] =	ssyncadd.s32 $0xFFFFFFFF  }
0xb7: {  	_ =	strace $0x90000048  }
0xb8: {  	_ =	sfence  }
0xb9: {  	s30 =	sld [smem:$0x0];
	_ =	sdelay $0x2  }
0xba: {  	s31 =	sshll.u32 s1, $0xD;
	s1 =	sshrl.u32 s1, $0x2  }
0xbb: {  	s3 =	sand.u32 $0x4000, s31;
	s1 =	sadd.s32 s1, s30  }
0xbc: {  	s0 =	sor.u32 s3, s0;
	s1 =	sshll.u32 s1, $0x11  }
0xbd: {  	s0 =	sor.u32 s1, s0  }
0xbe: {  	s0 =	sadd.s32 $0x8F2B, s0  }
0xbf: {  	[sflag:s0] =	ssyncadd.remote.s32 $0x1  }
0xc0: {  	_ =	sfence.sel $0xFFFF  }
0xc1: {  	[dreg:$0x0] =	wrdreg $0xFFFFFFFF;
	(pc) =	sbr.abs _section_cstart, $3  }
0xc2: {  	[dreg:$0x1] =	wrdreg $0xFFFFFFFF  }
0xc3: {  	_ =	task.clear_ibuf [dreg:s8], $0x2FFFF;
	_ =	strace $0x9FFFFFFF  }
0xc4: {  	(tm) =	ssettm $0x7FFFFFFF  }
0xc5: {  	_ =	shalt  }
tec
execute0_lowered:
.L_overlay_start_1:
0x0: {  	(tag) =	ssettag $0x1  }
0x1: {  	s5 =	rddreg [dreg:$0x0]  }
0x2: {  	s6 =	rddreg [dreg:$0x1]  }
0x3: {  	s10 =	rddreg [dreg:$0x2]  }
0x4: {  	s0 =	rddreg [dreg:$0x3];
	s3 =	srdreg.scid  }
0x5: {  	s1 =	stileid.u32;
	s2 =	simm.s32 $0x0;
	s7 =	sand.u32 $0x1, s3  }
0x6: {  	s25 =	sshll.u32 s1, $0x1;
	[smem:$0x7FF] =	sst s2;
	s3 =	sadd.s32 $0xC00, s5  }
0x7: {  	s4 =	sadd.s32 $0xC4200, s5;
	s8 =	sor.u32 s7, s25;
	_ =	strace $0x80000047  }
0x8: {  	s7 =	ssub.s32 $0x2, s7;
	s9 =	sshll.u32 s8, $0x4;
	s11 =	smul.u32 $0xA0, s8  }
0x9: {  	s14 =	sshll.u32 s8, $0xA;
	s26 =	sshrl.u32 s7, $0x1;
	s16 =	sshll.u32 s8, $0x7  }
0xa: {  	s22 =	smul.u32 $0x2800, s8;
	s12 =	sadd.s32 s9, s5;
	s14 =	sadd.s32 s14, s5  }
0xb: {  	s15 =	ssub.s32 s7, s26;
	s28 =	sor.u32 $0x10, s16;
	s29 =	sor.u32 $0x20, s16  }
0xc: {  	v0 =	vlaneseq.u32;
	s30 =	sor.u32 $0x30, s16;
	s17 =	sor.u32 $0x40, s16;
	s18 =	sor.u32 $0x50, s16  }
0xd: {  	s19 =	sor.u32 $0x60, s16;
	s20 =	sor.u32 $0x70, s16;
	v1 =	vor.u32 s16, v0;
	s16 =	simm.s32 $0x100  }
0xe: {  	s13 =	sshrl.u32 s11, $0x3;
	s31 =	sor.u32 $0x10, s11;
	s21 =	sadd.s32 $0x20, s11  }
0xf: {  	s25 =	sadd.s32 $0x40, s11;
	s23 =	sadd.s32 $0x50, s11;
	s26 =	sadd.s32 $0x60, s11  }
0x10: {  	v2 =	vor.u32 s28, v0;
	v3 =	vor.u32 s29, v0;
	v4 =	vor.u32 s30, v0;
	s24 =	sadd.s32 $0x70, s11;
	s28 =	sshrl.u32 s22, $0x3;
	s29 =	sadd.s32 $0x80, s11  }
0x11: {  	v5 =	vor.u32 s17, v0;
	v6 =	vor.u32 s18, v0;
	v9 =	vor.u32 s11, v0;
	s30 =	smul.u32 $0x500, s8;
	s17 =	simm.s32 $0x2180;
	s18 =	simm.s32 $0x42C0  }
0x12: {  	v7 =	vor.u32 s19, v0;
	v8 =	vor.u32 s20, v0;
	s19 =	simm.s32 $0xA0;
	s20 =	simm.s32 $0x4220;
	s22 =	simm.s32 $0x1;
	v9 =	vand.u32 $0xFEF, v9  }
0x13: {  	s13 =	sadd.s32 s13, s5;
	s5 =	sadd.s32 s6, s9;
	s6 =	sadd.s32 $0xCC200, s12;
	v10 =	vor.u32 s31, v0;
	v11 =	vor.u32 s21, v0;
	v13 =	vor.u32 s25, v0  }
0x14: {  	s12 =	sadd.s32 s3, s28;
	s31 =	sadd.s32 $0x90, s11;
	s9 =	sadd.s32 $0xCC800, s14;
	v14 =	vor.u32 s23, v0;
	v15 =	vor.u32 s26, v0;
	v16 =	vor.u32 s24, v0  }
0x15: {  	s14 =	simm.s32 $0x4180;
	v17 =	vor.u32 s29, v0;
	s21 =	simm.s32 $0x6AC0;
	s23 =	simm.s32 $0x2;
	v10 =	vand.u32 $0xFFF, v10;
	v11 =	vand.u32 $0xFEF, v11  }
0x16: {  	s24 =	simm.s32 $0x0;
	s7 =	sadd.s32 $0xCC400, s13;
	s13 =	sadd.s32 $0x30, s11;
	v13 =	vand.u32 $0xFEF, v13;
	v14 =	vand.u32 $0xFFF, v14;
	v15 =	vand.u32 $0xFEF, v15  }
0x17: {  	s8 =	sadd.s32 $0xB9500, s12;
	s10 =	sadd.s32 s10, s30;
	s11 =	smax.u32 s15, $0x1;
	v18 =	vor.u32 s31, v0;
	v16 =	vand.u32 $0xFFF, v16;
	v12 =	vor.u32 s13, v0  }
0x18: {  	s12 =	simm.s32 $0x3;
	s15 =	simm.s32 $0x180;
	v17 =	vand.u32 $0xFEF, v17;
	s13 =	simm.s32 $0x80;
	v18 =	vand.u32 $0xFFF, v18;
	v12 =	vand.u32 $0xFFF, v12  }
.LBB2_1:
0x19: {  	[tilespmem:s2], [sflag:$0x3] =	stream.linear.gather [hbm4b:s5+s2], $0x80, $0x38;
	[tilespmem:$0x92C0] =	vst v63  }
0x1a: {  	_ =	swait.ge [sflag:s12], $0x80  }
0x1b: {  	[sflag:s12] =	ssyncset.done $0x0  }
0x1c: {  	[sflag:s12] =	ssyncadd.s32 $0xFFFFFF80  }
0x1d: {  	[tilespmem:s13], [sflag:$0x3] =	stream.linear.gather [hbm4b:s6+s2], $0x80, $0x38;
	[tilespmem:$0x92C0] =	vst v63  }
0x1e: {  	_ =	swait.ge [sflag:s12], $0x80  }
0x1f: {  	[sflag:s12] =	ssyncset.done $0x0  }
0x20: {  	[sflag:s12] =	ssyncadd.s32 $0xFFFFFF80  }
0x21: {  	[tilespmem:s14], [sflag:$0x3] =	stream.linear.gather [hbm4b:s7+s2], $0xA0, $0x38;
	[tilespmem:$0x92C0] =	vst v63  }
0x22: {  	_ =	swait.ge [sflag:s12], $0xA0  }
0x23: {  	[sflag:s12] =	ssyncset.done $0x0  }
0x24: {  	[sflag:s12] =	ssyncadd.s32 $0xFFFFFF60  }
0x25: {  	v19 =	vld [tilespmem:$0x80]  }
0x26: {  	v20 =	vld [tilespmem:$0x90]  }
0x27: {  	v21 =	vld [tilespmem:$0xA0]  }
0x28: {  	v22 =	vld [tilespmem:$0xB0]  }
0x29: {  	v23 =	vld [tilespmem:$0xC0]  }
0x2a: {  	v24 =	vld [tilespmem:$0xD0];
	vm0 =	vlt.s32 v19, $0x0  }
0x2b: {  	v25 =	vld [tilespmem:$0xE0];
	v19 =	vsel vm0, v1, v19;
	vm0 =	vlt.s32 v20, $0x0  }
0x2c: {  	[tilespmem:$0x100] =	vst v19;
	v19 =	vsel vm0, v2, v20;
	vm0 =	vlt.s32 v21, $0x0;
	v20 =	vld [tilespmem:$0xF0]  }
0x2d: {  	[tilespmem:$0x110] =	vst v19;
	v19 =	vsel vm0, v3, v21;
	vm0 =	vlt.s32 v22, $0x0;
	v21 =	vld [tilespmem:$0x4180]  }
0x2e: {  	[tilespmem:$0x120] =	vst v19;
	v19 =	vsel vm0, v4, v22;
	vm0 =	vlt.s32 v23, $0x0;
	v22 =	vld [tilespmem:$0x4190]  }
0x2f: {  	[tilespmem:$0x130] =	vst v19;
	v19 =	vsel vm0, v5, v23;
	vm0 =	vlt.s32 v24, $0x0;
	v23 =	vld [tilespmem:$0x41A0]  }
0x30: {  	v61 =	vld [tilespmem:$0x41B0];
	[tilespmem:$0x140] =	vst v19;
	v19 =	vsel vm0, v6, v24;
	vm0 =	vlt.s32 v25, $0x0  }
0x31: {  	v62 =	vld [tilespmem:$0x41C0];
	[tilespmem:$0x150] =	vst v19;
	v19 =	vsel vm0, v7, v25;
	vm0 =	vlt.s32 v20, $0x0  }
0x32: {  	[tilespmem:$0x160] =	vst v19;
	v19 =	vsel vm0, v8, v20;
	vm0 =	vlt.s32 v21, $0x0;
	v20 =	vld [tilespmem:$0x41D0]  }
0x33: {  	[tilespmem:$0x170] =	vst v19;
	v19 =	vsel vm0, v9, v21;
	vm0 =	vlt.s32 v22, $0x0;
	v21 =	vld [tilespmem:$0x41E0]  }
0x34: {  	[tilespmem:$0x4220] =	vst v19;
	v19 =	vsel vm0, v10, v22;
	vm0 =	vlt.s32 v23, $0x0;
	v22 =	vld [tilespmem:$0x41F0]  }
0x35: {  	[tilespmem:$0x4230] =	vst v19;
	v19 =	vsel vm0, v11, v23;
	vm0 =	vlt.s32 v61, $0x0;
	v23 =	vld [tilespmem:$0x4200]  }
0x36: {  	v63 =	vld [tilespmem:$0x4210];
	[tilespmem:$0x4240] =	vst v19;
	v19 =	vsel vm0, v12, v61;
	vm0 =	vlt.s32 v62, $0x0  }
0x37: {  	[tilespmem:$0x4250] =	vst v19;
	v19 =	vsel vm0, v13, v62;
	vm0 =	vlt.s32 v20, $0x0  }
0x38: {  	[tilespmem:$0x4260] =	vst v19;
	v19 =	vsel vm0, v14, v20;
	vm0 =	vlt.s32 v21, $0x0  }
0x39: {  	[tilespmem:$0x4270] =	vst v19;
	v19 =	vsel vm0, v15, v21;
	vm0 =	vlt.s32 v22, $0x0  }
0x3a: {  	[tilespmem:$0x4280] =	vst v19;
	v19 =	vsel vm0, v16, v22;
	vm0 =	vlt.s32 v23, $0x0  }
0x3b: {  	[tilespmem:$0x4290] =	vst v19;
	v19 =	vsel vm0, v17, v23;
	vm0 =	vlt.s32 v63, $0x0  }
0x3c: {  	[tilespmem:$0x42A0] =	vst v19;
	v19 =	vsel vm0, v18, v63  }
0x3d: {  	[tilespmem:$0x42B0] =	vst v19  }
0x3e: {  	[tilespmem:s15], [sflag:$0x1] =	stream.indirect.gather [hbm4b:s3+s13], $0x40, s2, s13, $0xb8;
	[tilespmem:$0x92C0] =	vst v63  }
0x3f: {  	_ = 	snop  }
0x40: {  	[tilespmem:s17], [sflag:$0x2] =	stream.indirect.gather [hbm4b:s4+s13], $0x40, s16, s13, $0xb8;
	[tilespmem:$0x92C0] =	vst v63  }
0x41: {  	_ = 	snop  }
0x42: {  	[tilespmem:s18], [sflag:$0x1] =	stream.linear.gather [hbm4b:s8+s2], $0x2800, $0x38;
	[tilespmem:$0x92C0] =	vst v63  }
0x43: {  	_ = 	snop  }
0x44: {  	[tilespmem:s21], [sflag:$0x2] =	stream.indirect.gather [hbm4b:s4+s19], $0x40, s20, s19, $0xb8;
	[tilespmem:$0x92C0] =	vst v63  }
0x45: {  	v19 =	vmov s2;
	_ =	swait.ge [sflag:s22], $0x2000  }
0x46: {  	v19 =	vshrl.u32 v19, $0x6;
	[sflag:s22] =	ssyncset.done $0x0  }
0x47: {  	[sflag:s22] =	ssyncadd.s32 $0xFFFFE000  }
0x48: {  	_ =	swait.ge [sflag:s23], $0x2000  }
0x49: {  	[sflag:s23] =	ssyncset.done $0x0  }
0x4a: {  	[sflag:s23] =	ssyncadd.s32 $0xFFFFE000  }
0x4b: {  	v21 =	vld.idx.msk [tilespmem:v19+s13+$0x0], $0xffff  }
0x4c: {  	v19 =	vor.u32 s2, v0;
	_ =	sdelay $0x3  }
0x4d: {  	s25 =	simm.s32 $0x10;
	vm0 =	vgt.s32 v21, $0xFFFFFFFF  }
0x4e: {  	s26 =	simm.s32 $0x20;
	v20 =	vld.idx.msk [tilespmem:v19+s17+$0x0], $0xffff;
	v21 =	vmov s25  }
.LBB2_2:
0x4f: {  	p0 =	sne.s32 s26, $0x1FF0;
	v21 =	vshrl.u32 v21, $0x6;
	_ =	sdelay $0x3  }
0x50: {  	[tilespmem:v19+s15+$0x0] =	vst.idx.msk vm0, v20  }
0x51: {  	v21 =	vld.idx.msk [tilespmem:v21+s13+$0x0], $0xffff  }
0x52: {  	v19 =	vor.u32 s25, v0;
	s25 =	smov.u32 s26;
	_ =	sdelay $0x1  }
.Ltmp0:
0x53: {  	(pc) =	sbr.rel @p0 .LBB2_2-.Ltmp0, $3  }
0x54: {  	_ =	sdelay $0x1  }
0x55: {  	vm0 =	vgt.s32 v21, $0xFFFFFFFF;
	v20 =	vld.idx.msk [tilespmem:v19+s17+$0x0], $0xffff  }
0x56: {  	s26 =	sadd.s32 $0x10, s26;
	v21 =	vmov s25  }
0x57: {  	_ = 	snop  }
0x58: {  	v21 =	vshrl.u32 v21, $0x6;
	_ =	sdelay $0x3  }
0x59: {  	[tilespmem:v19+s15+$0x0] =	vst.idx.msk vm0, v20  }
0x5a: {  	v19 =	vld.idx.msk [tilespmem:v21+s13+$0x0], $0xffff  }
0x5b: {  	v20 =	vor.u32 s25, v0;
	_ =	sdelay $0x3  }
0x5c: {  	vm0 =	vgt.s32 v19, $0xFFFFFFFF  }
0x5d: {  	v19 =	vld.idx.msk [tilespmem:v20+s17+$0x0], $0xffff;
	_ =	sdelay $0x4  }
0x5e: {  	s31 =	simm.s32 $0x0;
	[tilespmem:v20+s15+$0x0] =	vst.idx.msk vm0, v19  }
0x5f: {  	[hbm4b:s9+s31] =	stream.linear.scatter [tilespmem:s15], [sflag:$0x3], $0x2000, $0x38;
	[tilespmem:$0x92C0] =	vst v63  }
0x60: {  	_ =	swait.ge [sflag:s12], $0x2000  }
0x61: {  	[sflag:s12] =	ssyncset.done $0x0  }
0x62: {  	[sflag:s12] =	ssyncadd.s32 $0xFFFFE000  }
0x63: {  	v19 =	vmov s31;
	_ =	swait.ge [sflag:s22], $0x2800  }
0x64: {  	v19 =	vshrl.u32 v19, $0x6;
	[sflag:s22] =	ssyncset.done $0x0  }
0x65: {  	[sflag:s22] =	ssyncadd.s32 $0xFFFFD800  }
0x66: {  	_ =	swait.ge [sflag:s23], $0x2800  }
0x67: {  	[sflag:s23] =	ssyncset.done $0x0  }
0x68: {  	[sflag:s23] =	ssyncadd.s32 $0xFFFFD800  }
0x69: {  	v21 =	vld.idx.msk [tilespmem:v19+s14+$0x0], $0xffff  }
0x6a: {  	v19 =	vor.u32 s31, v0;
	_ =	sdelay $0x3  }
0x6b: {  	s25 =	simm.s32 $0x10;
	vm0 =	vgt.s32 v21, $0xFFFFFFFF  }
0x6c: {  	s26 =	simm.s32 $0x20;
	v20 =	vld.idx.msk [tilespmem:v19+s21+$0x0], $0xffff;
	v21 =	vmov s25  }
.LBB2_4:
0x6d: {  	p0 =	sne.s32 s26, $0x27F0;
	v21 =	vshrl.u32 v21, $0x6;
	_ =	sdelay $0x3  }
0x6e: {  	[tilespmem:v19+s18+$0x0] =	vst.idx.msk vm0, v20  }
0x6f: {  	v21 =	vld.idx.msk [tilespmem:v21+s14+$0x0], $0xffff  }
0x70: {  	v19 =	vor.u32 s25, v0;
	s25 =	smov.u32 s26;
	_ =	sdelay $0x1  }
.Ltmp1:
0x71: {  	(pc) =	sbr.rel @p0 .LBB2_4-.Ltmp1, $3  }
0x72: {  	_ =	sdelay $0x1  }
0x73: {  	vm0 =	vgt.s32 v21, $0xFFFFFFFF;
	v20 =	vld.idx.msk [tilespmem:v19+s21+$0x0], $0xffff  }
0x74: {  	s26 =	sadd.s32 $0x10, s26;
	v21 =	vmov s25  }
0x75: {  	_ = 	snop  }
0x76: {  	v21 =	vshrl.u32 v21, $0x6;
	_ =	sdelay $0x3  }
0x77: {  	[tilespmem:v19+s18+$0x0] =	vst.idx.msk vm0, v20  }
0x78: {  	v19 =	vld.idx.msk [tilespmem:v21+s14+$0x0], $0xffff  }
0x79: {  	v20 =	vor.u32 s25, v0;
	_ =	sdelay $0x3  }
0x7a: {  	vm15 =	vgt.s32 v19, $0xFFFFFFFF  }
0x7b: {  	v19 =	vld.idx.msk [tilespmem:v20+s21+$0x0], $0xffff;
	_ =	sdelay $0x2  }
0x7c: {  	s24 =	sadd.s32 $0x1, s24  }
0x7d: {  	p0 =	sne.s32 s24, s11  }
.Ltmp2:
0x7e: {  	[tilespmem:v20+s18+$0x0] =	vst.idx.msk vm15, v19;
	(pc) =	sbr.rel @p0 .LBB2_1-.Ltmp2, $4  }
0x7f: {  	[hbm4b:s10+s2] =	stream.linear.scatter [tilespmem:s18], [sflag:$0x3], $0x2800, $0x38;
	[tilespmem:$0x92C0] =	vst v63  }
0x80: {  	_ =	swait.ge [sflag:s12], $0x2800  }
0x81: {  	[sflag:s12] =	ssyncset.done $0x0  }
0x82: {  	[sflag:s12] =	ssyncadd.s32 $0xFFFFD800  }
0x83: {  	_ =	sfence.sel $0x180000  }
0x84: {  	[bflag:$0x0] =	sbarrier.arrive $0xFFFF  }
0x85: {  	p0 =	sne.s32 s1, $0x0;
	_ =	strace $0x90000047  }
0x86: {  	s0 =	sadd.s32 @!p0 $0x100000, s0;
	[bflag:$0x2] =	sbarrier.arrive $0xFFFF  }
0x87: {  	[sflag:s0] =	ssyncadd.tile.s32 @!p0 $0x1;
	_ =	shalt  }
.Lfunc_end2:
_tile_overlayer_lowered:
.L_overlay_start_2:
0x88: {  	(tag) =	ssettag $0x2  }
0x89: {  	s0 =	rddreg [dreg:$0x0];
	s2 =	stileid.u32  }
0x8a: {  	s1 =	rddreg [dreg:$0x1];
	p0 =	sne.s32 s2, $0x0  }
0x8b: {  	s3 =	rddreg [dreg:$0x2];
	[bflag:$0x3] =	sbarrier.arrive $0xFFFF;
	s2 =	simm.s32 @!p0 $0x1C03  }
0x8c: {  	[timem:s3], [sflag:s2] =	dma.local @!p0 [hbm:s0], s1  }
0x8d: {  	s0 =	simm.s32 @!p0 $0x3  }
0x8e: {  	_ =	swait.ge @!p0 [sflag:s0], s1  }
0x8f: {  	s1 =	ssub.s32 @!p0 $0x0, s1;
	[sflag:s0] =	ssyncset.done @!p0 $0x0  }
0x90: {  	[sflag:s0] =	ssyncadd.s32 @!p0 s1  }
0x91: {  	[bflag:$0x3] =	sbarrier.arrive $0xFFFF  }
0x92: {  	_ =	shalt  }

// kernel: kernel.9.cloned.1.call-start
scs
__scs_entry_jumppad:
0x0: {  	(pc) =	sbr.rel $0x88, $3  }
0x1: {  	(tag) =	ssettag $0x0;
	lr =	simm.s32 $0x1  }
0x2: {  	[smem:$0x3F9B] =	sst lr;
	_ =	strace $0xD0000000  }
0x3: {  	_ = 	snop  }
0x4: {  	_ = 	snop  }
0x5: {  	_ = 	snop  }
0x6: {  	_ = 	snop  }
0x7: {  	_ = 	snop  }
__scs_overlays_trampoline_lowered:
0x8: {  	[smem:$0x3FAA] =	sst s0  }
0x9: {  	[smem:$0x3FAB] =	sst s1  }
0xa: {  	[smem:$0x3FAC] =	sst s2  }
0xb: {  	[smem:$0x3FAD] =	sst s3  }
0xc: {  	[smem:$0x3FAE] =	sst s4  }
0xd: {  	[smem:$0x3FAF] =	sst s5  }
0xe: {  	[smem:$0x3FB0] =	sst s6  }
0xf: {  	[smem:$0x3FB1] =	sst s7  }
0x10: {  	[smem:$0x3FB2] =	sst s8  }
0x11: {  	[smem:$0x3FB3] =	sst s9;
	s0 =	simm.s32 @!p0 $0x0  }
0x12: {  	s1 =	sld [smem:$0x3F99];
	s0 =	simm.s32 @p0 $0x1  }
0x13: {  	[smem:$0x3FB4] =	sst s0;
	s0 =	simm.s32 @!p1 $0x0  }
0x14: {  	s2 =	sld [smem:$0x3F98];
	s0 =	simm.s32 @p1 $0x1  }
0x15: {  	[smem:$0x3FB5] =	sst s0;
	s0 =	simm.s32 @!p2 $0x0  }
0x16: {  	s3 =	sld [smem:$0x3FDB];
	s0 =	simm.s32 @p2 $0x1  }
0x17: {  	s4 =	simm.s32 $0x1BF5;
	[smem:$0x3FB7] =	sst s0  }
0x18: {  	s0 =	sld [smem:$0x3F9A];
	_ =	swait.ge [sflag:s4], $0x0  }
0x19: {  	s7 =	sld [smem:$0x3F9B]  }
0x1a: {  	s8 =	sadd.s32 $0xFFFFE003, lr  }
0x1b: {  	s9 =	sadd.s32 $0xFFFFFEF7, lr;
	s5 =	simm.s32 $0xFFFFFFFF;
	p2 =	slt.u32 s8, $0xFFFFF086  }
0x1c: {  	p1 =	slt.u32 s9, $0xF7A;
	s5 =	simm.s32 @!p2 $0x0  }
0x1d: {  	s5 =	simm.s32 @p1 $0x1;
	p0 =	seq.s32 s7, s2  }
0x1e: {  	s7 =	smul.u32 @!p0 $0xF7A, s2;
	p2 =	seq.s32 @!p0 s5, $0x0  }
0x1f: {  	s9 =	smul.u32 $0xF7A, s1;
	s8 =	simm.s32 @!p0 $0x1BF5;
	p2 =	por !p2, p0  }
0x20: {  	[sflag:s8] =	ssyncset.s32 @!p0 $0xFFFFF086;
	s6 =	sadd.s32 @!p0 s3, s7;
	s7 =	simm.s32 @!p0 $0x108  }
0x21: {  	s3 =	sadd.s32 s3, s9;
	s6 =	sadd.s32 @!p0 $0x88, s6;
	s7 =	simm.s32 @p2 $0x1082  }
0x22: {  	[simem:s7], [sflag:s8] =	dma.local @!p0 [hbm:s6], $0xF7A  }
0x23: {  	s9 =	sor.u32 $0xD0000000, s2;
	s6 =	simm.s32 $0x108;
	_ =	swait.ge @!p0 [sflag:s8], $0x0  }
0x24: {  	s3 =	sadd.s32 $0x88, s3;
	s6 =	simm.s32 @!p1 $0x1082;
	[sflag:s4] =	ssyncset.s32 $0xFFFFF086  }
0x25: {  	[simem:s6], [sflag:s4] =	dma.local [hbm:s3], $0xF7A  }
0x26: {  	[smem:$0x3F9B] =	sst s1;
	(tag) =	ssettag s2;
	_ =	strace s9  }
0x27: {  	s1 =	sld [smem:$0x3FAB]  }
0x28: {  	s2 =	sld [smem:$0x3FAC]  }
0x29: {  	s4 =	sld [smem:$0x3FAE]  }
0x2a: {  	p0 =	seq.s32 s5, $0x0;
	s5 =	sld [smem:$0x3FAF]  }
0x2b: {  	s6 =	sld [smem:$0x3FB0]  }
0x2c: {  	s7 =	sld [smem:$0x3FB1]  }
0x2d: {  	s3 =	simm.s32 $0x108;
	s8 =	sld [smem:$0x3FB2]  }
0x2e: {  	s3 =	simm.s32 @!p0 $0x1082;
	s9 =	sld [smem:$0x3FB3]  }
0x2f: {  	lr =	sadd.s32 s0, s3;
	s0 =	sld [smem:$0x3FAA]  }
0x30: {  	s3 =	sld [smem:$0x3FAD]  }
0x31: {  	[smem:$0x3FB6] =	sst s10  }
0x32: {  	s10 =	sld [smem:$0x3FB4];
	_ =	sdelay $0x3  }
0x33: {  	p0 =	seq.s32 s10, $0x1;
	s10 =	sld [smem:$0x3FB6];
	_ =	sdelay $0x3  }
0x34: {  	[smem:$0x3FB6] =	sst s10  }
0x35: {  	s10 =	sld [smem:$0x3FB5];
	_ =	sdelay $0x3  }
0x36: {  	p1 =	seq.s32 s10, $0x1;
	s10 =	sld [smem:$0x3FB6];
	_ =	sdelay $0x3  }
0x37: {  	[smem:$0x3FB6] =	sst s10  }
0x38: {  	s10 =	sld [smem:$0x3FB7]  }
0x39: {  	_ = 	snop;
	(pc) =	sbr.ind lr, $3  }
0x3a: {  	_ = 	snop  }
0x3b: {  	_ = 	snop  }
0x3c: {  	p2 =	seq.s32 s10, $0x1;
	s10 =	sld [smem:$0x3FB6]  }
0x3d: {  	_ =	shalt  }
0x3e: {  	_ =	shalt  }
0x3f: {  	_ =	shalt  }
0x40: {  	_ =	shalt  }
0x41: {  	_ =	shalt  }
0x42: {  	_ =	shalt  }
0x43: {  	_ =	shalt  }
0x44: {  	_ =	shalt  }
0x45: {  	_ =	shalt  }
0x46: {  	_ =	shalt  }
0x47: {  	_ =	shalt  }
0x48: {  	_ =	shalt  }
0x49: {  	_ =	shalt  }
0x4a: {  	_ =	shalt  }
0x4b: {  	_ =	shalt  }
0x4c: {  	_ =	shalt  }
0x4d: {  	_ =	shalt  }
0x4e: {  	_ =	shalt  }
0x4f: {  	_ =	shalt  }
0x50: {  	_ =	shalt  }
0x51: {  	_ =	shalt  }
0x52: {  	_ =	shalt  }
0x53: {  	_ =	shalt  }
0x54: {  	_ =	shalt  }
0x55: {  	_ =	shalt  }
0x56: {  	_ =	shalt  }
0x57: {  	_ =	shalt  }
0x58: {  	_ =	shalt  }
0x59: {  	_ =	shalt  }
0x5a: {  	_ =	shalt  }
0x5b: {  	_ =	shalt  }
0x5c: {  	_ =	shalt  }
0x5d: {  	_ =	shalt  }
0x5e: {  	_ =	shalt  }
0x5f: {  	_ =	shalt  }
0x60: {  	_ =	shalt  }
0x61: {  	_ =	shalt  }
0x62: {  	_ =	shalt  }
0x63: {  	_ =	shalt  }
0x64: {  	_ =	shalt  }
0x65: {  	_ =	shalt  }
0x66: {  	_ =	shalt  }
0x67: {  	_ =	shalt  }
0x68: {  	_ =	shalt  }
0x69: {  	_ =	shalt  }
0x6a: {  	_ =	shalt  }
0x6b: {  	_ =	shalt  }
0x6c: {  	_ =	shalt  }
0x6d: {  	_ =	shalt  }
0x6e: {  	_ =	shalt  }
0x6f: {  	_ =	shalt  }
0x70: {  	_ =	shalt  }
0x71: {  	_ =	shalt  }
0x72: {  	_ =	shalt  }
0x73: {  	_ =	shalt  }
0x74: {  	_ =	shalt  }
0x75: {  	_ =	shalt  }
0x76: {  	_ =	shalt  }
0x77: {  	_ =	shalt  }
0x78: {  	_ =	shalt  }
0x79: {  	_ =	shalt  }
0x7a: {  	_ =	shalt  }
0x7b: {  	_ =	shalt  }
0x7c: {  	_ =	shalt  }
0x7d: {  	_ =	shalt  }
0x7e: {  	_ =	shalt  }
0x7f: {  	_ =	shalt  }
0x80: {  	_ =	shalt  }
0x81: {  	_ =	shalt  }
0x82: {  	_ =	shalt  }
0x83: {  	_ =	shalt  }
0x84: {  	_ =	shalt  }
0x85: {  	_ =	shalt  }
0x86: {  	_ =	shalt  }
0x87: {  	_ =	shalt  }
.Lfunc_end0:
.L_simem_size_0:
called_computation.1_lowered:
.L_overlay_start_0:
0x88: {  	s2 =	sld [smem:$0x3FD9]  }
0x89: {  	s3 =	sld [smem:$0x3FFE];
	_ =	sdelay $0x1  }
0x8a: {  	s1 =	srdreg.scid  }
0x8b: {  	s0 =	sand.u32 $0x1, s1  }
0x8c: {  	s17 =	sshll.u32 s0, $0xA;
	s2 =	sadd.s32 s3, s2  }
0x8d: {  	s2 =	sadd.s32 s2, s17  }
0x8e: {  	[smem:$0x3FC2] =	sst s2  }
0x8f: {  	_ = 	snop  }
0x90: {  	s2 =	sld [smem:$0x3FD0];
	(tm) =	ssettm $0x1  }
0x91: {  	s18 =	sld [smem:$0x3FFB];
	_ =	sdelay $0x3  }
0x92: {  	_ =	strace s18  }
0x93: {  	s3 =	sld [smem:$0x3FFC];
	_ =	sdelay $0x3  }
0x94: {  	_ =	strace s3  }
0x95: {  	s3 =	sld [smem:$0x3FFD];
	_ =	sdelay $0x3  }
0x96: {  	_ =	strace s3  }
0x97: {  	_ =	strace $0x8FFFFFFF  }
0x98: {  	s19 =	sld [smem:$0x3FDB];
	_ =	sdelay $0x1  }
0x99: {  	s4 =	simm.s32 $_scs_section_size  }
0x9a: {  	s5 =	simm.s32 $_size__tile_overlayer_lowered;
	s6 =	simm.s32 $_tile_overlayer_lowered  }
0x9b: {  	s22 =	simm.s32 $0x1BFF;
	s21 =	sshll.u32 s6, $0x1;
	s3 =	sadd.s32 s4, s19  }
0x9c: {  	s7 =	simm.s32 $0x0;
	s20 =	sshll.u32 s5, $0x1;
	s5 =	sadd.s32 s21, s3  }
0x9d: {  	[timem:s7], [sflag:s22] =	dma.local [hbm:s5], s20  }
0x9e: {  	_ =	swait.ge [sflag:s22], s20  }
0x9f: {  	s4 =	ssub.s32 $0x0, s20;
	[sflag:s22] =	ssyncset.done $0x0  }
0xa0: {  	[sflag:s22] =	ssyncadd.s32 s4;
	_ =	sdelay $0x1  }
0xa1: {  	s23 =	simm.s32 $0x1B8B  }
0xa2: {  	_ =	swait.ge [sflag:s23], $0x1  }
0xa3: {  	[sflag:s23] =	ssyncset.done $0x0  }
0xa4: {  	s25 =	simm.s32 $0x1B8E;
	s24 =	sld [smem:$0x3FFE];
	[sflag:s23] =	ssyncadd.s32 $0xFFFFFFFF  }
0xa5: {  	s26 =	simm.s32 $execute0_lowered;
	[smem:$0x3FD2] =	sst s25  }
0xa6: {  	s5 =	sshll.u32 s26, $0x1;
	_ =	strace $0x80000049;
	[dreg:$0x1] =	wrdreg $0xFFFFFFFF  }
0xa7: {  	s28 =	simm.s32 $_size_execute0_lowered;
	s3 =	sadd.s32 s3, s5;
	[dreg:$0x0] =	wrdreg $0x0  }
0xa8: {  	s5 =	sshll.u32 s28, $0x1;
	[dreg:$0x2] =	wrdreg s3  }
0xa9: {  	[dreg:$0x3] =	wrdreg s5  }
0xaa: {  	[dreg:$0x4] =	wrdreg $0xC0  }
0xab: {  	_ =	task [dreg:s7], $0x5FFFF  }
0xac: {  	[dreg:$0x1] =	wrdreg $0xFFFFFFFF  }
0xad: {  	[dreg:$0x0] =	wrdreg $0x60  }
0xae: {  	[dreg:$0x2] =	wrdreg s24  }
0xaf: {  	[dreg:$0x3] =	wrdreg s2  }
0xb0: {  	[dreg:$0x4] =	wrdreg $0x9  }
0xb1: {  	_ =	task.clear_ibuf [dreg:s7], $0x5FFFF;
	_ =	strace $0x90000049  }
0xb2: {  	s29 =	simm.s32 $0x9;
	_ =	strace $0x8000004B  }
0xb3: {  	_ =	swait.ge [sflag:s29], $0x1  }
0xb4: {  	[sflag:s29] =	ssyncadd.s32 $0xFFFFFFFF  }
0xb5: {  	_ =	strace $0x9000004B  }
0xb6: {  	_ =	sfence  }
0xb7: {  	s30 =	sld [smem:$0x0];
	_ =	sdelay $0x2  }
0xb8: {  	s31 =	sshll.u32 s1, $0xD;
	s1 =	sshrl.u32 s1, $0x2  }
0xb9: {  	s3 =	sand.u32 $0x4000, s31;
	s1 =	sadd.s32 s1, s30  }
0xba: {  	s0 =	sor.u32 s3, s0;
	s1 =	sshll.u32 s1, $0x11  }
0xbb: {  	s0 =	sor.u32 s1, s0  }
0xbc: {  	s0 =	sadd.s32 $0x8F2B, s0  }
0xbd: {  	[sflag:s0] =	ssyncadd.remote.s32 $0x1  }
0xbe: {  	_ =	sfence.sel $0xFFFF  }
0xbf: {  	[dreg:$0x0] =	wrdreg $0xFFFFFFFF;
	(pc) =	sbr.abs _section_cstart, $3  }
0xc0: {  	[dreg:$0x1] =	wrdreg $0xFFFFFFFF  }
0xc1: {  	_ =	task.clear_ibuf [dreg:s7], $0x2FFFF;
	_ =	strace $0x9FFFFFFF  }
0xc2: {  	(tm) =	ssettm $0x7FFFFFFF  }
0xc3: {  	_ =	shalt  }
tec
execute0_lowered:
.L_overlay_start_1:
0x0: {  	(tag) =	ssettag $0x1  }
0x1: {  	v0 =	vlaneseq.u32  }
0x2: {  	v5 =	vmul.u32 $0xFFFFFFFF, v0;
	v1 =	vmul.u32 $0x8, v0  }
0x3: {  	s6 =	rddreg [dreg:$0x0];
	v2 =	vimm.s32 $0x80000000;
	v3 =	vimm.s32 $0x0;
	v4 =	vimm.s32 $0xF  }
0x4: {  	s7 =	rddreg [dreg:$0x1];
	v5 =	vadd.s32 $0xF, v5;
	v6 =	vor.u32 $0x1, v1;
	v7 =	vor.u32 $0x2, v1  }
0x5: {  	s2 =	srdreg.scid;
	s0 =	rddreg [dreg:$0x2];
	v8 =	vor.u32 $0x3, v1;
	v9 =	vor.u32 $0x4, v1;
	v10 =	vor.u32 $0x5, v1  }
0x6: {  	s1 =	stileid.u32;
	s12 =	simm.s32 $0x80;
	s13 =	simm.s32 $0x400;
	v11 =	vor.u32 $0x6, v1;
	v12 =	vor.u32 $0x7, v1;
	v13 =	vor.u32 $0x80, v1  }
0x7: {  	s14 =	simm.s32 $0xA000;
	s15 =	simm.s32 $0x1;
	s16 =	simm.s32 $0xC880;
	v16 =	vor.u32 $0x83, v1;
	v17 =	vor.u32 $0x84, v1;
	v18 =	vor.u32 $0x85, v1  }
0x8: {  	s17 =	simm.s32 $0xDD00;
	s18 =	simm.s32 $0xF180;
	s19 =	simm.s32 $0x2;
	v19 =	vor.u32 $0x86, v1;
	v20 =	vor.u32 $0x87, v1;
	v21 =	vor.u32 $0x100, v1  }
0x9: {  	s20 =	simm.s32 $0x0;
	s5 =	sand.u32 $0x1, s2;
	s2 =	simm.s32 $0x0;
	v22 =	vor.u32 $0x101, v1;
	v23 =	vor.u32 $0x102, v1;
	v24 =	vor.u32 $0x103, v1  }
0xa: {  	s3 =	sshll.u32 s1, $0x8;
	s4 =	sshll.u32 s5, $0x7;
	[smem:$0x7FF] =	sst s2;
	v25 =	vor.u32 $0x104, v1;
	v26 =	vor.u32 $0x105, v1;
	v27 =	vor.u32 $0x106, v1  }
0xb: {  	s9 =	ssub.s32 $0x2, s5;
	s5 =	sadd.s32 $0xD4800, s6;
	s3 =	sor.u32 s4, s3;
	v28 =	vor.u32 $0x107, v1;
	v29 =	vor.u32 $0x180, v1;
	v30 =	vor.u32 $0x181, v1  }
0xc: {  	s4 =	sadd.s32 $0xD5C00, s6;
	s11 =	sshrl.u32 s9, $0x1;
	v31 =	vor.u32 $0x182, v1;
	v32 =	vor.u32 $0x183, v1;
	[tilespmem:$0x1FFD0] =	vst v13;
	v13 =	vor.u32 $0x81, v1;
	s8 =	sshrl.u32 s3, $0x3  }
0xd: {  	s6 =	sadd.s32 $0xC00, s6;
	v33 =	vor.u32 $0x184, v1;
	v34 =	vor.u32 $0x185, v1;
	s9 =	ssub.s32 s9, s11;
	[tilespmem:$0x1FFE0] =	vst v13;
	v13 =	vor.u32 $0x82, v1;
	s10 =	smul.u32 $0x1400, s8  }
0xe: {  	v35 =	vor.u32 $0x186, v1;
	v36 =	vor.u32 $0x187, v1;
	v37 =	vor.u32 $0x200, v1;
	s11 =	simm.s32 $0xC800;
	s7 =	sadd.s32 s7, s8;
	s9 =	smax.u32 s9, $0x1;
	[tilespmem:$0x1FFF0] =	vst v13  }
0xf: {  	v38 =	vor.u32 $0x201, v1;
	v39 =	vor.u32 $0x202, v1;
	v40 =	vor.u32 $0x203, v1;
	_ =	strace $0x8000004A;
	s8 =	sadd.s32 s4, s10;
	s10 =	simm.s32 $0x3  }
.LBB2_1:
0x10: {  	[tilespmem:s2], [sflag:$0x3] =	stream.linear.gather [hbm4b:s5+s2], $0xA000, $0x38;
	[tilespmem:$0xF680] =	vst v63  }
0x11: {  	_ =	swait.ge [sflag:s10], $0xA000  }
0x12: {  	[sflag:s10] =	ssyncset.done $0x0  }
0x13: {  	[sflag:s10] =	ssyncadd.s32 $0xFFFF6000  }
0x14: {  	[tilespmem:s11], [sflag:$0x3] =	stream.linear.gather [hbm4b:s7+s2], $0x80, $0x38;
	[tilespmem:$0xF680] =	vst v63  }
0x15: {  	_ =	swait.ge [sflag:s10], $0x80  }
0x16: {  	[sflag:s10] =	ssyncset.done $0x0  }
0x17: {  	p0 =	por $0x0, $0x0;
	s21 =	simm.s32 $0x0;
	[sflag:s10] =	ssyncadd.s32 $0xFFFFFF80  }
0x18: {  	[tilespmem:s14], [sflag:$0x1] =	stream.strided.gather [hbm4b:s8+s12], $0x1400, s13, s12, $0x38;
	[tilespmem:$0xF680] =	vst v63  }
.LBB2_2:
0x19: {  	p1 =	seq.s32 s21, $0x7F  }
0x1a: {  	s22 =	sor.u32 @!p1 s3, s21  }
0x1b: {  	s22 =	sadd.s32 @!p1 $0x1, s22  }
0x1c: {  	s23 =	sand.u32 $0x1, s21;
	s24 =	sshrl.u32 @!p1 s22, $0x3  }
0x1d: {  	s25 =	sxor.u32 @!p1 $0x1, s23;
	s22 =	sshll.u32 @!p1 s22, $0x7;
	s24 =	smul.u32 @!p1 $0xA000, s24  }
0x1e: {  	s25 =	smul.u32 @!p1 $0x5000, s25;
	s22 =	sand.u32 @!p1 $0x380, s22  }
0x1f: {  	s22 =	sor.u32 @!p1 s22, s24  }
0x20: {  	s26 =	simm.s32 @!p1 $0x400;
	s24 =	sshrl.u32 @!p1 s25, $0x2;
	s22 =	sshrl.u32 @!p1 s22, $0x3  }
0x21: {  	s25 =	simm.s32 @!p1 $0x80;
	s24 =	sor.u32 @!p1 $0xA000, s24;
	s22 =	sadd.s32 @!p1 s4, s22  }
0x22: {  	[tilespmem:s24], [sflag:$0x1] =	stream.strided.gather @!p1 [hbm4b:s22+s25], $0x1400, s26, s25, $0x38;
	[tilespmem:$0xF680] =	vst v63  }
0x23: {  	_ =	swait.ge [sflag:s15], $0x1400  }
0x24: {  	[sflag:s15] =	ssyncset.done $0x0  }
0x25: {  	s30 =	sand.u32 $0x70, s21;
	[sflag:s15] =	ssyncadd.s32 $0xFFFFEC00  }
0x26: {  	v56 =	vimm.s32 $0x0;
	v13 =	vld [tilespmem:s30+$0xC800];
	[tilespmem:$0xC880] =	vst v2  }
0x27: {  	[tilespmem:$0xDD00] =	vst v56  }
0x28: {  	[tilespmem:$0xC890] =	vst v2  }
0x29: {  	[tilespmem:$0xDD10] =	vst v56  }
0x2a: {  	[tilespmem:$0xC8A0] =	vst v2  }
0x2b: {  	[tilespmem:$0xDD20] =	vst v56  }
0x2c: {  	[tilespmem:$0xC8B0] =	vst v2  }
0x2d: {  	[tilespmem:$0xDD30] =	vst v56  }
0x2e: {  	s22 =	simm.s32 $0x1;
	[tilespmem:$0xC8C0] =	vst v2  }
0x2f: {  	s22 =	simm.s32 @!p0 $0x0;
	[tilespmem:$0xDD40] =	vst v56  }
0x30: {  	s24 =	smul.u32 $0x1400, s22;
	[tilespmem:$0xC8D0] =	vst v2  }
0x31: {  	[tilespmem:$0xDD50] =	vst v56  }
0x32: {  	[tilespmem:$0xC8E0] =	vst v2;
	s22 =	sadd.s32 $0x0, s24  }
0x33: {  	s25 =	simm.s32 $0x0;
	[tilespmem:$0xDD60] =	vst v56;
	s22 =	sand.u32 $0x3F80, s22  }
0x34: {  	s31 =	sand.u32 $0x40, s25;
	[tilespmem:$0xC8F0] =	vst v2;
	s22 =	sadd.s32 $0xA000, s22  }
0x35: {  	[tilespmem:$0xDD70] =	vst v56;
	s26 =	sor.u32 s31, s22  }
0x36: {  	s28 =	simm.s32 $0x10;
	v44 =	vld [tilespmem:s26+$0x0]  }
0x37: {  	s29 =	sand.u32 $0x50, s28;
	s30 =	simm.s32 $0x20  }
0x38: {  	v41 =	vmov s21;
	s31 =	simm.s32 $0x30;
	s26 =	sor.u32 s29, s22;
	s29 =	sand.u32 $0x60, s30  }
0x39: {  	v42 =	vld [tilespmem:s26+$0x0];
	s26 =	sor.u32 s29, s22;
	s29 =	sand.u32 $0x70, s31;
	v50 =	vperm.xlane v13, v41  }
0x3a: {  	v43 =	vld [tilespmem:s26+$0x0];
	s22 =	sor.u32 s29, s22  }
0x3b: {  	v41 =	vld [tilespmem:s22+$0x0];
	vm0 =	vge.s32 v44, v50  }
0x3c: {  	v13 =	vsel vm0, $0x1, v3  }
0x3d: {  	(xrf0) =	vadd.scan.msk.s32 $0xffff, v13  }
0x3e: {  	vm1 =	vge.s32 v42, v50  }
0x3f: {  	v45 =	vsel vm1, $0x1, v3;
	vm2 =	vge.s32 v43, v50  }
0x40: {  	v13 =	vsel vm2, $0x1, v3;
	vm4 =	vge.s32 v41, v50;
	(xrf0) =	vadd.scan.msk.s32 $0xffff, v45  }
0x41: {  	v63 =	vsel vm4, $0x1, v3;
	(xrf0) =	vadd.scan.msk.s32 $0xffff, v13  }
0x42: {  	s29 =	sadd.s32 $0x40, s24;
	(xrf0) =	vadd.scan.msk.s32 $0xffff, v63  }
0x43: {  	v48 =	vor.u32 s28, v0;
	s28 =	simm.s32 $0x50;
	v51 =	vor.u32 s25, v0;
	s25 =	simm.s32 $0x40;
	s22 =	sand.u32 $0x3F80, s29;
	v13, _, _ =	vpop (xrf0)  }
0x44: {  	v52 =	vor.u32 s28, v0;
	v49 =	vor.u32 s30, v0;
	s30 =	sand.u32 $0x40, s25;
	s29 =	simm.s32 $0x70;
	s22 =	sadd.s32 $0xA000, s22;
	v60 =	vperm.xlane v13, v4  }
0x45: {  	v46 =	vor.u32 s25, v0;
	v53 =	vor.u32 s29, v0;
	s26 =	sor.u32 s30, s22;
	s30 =	simm.s32 $0x60;
	v45 =	vor.u32 s31, v0;
	s31 =	sand.u32 $0x50, s28  }
0x46: {  	vm3 =	vmmov vm0;
	v55 =	vld [tilespmem:s26+$0x0];
	v47 =	vor.u32 s30, v0;
	vm1 =	vmmov vm1;
	s26 =	sor.u32 s31, s22;
	s31 =	sand.u32 $0x60, s30;
	v61, _, _ =	vpop (xrf0)  }
0x47: {  	vm0 =	vmmov vm4;
	v54 =	vld [tilespmem:s26+$0x0];
	s30 =	sor.u32 s31, s22;
	s31 =	sand.u32 $0x70, s29;
	v13 =	vadd.s32 v13, v56;
	v63 =	vperm.xlane v61, v4;
	v59, _, _ =	vpop (xrf0)  }
0x48: {  	v57 =	vld [tilespmem:s30+$0x0];
	s28 =	sor.u32 s31, s22;
	v58 =	vadd.s32 $0xFFFFFFFF, v13;
	v14 =	vadd.s32 v56, v60;
	v62 =	vperm.xlane v59, v4;
	v60, _, _ =	vpop (xrf0)  }
0x49: {  	s26 =	simm.s32 $0x4;
	s22 =	sadd.s32 $0x1, s21;
	v56 =	vld [tilespmem:s28+$0x0];
	v13 =	vadd.s32 v61, v14;
	v63 =	vadd.s32 v14, v63;
	v61 =	vperm.xlane v60, v4  }
.LBB2_3:
0x4a: {  	v13 =	vadd.s32 $0xFFFFFFFF, v13  }
0x4b: {  	s26 =	sadd.s32 $0x4, s26;
	v14 =	vadd.s32 v59, v63;
	v59 =	vadd.s32 v63, v62;
	v62 =	vmovc v43;
	vm4 =	vmmov vm2  }
0x4c: {  	p1 =	slt.u32 s26, $0x13C;
	vm5 =	vge.s32 v55, v50;
	v15 =	vadd.s32 v60, v59;
	v60 =	vadd.s32 v59, v61  }
0x4d: {  	v59 =	vsel vm5, $0x1, v3;
	vm6 =	vge.s32 v54, v50;
	[tilespmem:v58+s16+$0x0] =	vst.idx.msk vm3, v44;
	v61 =	vadd.s32 $0xFFFFFFFF, v15;
	v44 =	vmovc v55  }
0x4e: {  	v14 =	vadd.s32 $0xFFFFFFFF, v14;
	v55 =	vsel vm6, $0x1, v3;
	vm2 =	vge.s32 v57, v50;
	(xrf0) =	vadd.scan.msk.s32 $0xffff, v59;
	v43 =	vmovc v57  }
0x4f: {  	v57 =	vsel vm2, $0x1, v3;
	vm7 =	vge.s32 v56, v50;
	(xrf0) =	vadd.scan.msk.s32 $0xffff, v55;
	[tilespmem:v58+s17+$0x0] =	vst.idx.msk vm3, v51;
	v51 =	vmovc v46  }
0x50: {  	s25 =	sadd.s32 $0x40, s25;
	vm3 =	vmmov vm5;
	v55 =	vsel vm7, $0x1, v3;
	(xrf0) =	vadd.scan.msk.s32 $0xffff, v57;
	[tilespmem:v13+s16+$0x0] =	vst.idx.msk vm1, v42;
	v42 =	vmovc v54  }
0x51: {  	s28 =	sadd.s32 s25, s24;
	v46 =	vor.u32 s25, v0;
	(xrf0) =	vadd.scan.msk.s32 $0xffff, v55;
	[tilespmem:v13+s17+$0x0] =	vst.idx.msk vm1, v48;
	v48 =	vmovc v52;
	vm1 =	vmmov vm6  }
0x52: {  	s30 =	sadd.s32 $0x10, s25;
	s28 =	sand.u32 $0x3F80, s28;
	[tilespmem:v61+s16+$0x0] =	vst.idx.msk vm0, v41;
	v41 =	vmov v56  }
0x53: {  	s29 =	sand.u32 $0x40, s25;
	s31 =	sand.u32 $0x50, s30;
	s28 =	sadd.s32 $0xA000, s28;
	[tilespmem:v61+s17+$0x0] =	vst.idx.msk vm0, v45;
	v45 =	vmov v53;
	vm0 =	vmmov vm7  }
.Ltmp0:
0x54: {  	s29 =	sor.u32 s29, s28;
	v52 =	vor.u32 s30, v0;
	s30 =	sadd.s32 $0x20, s25;
	v13, _, _ =	vpop (xrf0);
	[tilespmem:v14+s16+$0x0] =	vst.idx.msk vm4, v62;
	(pc) =	sbr.rel @p1 .LBB2_3-.Ltmp0, $4  }
0x55: {  	v15 =	vor.u32 s30, v0;
	v55 =	vld [tilespmem:s29+$0x0];
	s29 =	sor.u32 s31, s28;
	s31 =	sand.u32 $0x60, s30;
	s30 =	sadd.s32 $0x30, s25;
	v56 =	vadd.s32 v13, v60;
	v13 =	vperm.xlane v13, v4;
	v61, _, _ =	vpop (xrf0);
	[tilespmem:v14+s17+$0x0] =	vst.idx.msk vm4, v49  }
0x56: {  	v54 =	vld [tilespmem:s29+$0x0];
	s29 =	sor.u32 s31, s28;
	s31 =	sand.u32 $0x70, s30;
	v53 =	vor.u32 s30, v0;
	v58 =	vadd.s32 $0xFFFFFFFF, v56;
	v14 =	vperm.xlane v61, v4;
	v59, _, _ =	vpop (xrf0)  }
0x57: {  	v49 =	vmov v47;
	v57 =	vld [tilespmem:s29+$0x0];
	s28 =	sor.u32 s31, s28;
	v63 =	vadd.s32 v60, v13;
	v62 =	vperm.xlane v59, v4;
	v60, _, _ =	vpop (xrf0)  }
0x58: {  	v47 =	vmovc v15;
	v56 =	vld [tilespmem:s28+$0x0];
	v13 =	vadd.s32 v61, v63;
	v63 =	vadd.s32 v63, v14;
	v61 =	vperm.xlane v60, v4  }
0x59: {  	_ = 	snop  }
0x5a: {  	vm5 =	vge.s32 v55, v50  }
0x5b: {  	v14 =	vsel vm5, $0x1, v3  }
0x5c: {  	vm6 =	vge.s32 v54, v50;
	(xrf0) =	vadd.scan.msk.s32 $0xffff, v14  }
0x5d: {  	v14 =	vsel vm6, $0x1, v3;
	vm4 =	vge.s32 v57, v50  }
0x5e: {  	(xrf0) =	vadd.scan.msk.s32 $0xffff, v14;
	v14 =	vsel vm4, $0x1, v3  }
0x5f: {  	v13 =	vadd.s32 $0xFFFFFFFF, v13;
	vm2 =	vmmov vm2;
	vm7 =	vge.s32 v56, v50;
	(xrf0) =	vadd.scan.msk.s32 $0xffff, v14  }
0x60: {  	v14 =	vadd.s32 v63, v62;
	v50 =	vsel vm7, $0x1, v3;
	v62 =	vadd.s32 v59, v63  }
0x61: {  	v15 =	vadd.s32 v60, v14;
	(xrf0) =	vadd.scan.msk.s32 $0xffff, v50;
	v50 =	vadd.s32 $0xFFFFFFFF, v62  }
0x62: {  	[tilespmem:v58+s16+$0x0] =	vst.idx.msk vm3, v44;
	v15 =	vadd.s32 $0xFFFFFFFF, v15;
	v63, _, _ =	vpop (xrf0)  }
0x63: {  	[tilespmem:v58+s17+$0x0] =	vst.idx.msk vm3, v51;
	v14 =	vadd.s32 v14, v61;
	v60 =	vperm.xlane v63, v4  }
0x64: {  	[tilespmem:v13+s16+$0x0] =	vst.idx.msk vm1, v42;
	v58, _, _ =	vpop (xrf0);
	v61 =	vadd.s32 v63, v14  }
0x65: {  	[tilespmem:v13+s17+$0x0] =	vst.idx.msk vm1, v48;
	v62 =	vperm.xlane v58, v4;
	v63, _, _ =	vpop (xrf0);
	v13 =	vadd.s32 $0xFFFFFFFF, v61;
	v14 =	vadd.s32 v14, v60  }
0x66: {  	[tilespmem:v50+s16+$0x0] =	vst.idx.msk vm2, v43;
	v60 =	vperm.xlane v63, v4;
	v61 =	vadd.s32 v58, v14  }
0x67: {  	[tilespmem:v15+s16+$0x0] =	vst.idx.msk vm0, v41;
	v14 =	vadd.s32 v14, v62;
	v41 =	vadd.s32 $0xFFFFFFFF, v61  }
0x68: {  	[tilespmem:v15+s17+$0x0] =	vst.idx.msk vm0, v45;
	v15, _, _ =	vpop (xrf0);
	v42 =	vadd.s32 v14, v60;
	v14 =	vadd.s32 v63, v14  }
0x69: {  	[tilespmem:v50+s17+$0x0] =	vst.idx.msk vm2, v49;
	v15 =	vadd.s32 v15, v42;
	v14 =	vadd.s32 $0xFFFFFFFF, v14  }
0x6a: {  	v15 =	vadd.s32 $0xFFFFFFFF, v15;
	[tilespmem:v13+s16+$0x0] =	vst.idx.msk vm5, v55  }
0x6b: {  	[tilespmem:v13+s17+$0x0] =	vst.idx.msk vm5, v46  }
0x6c: {  	[tilespmem:v41+s16+$0x0] =	vst.idx.msk vm6, v54  }
0x6d: {  	[tilespmem:v41+s17+$0x0] =	vst.idx.msk vm6, v52  }
0x6e: {  	[tilespmem:v14+s16+$0x0] =	vst.idx.msk vm4, v57  }
0x6f: {  	[tilespmem:v15+s16+$0x0] =	vst.idx.msk vm7, v56  }
0x70: {  	[tilespmem:v14+s17+$0x0] =	vst.idx.msk vm4, v47  }
0x71: {  	[tilespmem:v15+s17+$0x0] =	vst.idx.msk vm7, v53  }
0x72: {  	v13 =	vld [tilespmem:$0xC880]  }
0x73: {  	v14 =	vld [tilespmem:$0xDD00]  }
0x74: {  	v15 =	vld [tilespmem:$0xC890]  }
0x75: {  	v41 =	vld [tilespmem:$0xDD10]  }
0x76: {  	v62 =	vld [tilespmem:$0xC8A0]  }
0x77: {  	v43 =	vld [tilespmem:$0xDD20]  }
0x78: {  	v63 =	vld [tilespmem:$0xC8B0]  }
0x79: {  	v45 =	vld [tilespmem:$0xDD30]  }
0x7a: {  	v46 =	vld [tilespmem:$0xC8C0]  }
0x7b: {  	v47 =	vld [tilespmem:$0xDD40]  }
0x7c: {  	v48 =	vld [tilespmem:$0xC8D0]  }
0x7d: {  	v49 =	vld [tilespmem:$0xDD50];
	v13 =	vxor.u32 $0x80000000, v13  }
0x7e: {  	v50 =	vld [tilespmem:$0xC8E0];
	(xrf1) =	vsort.dscd.msk.u32 $0xffff, v13, v14;
	v13 =	vxor.u32 $0x80000000, v15  }
0x7f: {  	v54 =	vld [tilespmem:$0xDD60];
	(xrf1) =	vsort.dscd.msk.u32 $0xffff, v13, v41;
	v13 =	vxor.u32 $0x80000000, v62  }
0x80: {  	v14 =	vld [tilespmem:$0xC8F0];
	(xrf1) =	vsort.dscd.msk.u32 $0xffff, v13, v43;
	v13 =	vxor.u32 $0x80000000, v63  }
0x81: {  	v15 =	vld [tilespmem:$0xDD70];
	(xrf1) =	vsort.dscd.msk.u32 $0xffff, v13, v45;
	v13 =	vxor.u32 $0x80000000, v46  }
0x82: {  	(xrf1) =	vsort.dscd.msk.u32 $0xffff, v13, v47;
	v13 =	vxor.u32 $0x80000000, v48  }
0x83: {  	(xrf1) =	vsort.dscd.msk.u32 $0xffff, v13, v49  }
0x84: {  	v13 =	vxor.u32 $0x80000000, v50  }
0x85: {  	(xrf1) =	vsort.dscd.msk.u32 $0xffff, v13, v54;
	v13 =	vxor.u32 $0x80000000, v14  }
0x86: {  	(xrf1) =	vsort.dscd.msk.u32 $0xffff, v13, v15;
	_ =	sdelay $0x5  }
0x87: {  	v13, v14, _ =	vpop (xrf1)  }
0x88: {  	v15, v41, _ =	vpop (xrf1)  }
0x89: {  	v55, v43, _ =	vpop (xrf1);
	v15 =	vxor.u32 $0x80000000, v15  }
0x8a: {  	v13 =	vxor.u32 $0x80000000, v13;
	v56, v45, _ =	vpop (xrf1);
	v15 =	vperm.xlane v15, v5  }
0x8b: {  	v41 =	vperm.xlane v41, v5;
	v42 =	vxor.u32 $0x80000000, v55;
	v57, v47, _ =	vpop (xrf1);
	v44 =	vxor.u32 $0x80000000, v56  }
0x8c: {  	v45 =	vperm.xlane v45, v5;
	v58, v49, _ =	vpop (xrf1);
	v46 =	vxor.u32 $0x80000000, v57;
	vm0 =	vlt.s32 v13, v15  }
0x8d: {  	v44 =	vperm.xlane v44, v5;
	v48 =	vxor.u32 $0x80000000, v58;
	v62 =	vsel vm0, v15, v13  }
0x8e: {  	v59, v51, _ =	vpop (xrf1);
	v63 =	vsel vm0, v41, v14;
	v13 =	vsel vm0, v13, v15;
	v14 =	vsel vm0, v14, v41  }
0x8f: {  	v50 =	vxor.u32 $0x80000000, v59;
	v60, v61, _ =	vpop (xrf1);
	v15 =	vxor.u32 $0x80000000, v62;
	vm1 =	vlt.s32 v42, v44  }
0x90: {  	v13 =	vxor.u32 $0x80000000, v13;
	v56 =	vperm.xlane v48, v5;
	v52 =	vxor.u32 $0x80000000, v60;
	(xrf1) =	vsort.dscd.msk.u32 $0xffff, v15, v63  }
0x91: {  	v15 =	vsel vm1, v44, v42;
	v55 =	vsel vm1, v45, v43;
	v42 =	vsel vm1, v42, v44  }
0x92: {  	(xrf1) =	vsort.dscd.msk.u32 $0xffff, v13, v14;
	v13 =	vsel vm1, v43, v45;
	v14 =	vxor.u32 $0x80000000, v15;
	v15 =	vperm.xlane v49, v5  }
0x93: {  	vm13 =	vlt.s32 v46, v56;
	v57 =	vperm.xlane v52, v5;
	(xrf1) =	vsort.dscd.msk.u32 $0xffff, v14, v55;
	v14 =	vxor.u32 $0x80000000, v42  }
0x94: {  	v58 =	vsel vm13, v56, v46;
	v44 =	vsel vm13, v46, v56;
	v59 =	vsel vm13, v15, v47  }
0x95: {  	(xrf1) =	vsort.dscd.msk.u32 $0xffff, v14, v13;
	v13 =	vxor.u32 $0x80000000, v58;
	v14 =	vperm.xlane v61, v5;
	vm14 =	vlt.s32 v50, v57  }
0x96: {  	v15 =	vsel vm13, v47, v15;
	(xrf1) =	vsort.dscd.msk.u32 $0xffff, v13, v59;
	v13 =	vxor.u32 $0x80000000, v44;
	v60 =	vsel vm14, v57, v50  }
0x97: {  	(xrf1) =	vsort.dscd.msk.u32 $0xffff, v13, v15;
	v13 =	vsel vm14, v14, v51;
	v15 =	vxor.u32 $0x80000000, v60  }
0x98: {  	v41 =	vsel vm14, v50, v57;
	(xrf1) =	vsort.dscd.msk.u32 $0xffff, v15, v13  }
0x99: {  	v13 =	vsel vm14, v51, v14;
	v14 =	vxor.u32 $0x80000000, v41  }
0x9a: {  	(xrf1) =	vsort.dscd.msk.u32 $0xffff, v14, v13;
	_ =	sdelay $0x5  }
0x9b: {  	v13, v14, _ =	vpop (xrf1)  }
0x9c: {  	v15, v41, _ =	vpop (xrf1)  }
0x9d: {  	vm9 =	vmmov vm5;
	vm10 =	vmmov vm6;
	vm12 =	vmmov vm4;
	v62, v61, _ =	vpop (xrf1)  }
0x9e: {  	vm11 =	vmmov vm7;
	v13 =	vxor.u32 $0x80000000, v13;
	v56, v63, _ =	vpop (xrf1);
	v42 =	vxor.u32 $0x80000000, v62  }
0x9f: {  	v43 =	vperm.xlane v61, v5;
	v57, v47, _ =	vpop (xrf1);
	v44 =	vxor.u32 $0x80000000, v56;
	v42 =	vperm.xlane v42, v5  }
0xa0: {  	v15 =	vxor.u32 $0x80000000, v15;
	v45 =	vperm.xlane v63, v5;
	v58, v49, _ =	vpop (xrf1);
	v44 =	vperm.xlane v44, v5  }
0xa1: {  	v46 =	vxor.u32 $0x80000000, v57;
	v59, v51, _ =	vpop (xrf1);
	v48 =	vxor.u32 $0x80000000, v58;
	vm4 =	vlt.s32 v15, v42  }
0xa2: {  	v50 =	vxor.u32 $0x80000000, v59;
	vm15 =	vlt.s32 v13, v44;
	v63 =	vsel vm4, v42, v15  }
0xa3: {  	v60, v53, _ =	vpop (xrf1);
	v56 =	vsel vm4, v43, v41;
	v15 =	vsel vm4, v15, v42;
	v41 =	vsel vm4, v41, v43  }
0xa4: {  	v52 =	vxor.u32 $0x80000000, v60;
	v61 =	vsel vm15, v44, v13;
	v62 =	vsel vm15, v45, v14  }
0xa5: {  	v13 =	vsel vm15, v13, v44;
	v14 =	vsel vm15, v14, v45;
	vm5 =	vlt.s32 v61, v63  }
0xa6: {  	v50 =	vperm.xlane v50, v5;
	vm6 =	vlt.s32 v13, v15;
	v57 =	vsel vm5, v63, v61  }
0xa7: {  	v58 =	vsel vm5, v56, v62;
	v44 =	vsel vm5, v61, v63;
	v45 =	vsel vm5, v62, v56  }
0xa8: {  	v60 =	vsel vm6, v15, v13;
	v61 =	vsel vm6, v41, v14;
	v13 =	vsel vm6, v13, v15  }
0xa9: {  	v14 =	vsel vm6, v14, v41;
	v15 =	vperm.xlane v52, v5;
	v63 =	vperm.xlane v53, v5  }
0xaa: {  	v52 =	vperm.xlane v51, v5;
	vm8 =	vlt.s32 v48, v50;
	v42 =	vxor.u32 $0x80000000, v57  }
0xab: {  	v59 =	vxor.u32 $0x80000000, v44;
	v55 =	vsel vm8, v50, v48;
	v43 =	vsel vm8, v48, v50;
	(xrf1) =	vsort.dscd.msk.u32 $0xffff, v42, v58  }
0xac: {  	vm7 =	vlt.s32 v46, v15;
	v56 =	vsel vm8, v52, v49;
	v41 =	vsel vm8, v49, v52  }
0xad: {  	v62 =	vxor.u32 $0x80000000, v60;
	(xrf1) =	vsort.dscd.msk.u32 $0xffff, v59, v45;
	v53 =	vsel vm7, v15, v46;
	v54 =	vsel vm7, v63, v47  }
0xae: {  	v15 =	vsel vm7, v46, v15;
	v42 =	vsel vm7, v47, v63;
	vm9 =	vlt.s32 v53, v55  }
0xaf: {  	v13 =	vxor.u32 $0x80000000, v13;
	(xrf1) =	vsort.dscd.msk.u32 $0xffff, v62, v61;
	vm10 =	vlt.s32 v15, v43;
	v57 =	vsel vm9, v55, v53  }
0xb0: {  	v58 =	vsel vm9, v56, v54;
	(xrf1) =	vsort.dscd.msk.u32 $0xffff, v13, v14;
	v13 =	vsel vm9, v53, v55;
	v14 =	vxor.u32 $0x80000000, v57  }
0xb1: {  	v59 =	vsel vm9, v54, v56;
	v13 =	vxor.u32 $0x80000000, v13;
	(xrf1) =	vsort.dscd.msk.u32 $0xffff, v14, v58;
	v14 =	vsel vm10, v43, v15  }
0xb2: {  	v15 =	vsel vm10, v15, v43;
	(xrf1) =	vsort.dscd.msk.u32 $0xffff, v13, v59;
	v13 =	vsel vm10, v41, v42;
	v14 =	vxor.u32 $0x80000000, v14  }
0xb3: {  	v41 =	vsel vm10, v42, v41;
	(xrf1) =	vsort.dscd.msk.u32 $0xffff, v14, v13;
	v13 =	vxor.u32 $0x80000000, v15  }
0xb4: {  	(xrf1) =	vsort.dscd.msk.u32 $0xffff, v13, v41;
	_ =	sdelay $0x6  }
0xb5: {  	v13, v14, _ =	vpop (xrf1)  }
0xb6: {  	v15, v41, _ =	vpop (xrf1)  }
0xb7: {  	v42, v43, _ =	vpop (xrf1)  }
0xb8: {  	v44, v45, _ =	vpop (xrf1)  }
0xb9: {  	v13 =	vxor.u32 $0x80000000, v13;
	v15 =	vxor.u32 $0x80000000, v15;
	v60, v61, _ =	vpop (xrf1)  }
0xba: {  	v42 =	vxor.u32 $0x80000000, v42;
	v44 =	vxor.u32 $0x80000000, v44;
	v62, v63, _ =	vpop (xrf1);
	v46 =	vxor.u32 $0x80000000, v60  }
0xbb: {  	v47 =	vperm.xlane v61, v5;
	v56, v57, _ =	vpop (xrf1);
	v48 =	vxor.u32 $0x80000000, v62;
	v49 =	vperm.xlane v63, v5  }
0xbc: {  	v46 =	vperm.xlane v46, v5;
	v58, v59, _ =	vpop (xrf1);
	v50 =	vxor.u32 $0x80000000, v56;
	v51 =	vperm.xlane v57, v5  }
0xbd: {  	v48 =	vperm.xlane v48, v5;
	v52 =	vxor.u32 $0x80000000, v58;
	v53 =	vperm.xlane v59, v5  }
0xbe: {  	v50 =	vperm.xlane v50, v5;
	vm14 =	vlt.s32 v44, v46;
	v52 =	vperm.xlane v52, v5  }
0xbf: {  	vm13 =	vlt.s32 v42, v48;
	v63 =	vsel vm14, v46, v44;
	v57 =	vsel vm14, v47, v45  }
0xc0: {  	v44 =	vsel vm14, v44, v46;
	v45 =	vsel vm14, v45, v47;
	vm12 =	vlt.s32 v15, v50  }
0xc1: {  	v61 =	vsel vm13, v48, v42;
	v62 =	vsel vm13, v49, v43;
	vm11 =	vlt.s32 v13, v52  }
0xc2: {  	v42 =	vsel vm13, v42, v48;
	v43 =	vsel vm13, v43, v49;
	v54 =	vsel vm11, v52, v13  }
0xc3: {  	v60 =	vsel vm11, v53, v14;
	v13 =	vsel vm11, v13, v52;
	v14 =	vsel vm11, v14, v53  }
0xc4: {  	v52 =	vsel vm12, v50, v15;
	v53 =	vsel vm12, v51, v41;
	v15 =	vsel vm12, v15, v50  }
0xc5: {  	v41 =	vsel vm12, v41, v51;
	vm15 =	vlt.s32 v54, v61;
	vm4 =	vlt.s32 v52, v63  }
0xc6: {  	vm7 =	vgt.s32 v13, v42;
	vm8 =	vgt.s32 v15, v44;
	vm2 =	vlt.s32 v13, v42  }
0xc7: {  	vm9 =	vlt.s32 v15, v44;
	v58 =	vsel vm15, v61, v54;
	v59 =	vsel vm15, v62, v60  }
0xc8: {  	v50 =	vsel vm15, v54, v61;
	v51 =	vsel vm15, v60, v62;
	v60 =	vsel vm4, v63, v52  }
0xc9: {  	v61 =	vsel vm4, v57, v53;
	v48 =	vsel vm4, v52, v63;
	v49 =	vsel vm4, v53, v57  }
0xca: {  	v13 =	vsel vm7, v13, v42;
	v14 =	vsel vm2, v43, v14;
	vm5 =	vlt.s32 v58, v60  }
0xcb: {  	vm6 =	vlt.s32 v50, v48;
	v62 =	vsel vm5, v60, v58;
	v63 =	vsel vm5, v61, v59  }
0xcc: {  	v46 =	vsel vm5, v58, v60;
	v47 =	vsel vm5, v59, v61;
	v56 =	vsel vm6, v48, v50  }
0xcd: {  	v57 =	vsel vm6, v49, v51;
	v58 =	vsel vm6, v50, v48;
	v52 =	vxor.u32 $0x80000000, v62  }
0xce: {  	v59 =	vsel vm6, v51, v49;
	v61 =	vsel vm8, v15, v44;
	v46 =	vxor.u32 $0x80000000, v46;
	(xrf1) =	vsort.dscd.msk.u32 $0xffff, v52, v63  }
0xcf: {  	v15 =	vsel vm9, v45, v41;
	v60 =	vxor.u32 $0x80000000, v56;
	vm1 =	vgt.s32 v13, v61;
	(xrf1) =	vsort.dscd.msk.u32 $0xffff, v46, v47  }
0xd0: {  	vm10 =	vlt.s32 v13, v61;
	v13 =	vsel vm1, v13, v61;
	v46 =	vxor.u32 $0x80000000, v58;
	(xrf1) =	vsort.dscd.msk.u32 $0xffff, v60, v57  }
0xd1: {  	v14 =	vsel vm10, v15, v14;
	v13 =	vxor.u32 $0x80000000, v13;
	(xrf1) =	vsort.dscd.msk.u32 $0xffff, v46, v59  }
0xd2: {  	(xrf1) =	vsort.dscd.msk.u32 $0xffff, v13, v14;
	_ =	sdelay $0x9  }
0xd3: {  	v13, v14, _ =	vpop (xrf1)  }
0xd4: {  	s23 =	smul.u32 $0x280, s23;
	v15, v45, _ =	vpop (xrf1)  }
0xd5: {  	v46, v47, _ =	vpop (xrf1)  }
0xd6: {  	p1 =	slt.u32 s21, $0x2;
	v62 =	vor.u32 s23, v1;
	v14 =	vshll.u32 v14, $0x3;
	v43, v44, _ =	vpop (xrf1)  }
0xd7: {  	s24 =	simm.s32 @!p1 $0x2;
	v63 =	vor.u32 $0x1, v14;
	v41, v42, _ =	vpop (xrf1)  }
0xd8: {  	_ =	swait.ge @!p1 [sflag:s24], $0x280  }
0xd9: {  	v54 =	vxor.u32 $0xFFFFFFFF, v13;
	v55 =	vand.u32 $0x7FFFFFFF, v13;
	vm11 =	vlt.s32 v13, $0x0;
	[sflag:s24] =	ssyncset.done @!p1 $0x0  }
0xda: {  	v13 =	vsel vm11, v55, v54;
	[sflag:s24] =	ssyncadd.s32 @!p1 $0xFFFFFD80  }
0xdb: {  	[tilespmem:v62+s18+$0x0] =	vst.idx.msk $0xffff, v13  }
0xdc: {  	v56 =	vor.u32 s23, v6;
	v13 =	vld.idx.msk [tilespmem:v63+s2+$0x0], $0xffff  }
0xdd: {  	v57 =	vor.u32 $0x2, v14;
	_ =	sdelay $0x3  }
0xde: {  	[tilespmem:v56+s18+$0x0] =	vst.idx.msk $0xffff, v13  }
0xdf: {  	v58 =	vor.u32 s23, v7;
	v13 =	vld.idx.msk [tilespmem:v57+s2+$0x0], $0xffff  }
0xe0: {  	v59 =	vor.u32 $0x3, v14;
	_ =	sdelay $0x3  }
0xe1: {  	[tilespmem:v58+s18+$0x0] =	vst.idx.msk $0xffff, v13  }
0xe2: {  	v60 =	vor.u32 s23, v8;
	v13 =	vld.idx.msk [tilespmem:v59+s2+$0x0], $0xffff  }
0xe3: {  	v61 =	vor.u32 $0x4, v14;
	_ =	sdelay $0x3  }
0xe4: {  	[tilespmem:v60+s18+$0x0] =	vst.idx.msk $0xffff, v13  }
0xe5: {  	v62 =	vor.u32 s23, v9;
	v13 =	vld.idx.msk [tilespmem:v61+s2+$0x0], $0xffff  }
0xe6: {  	v63 =	vor.u32 $0x5, v14;
	_ =	sdelay $0x3  }
0xe7: {  	[tilespmem:v62+s18+$0x0] =	vst.idx.msk $0xffff, v13  }
0xe8: {  	v52 =	vor.u32 s23, v10;
	v13 =	vld.idx.msk [tilespmem:v63+s2+$0x0], $0xffff  }
0xe9: {  	v53 =	vor.u32 $0x6, v14;
	_ =	sdelay $0x3  }
0xea: {  	[tilespmem:v52+s18+$0x0] =	vst.idx.msk $0xffff, v13  }
0xeb: {  	v54 =	vor.u32 s23, v11;
	v13 =	vld.idx.msk [tilespmem:v53+s2+$0x0], $0xffff;
	_ =	sdelay $0x4  }
0xec: {  	[tilespmem:v54+s18+$0x0] =	vst.idx.msk $0xffff, v13;
	v13 =	vld [tilespmem:$0x1FFD0]  }
0xed: {  	v14 =	vor.u32 $0x7, v14;
	_ =	sdelay $0x2  }
0xee: {  	vm12 =	vlt.s32 v15, $0x0  }
0xef: {  	v57 =	vxor.u32 $0xFFFFFFFF, v15;
	v58 =	vand.u32 $0x7FFFFFFF, v15;
	v15 =	vld [tilespmem:$0x1FFE0];
	v13 =	vadd.s32 s23, v13  }
0xf0: {  	v55 =	vor.u32 s23, v12;
	v14 =	vld.idx.msk [tilespmem:v14+s2+$0x0], $0xffff;
	v13 =	vand.u32 $0x780, v13  }
0xf1: {  	v45 =	vshll.u32 v45, $0x3;
	v13 =	vor.u32 v1, v13  }
0xf2: {  	v56 =	vor.u32 $0x1, v45;
	_ =	sdelay $0x2  }
0xf3: {  	v15 =	vadd.s32 s23, v15;
	[tilespmem:v55+s18+$0x0] =	vst.idx.msk $0xffff, v14;
	v14 =	vsel vm12, v58, v57  }
0xf4: {  	v59 =	vld [tilespmem:$0x1FFF0];
	[tilespmem:v13+s18+$0x0] =	vst.idx.msk $0xffff, v14;
	v13 =	vand.u32 $0x780, v15  }
0xf5: {  	v14 =	vld.idx.msk [tilespmem:v56+s2+$0x0], $0xffff;
	v13 =	vor.u32 v6, v13  }
0xf6: {  	v15 =	vor.u32 $0x2, v45;
	_ =	sdelay $0x2  }
0xf7: {  	v48 =	vadd.s32 s23, v59  }
0xf8: {  	[tilespmem:v13+s18+$0x0] =	vst.idx.msk $0xffff, v14;
	v13 =	vand.u32 $0x780, v48  }
0xf9: {  	v14 =	vld.idx.msk [tilespmem:v15+s2+$0x0], $0xffff;
	v13 =	vor.u32 v7, v13  }
0xfa: {  	v15 =	vor.u32 $0x3, v45;
	_ =	sdelay $0x2  }
0xfb: {  	v60 =	vadd.s32 s23, v16  }
0xfc: {  	[tilespmem:v13+s18+$0x0] =	vst.idx.msk $0xffff, v14;
	v13 =	vand.u32 $0x780, v60  }
0xfd: {  	v14 =	vld.idx.msk [tilespmem:v15+s2+$0x0], $0xffff;
	v13 =	vor.u32 v8, v13  }
0xfe: {  	v15 =	vor.u32 $0x4, v45;
	_ =	sdelay $0x2  }
0xff: {  	v61 =	vadd.s32 s23, v17  }
0x100: {  	[tilespmem:v13+s18+$0x0] =	vst.idx.msk $0xffff, v14;
	v13 =	vand.u32 $0x780, v61  }
0x101: {  	v14 =	vld.idx.msk [tilespmem:v15+s2+$0x0], $0xffff;
	v13 =	vor.u32 v9, v13  }
0x102: {  	v15 =	vor.u32 $0x5, v45;
	_ =	sdelay $0x2  }
0x103: {  	v62 =	vadd.s32 s23, v18  }
0x104: {  	[tilespmem:v13+s18+$0x0] =	vst.idx.msk $0xffff, v14;
	v13 =	vand.u32 $0x780, v62  }
0x105: {  	v14 =	vld.idx.msk [tilespmem:v15+s2+$0x0], $0xffff;
	v13 =	vor.u32 v10, v13  }
0x106: {  	v15 =	vor.u32 $0x6, v45;
	_ =	sdelay $0x2  }
0x107: {  	v63 =	vadd.s32 s23, v19  }
0x108: {  	[tilespmem:v13+s18+$0x0] =	vst.idx.msk $0xffff, v14;
	v13 =	vand.u32 $0x780, v63  }
0x109: {  	v14 =	vld.idx.msk [tilespmem:v15+s2+$0x0], $0xffff;
	v13 =	vor.u32 v11, v13  }
0x10a: {  	v15 =	vor.u32 $0x7, v45;
	_ =	sdelay $0x2  }
0x10b: {  	v52 =	vadd.s32 s23, v20  }
0x10c: {  	[tilespmem:v13+s18+$0x0] =	vst.idx.msk $0xffff, v14;
	v13 =	vand.u32 $0x780, v52;
	v14 =	vadd.s32 s23, v21  }
0x10d: {  	v15 =	vld.idx.msk [tilespmem:v15+s2+$0x0], $0xffff;
	v13 =	vor.u32 v12, v13;
	v14 =	vand.u32 $0x780, v14  }
0x10e: {  	v53 =	vshll.u32 v47, $0x3;
	v14 =	vor.u32 v1, v14  }
0x10f: {  	v47 =	vor.u32 $0x1, v53;
	_ =	sdelay $0x1  }
0x110: {  	vm13 =	vlt.s32 v46, $0x0;
	v54 =	vxor.u32 $0xFFFFFFFF, v46;
	v55 =	vand.u32 $0x7FFFFFFF, v46  }
0x111: {  	[tilespmem:v13+s18+$0x0] =	vst.idx.msk $0xffff, v15;
	v13 =	vsel vm13, v55, v54;
	v15 =	vadd.s32 s23, v22  }
0x112: {  	[tilespmem:v14+s18+$0x0] =	vst.idx.msk $0xffff, v13;
	v13 =	vand.u32 $0x780, v15  }
0x113: {  	v14 =	vld.idx.msk [tilespmem:v47+s2+$0x0], $0xffff;
	v13 =	vor.u32 v6, v13  }
0x114: {  	v15 =	vor.u32 $0x2, v53;
	_ =	sdelay $0x2  }
0x115: {  	v56 =	vadd.s32 s23, v23  }
0x116: {  	[tilespmem:v13+s18+$0x0] =	vst.idx.msk $0xffff, v14;
	v13 =	vand.u32 $0x780, v56  }
0x117: {  	v14 =	vld.idx.msk [tilespmem:v15+s2+$0x0], $0xffff;
	v13 =	vor.u32 v7, v13  }
0x118: {  	v15 =	vor.u32 $0x3, v53;
	_ =	sdelay $0x2  }
0x119: {  	v57 =	vadd.s32 s23, v24  }
0x11a: {  	[tilespmem:v13+s18+$0x0] =	vst.idx.msk $0xffff, v14;
	v13 =	vand.u32 $0x780, v57  }
0x11b: {  	v14 =	vld.idx.msk [tilespmem:v15+s2+$0x0], $0xffff;
	v13 =	vor.u32 v8, v13  }
0x11c: {  	v15 =	vor.u32 $0x4, v53;
	_ =	sdelay $0x2  }
0x11d: {  	v58 =	vadd.s32 s23, v25  }
0x11e: {  	[tilespmem:v13+s18+$0x0] =	vst.idx.msk $0xffff, v14;
	v13 =	vand.u32 $0x780, v58  }
0x11f: {  	v14 =	vld.idx.msk [tilespmem:v15+s2+$0x0], $0xffff;
	v13 =	vor.u32 v9, v13  }
0x120: {  	v15 =	vor.u32 $0x5, v53;
	_ =	sdelay $0x2  }
0x121: {  	v59 =	vadd.s32 s23, v26  }
0x122: {  	[tilespmem:v13+s18+$0x0] =	vst.idx.msk $0xffff, v14;
	v13 =	vand.u32 $0x780, v59  }
0x123: {  	v14 =	vld.idx.msk [tilespmem:v15+s2+$0x0], $0xffff;
	v13 =	vor.u32 v10, v13  }
0x124: {  	v15 =	vor.u32 $0x6, v53;
	_ =	sdelay $0x2  }
0x125: {  	v60 =	vadd.s32 s23, v27  }
0x126: {  	[tilespmem:v13+s18+$0x0] =	vst.idx.msk $0xffff, v14;
	v13 =	vand.u32 $0x780, v60  }
0x127: {  	v14 =	vld.idx.msk [tilespmem:v15+s2+$0x0], $0xffff;
	v13 =	vor.u32 v11, v13  }
0x128: {  	v15 =	vor.u32 $0x7, v53;
	_ =	sdelay $0x2  }
0x129: {  	v61 =	vadd.s32 s23, v28  }
0x12a: {  	[tilespmem:v13+s18+$0x0] =	vst.idx.msk $0xffff, v14;
	v13 =	vand.u32 $0x780, v61;
	v14 =	vadd.s32 s23, v29  }
0x12b: {  	v15 =	vld.idx.msk [tilespmem:v15+s2+$0x0], $0xffff;
	v13 =	vor.u32 v12, v13;
	v14 =	vand.u32 $0x780, v14  }
0x12c: {  	v44 =	vshll.u32 v44, $0x3;
	v14 =	vor.u32 v1, v14  }
0x12d: {  	v62 =	vor.u32 $0x1, v44;
	_ =	sdelay $0x1  }
0x12e: {  	vm14 =	vlt.s32 v43, $0x0;
	v48 =	vand.u32 $0x7FFFFFFF, v43;
	v63 =	vxor.u32 $0xFFFFFFFF, v43  }
0x12f: {  	[tilespmem:v13+s18+$0x0] =	vst.idx.msk $0xffff, v15;
	v13 =	vsel vm14, v48, v63;
	v15 =	vadd.s32 s23, v30  }
0x130: {  	[tilespmem:v14+s18+$0x0] =	vst.idx.msk $0xffff, v13;
	v13 =	vand.u32 $0x780, v15  }
0x131: {  	v14 =	vld.idx.msk [tilespmem:v62+s2+$0x0], $0xffff;
	v13 =	vor.u32 v6, v13  }
0x132: {  	v15 =	vor.u32 $0x2, v44;
	_ =	sdelay $0x2  }
0x133: {  	v49 =	vadd.s32 s23, v31  }
0x134: {  	[tilespmem:v13+s18+$0x0] =	vst.idx.msk $0xffff, v14;
	v13 =	vand.u32 $0x780, v49  }
0x135: {  	v14 =	vld.idx.msk [tilespmem:v15+s2+$0x0], $0xffff;
	v13 =	vor.u32 v7, v13  }
0x136: {  	v15 =	vor.u32 $0x3, v44;
	_ =	sdelay $0x2  }
0x137: {  	v50 =	vadd.s32 s23, v32  }
0x138: {  	[tilespmem:v13+s18+$0x0] =	vst.idx.msk $0xffff, v14;
	v13 =	vand.u32 $0x780, v50  }
0x139: {  	v14 =	vld.idx.msk [tilespmem:v15+s2+$0x0], $0xffff;
	v13 =	vor.u32 v8, v13  }
0x13a: {  	v15 =	vor.u32 $0x4, v44;
	_ =	sdelay $0x2  }
0x13b: {  	v51 =	vadd.s32 s23, v33  }
0x13c: {  	[tilespmem:v13+s18+$0x0] =	vst.idx.msk $0xffff, v14;
	v13 =	vand.u32 $0x780, v51  }
0x13d: {  	v14 =	vld.idx.msk [tilespmem:v15+s2+$0x0], $0xffff;
	v13 =	vor.u32 v9, v13  }
0x13e: {  	v15 =	vor.u32 $0x5, v44;
	_ =	sdelay $0x2  }
0x13f: {  	v52 =	vadd.s32 s23, v34  }
0x140: {  	[tilespmem:v13+s18+$0x0] =	vst.idx.msk $0xffff, v14;
	v13 =	vand.u32 $0x780, v52  }
0x141: {  	v14 =	vld.idx.msk [tilespmem:v15+s2+$0x0], $0xffff;
	v13 =	vor.u32 v10, v13  }
0x142: {  	v15 =	vor.u32 $0x6, v44;
	_ =	sdelay $0x2  }
0x143: {  	v53 =	vadd.s32 s23, v35  }
0x144: {  	[tilespmem:v13+s18+$0x0] =	vst.idx.msk $0xffff, v14;
	v13 =	vand.u32 $0x780, v53  }
0x145: {  	v14 =	vld.idx.msk [tilespmem:v15+s2+$0x0], $0xffff;
	v13 =	vor.u32 v11, v13  }
0x146: {  	v15 =	vor.u32 $0x7, v44;
	_ =	sdelay $0x2  }
0x147: {  	v54 =	vadd.s32 s23, v36  }
0x148: {  	[tilespmem:v13+s18+$0x0] =	vst.idx.msk $0xffff, v14;
	v13 =	vand.u32 $0x780, v54;
	v14 =	vadd.s32 s23, v37  }
0x149: {  	v15 =	vld.idx.msk [tilespmem:v15+s2+$0x0], $0xffff;
	v13 =	vor.u32 v12, v13;
	v14 =	vand.u32 $0x780, v14  }
0x14a: {  	v42 =	vshll.u32 v42, $0x3;
	v14 =	vor.u32 v1, v14  }
0x14b: {  	v55 =	vor.u32 $0x1, v42;
	_ =	sdelay $0x1  }
0x14c: {  	vm15 =	vlt.s32 v41, $0x0;
	v56 =	vxor.u32 $0xFFFFFFFF, v41;
	v57 =	vand.u32 $0x7FFFFFFF, v41  }
0x14d: {  	[tilespmem:v13+s18+$0x0] =	vst.idx.msk $0xffff, v15;
	v13 =	vsel vm15, v57, v56;
	v15 =	vadd.s32 s23, v38  }
0x14e: {  	[tilespmem:v14+s18+$0x0] =	vst.idx.msk $0xffff, v13;
	v13 =	vand.u32 $0x780, v15  }
0x14f: {  	v14 =	vld.idx.msk [tilespmem:v55+s2+$0x0], $0xffff;
	v13 =	vor.u32 v6, v13  }
0x150: {  	v15 =	vor.u32 $0x2, v42;
	_ =	sdelay $0x2  }
0x151: {  	v58 =	vadd.s32 s23, v39  }
0x152: {  	[tilespmem:v13+s18+$0x0] =	vst.idx.msk $0xffff, v14;
	v13 =	vand.u32 $0x780, v58  }
0x153: {  	v14 =	vld.idx.msk [tilespmem:v15+s2+$0x0], $0xffff;
	v13 =	vor.u32 v7, v13  }
0x154: {  	v15 =	vor.u32 $0x3, v42;
	_ =	sdelay $0x2  }
0x155: {  	v59 =	vadd.s32 s23, v40  }
0x156: {  	[tilespmem:v13+s18+$0x0] =	vst.idx.msk $0xffff, v14;
	v13 =	vand.u32 $0x780, v59  }
0x157: {  	v14 =	vld.idx.msk [tilespmem:v15+s2+$0x0], $0xffff;
	v13 =	vor.u32 v8, v13  }
0x158: {  	v15 =	vor.u32 $0x4, v42;
	_ =	sdelay $0x1  }
0x159: {  	v60 =	vor.u32 $0x204, v1  }
0x15a: {  	v41 =	vadd.s32 s23, v60  }
0x15b: {  	[tilespmem:v13+s18+$0x0] =	vst.idx.msk $0xffff, v14;
	v13 =	vand.u32 $0x780, v41  }
0x15c: {  	v14 =	vld.idx.msk [tilespmem:v15+s2+$0x0], $0xffff;
	v13 =	vor.u32 v9, v13  }
0x15d: {  	v15 =	vor.u32 $0x5, v42;
	_ =	sdelay $0x1  }
0x15e: {  	v61 =	vor.u32 $0x205, v1  }
0x15f: {  	v41 =	vadd.s32 s23, v61  }
0x160: {  	[tilespmem:v13+s18+$0x0] =	vst.idx.msk $0xffff, v14;
	v13 =	vand.u32 $0x780, v41  }
0x161: {  	v14 =	vld.idx.msk [tilespmem:v15+s2+$0x0], $0xffff;
	v13 =	vor.u32 v10, v13  }
0x162: {  	v15 =	vor.u32 $0x6, v42;
	_ =	sdelay $0x1  }
0x163: {  	v62 =	vor.u32 $0x206, v1  }
0x164: {  	v41 =	vadd.s32 s23, v62  }
0x165: {  	[tilespmem:v13+s18+$0x0] =	vst.idx.msk $0xffff, v14;
	v13 =	vand.u32 $0x780, v41  }
0x166: {  	v14 =	vld.idx.msk [tilespmem:v15+s2+$0x0], $0xffff;
	v13 =	vor.u32 v11, v13  }
0x167: {  	v15 =	vor.u32 $0x7, v42;
	_ =	sdelay $0x1  }
0x168: {  	v63 =	vor.u32 $0x207, v1  }
0x169: {  	v41 =	vadd.s32 s23, v63  }
0x16a: {  	s30 =	sor.u32 s3, s21;
	[tilespmem:v13+s18+$0x0] =	vst.idx.msk $0xffff, v14;
	v13 =	vand.u32 $0x780, v41  }
0x16b: {  	s24 =	sshrl.u32 s30, $0x3;
	v14 =	vld.idx.msk [tilespmem:v15+s2+$0x0], $0xffff;
	v13 =	vor.u32 v12, v13  }
0x16c: {  	s31 =	sshll.u32 s21, $0x7;
	s24 =	smul.u32 $0x1400, s24  }
0x16d: {  	s21 =	sand.u32 $0x380, s31;
	p1 =	sne.s32 s22, $0x80  }
.Ltmp1:
0x16e: {  	s21 =	sor.u32 s21, s24;
	(pc) =	sbr.rel @p1 .LBB2_2-.Ltmp1, $4  }
0x16f: {  	s21 =	sshrl.u32 s21, $0x3  }
0x170: {  	s21 =	sadd.s32 s6, s21;
	s23 =	sadd.s32 $0xF180, s23;
	[tilespmem:v13+s18+$0x0] =	vst.idx.msk $0xffff, v14  }
0x171: {  	[hbm4b:s21+s12] =	stream.strided.scatter [tilespmem:s23], [sflag:$0x2], $0x280, s13, s12, $0x38;
	[tilespmem:$0xF680] =	vst v63  }
0x172: {  	p0 =	por !p0, !p0;
	s21 =	smov.u32 s22  }
0x173: {  	s20 =	sadd.s32 $0x1, s20  }
0x174: {  	_ =	swait.ge [sflag:s19], $0x280;
	p0 =	sne.s32 s20, s9  }
.Ltmp2:
0x175: {  	[sflag:s19] =	ssyncset.done $0x0;
	(pc) =	sbr.rel @p0 .LBB2_1-.Ltmp2, $4  }
0x176: {  	[sflag:s19] =	ssyncadd.s32 $0xFFFFFD80  }
0x177: {  	_ =	swait.ge [sflag:s19], $0x280  }
0x178: {  	[sflag:s19] =	ssyncset.done $0x0  }
0x179: {  	[sflag:s19] =	ssyncadd.s32 $0xFFFFFD80  }
0x17a: {  	_ =	sfence.sel $0x180000  }
0x17b: {  	[bflag:$0x0] =	sbarrier.arrive $0xFFFF  }
0x17c: {  	p0 =	sne.s32 s1, $0x0;
	_ =	strace $0x9000004A  }
0x17d: {  	s0 =	sadd.s32 @!p0 $0x100000, s0;
	[bflag:$0x2] =	sbarrier.arrive $0xFFFF  }
0x17e: {  	[sflag:s0] =	ssyncadd.tile.s32 @!p0 $0x1;
	_ =	shalt  }
.Lfunc_end2:
_tile_overlayer_lowered:
.L_overlay_start_2:
0x17f: {  	(tag) =	ssettag $0x2  }
0x180: {  	s0 =	rddreg [dreg:$0x0];
	s2 =	stileid.u32  }
0x181: {  	s1 =	rddreg [dreg:$0x1];
	p0 =	sne.s32 s2, $0x0  }
0x182: {  	s3 =	rddreg [dreg:$0x2];
	[bflag:$0x3] =	sbarrier.arrive $0xFFFF;
	s2 =	simm.s32 @!p0 $0x1C03  }
0x183: {  	[timem:s3], [sflag:s2] =	dma.local @!p0 [hbm:s0], s1  }
0x184: {  	s0 =	simm.s32 @!p0 $0x3  }
0x185: {  	_ =	swait.ge @!p0 [sflag:s0], s1  }
0x186: {  	s1 =	ssub.s32 @!p0 $0x0, s1;
	[sflag:s0] =	ssyncset.done @!p0 $0x0  }
0x187: {  	[sflag:s0] =	ssyncadd.s32 @!p0 s1  }
0x188: {  	[bflag:$0x3] =	sbarrier.arrive $0xFFFF  }
0x189: {  	_ =	shalt  }

</sc_bundles>
